<compile_context>
chip_gen: v7x
topology: tpu7x:2x2x1
jax: 0.10.2.dev20260603
libtpu: 0.0.44.dev20260713+nightly
codegen_flags: <defaults>
</compile_context>

<pallas_src>
import functools

import jax
import jax.numpy as jnp
from jax import lax
from jax.experimental import pallas as pl
from jax.experimental.pallas import tpu as pltpu
from jax.experimental.pallas import tpu_sc as plsc

NC = 2
NS = 16
K = 125
NBUF = 5


def _make_sc_aggregate(N, F2, CH, with_deg, strip_mode, stacked_table=False):
    chunks = CH // NS if strip_mode else CH // (NC * NS)
    half = chunks // 2
    rows_per_tile = (N // NS) // 8 * 8
    tail_rows = N - NS * rows_per_tile
    tail_base = NS * rows_per_tile
    mesh = plsc.VectorSubcoreMesh(core_axis_name="c", subcore_axis_name="s")

    out_type = [jax.ShapeDtypeStruct((N, NC * F2), jnp.float32)]
    scratch = [pltpu.VMEM((chunks, K), jnp.int32),
               pltpu.VMEM((chunks, K), jnp.int32)]
    scratch += [pltpu.VMEM((K, F2), jnp.float32) for _ in range(NBUF)]
    scratch += [pltpu.VMEM_SHARED((N, F2), jnp.float32)]
    scratch += [pltpu.SemaphoreType.DMA for _ in range(2 * NBUF)]
    if with_deg:
        out_type.append(jax.ShapeDtypeStruct((NC, N), jnp.float32))
        scratch += [
            pltpu.VMEM((128,), jnp.float32),
            pltpu.VMEM_SHARED((N,), jnp.float32),
        ]

    def _agg_body(t_hbm, src_hbm, dst_hbm, z2_hbm, out_hbm,
                  src_v, dst_v, bufs, acc, gsems, ssems,
                  z1_hbm=None, deg_hbm=None, ones_v=None, dacc=None):
        c = lax.axis_index("c")
        s = lax.axis_index("s")
        strip = c if strip_mode else 0
        chunk0 = (s if strip_mode else c * NS + s) * chunks
        t_ref = t_hbm.at[c] if stacked_table else t_hbm

        def gather_issue(i, b):
            pltpu.async_copy(t_ref.at[src_v.at[i]], bufs[b], gsems[b])

        def gather_wait(i, b):
            pltpu.make_async_copy(t_ref.at[src_v.at[i]], bufs[b],
                                  gsems[b]).wait()

        DIAG_NO_SCATTER = True

        def scatter_issue(i, b):
            if DIAG_NO_SCATTER:
                return
            pltpu.async_copy(bufs[b], acc.at[dst_v.at[i]], ssems[b], add=True)

        def scatter_wait(i, b):
            if DIAG_NO_SCATTER:
                return
            pltpu.make_async_copy(bufs[b], acc.at[dst_v.at[i]],
                                  ssems[b]).wait()

        if stacked_table:
            pltpu.sync_copy(src_hbm.at[pl.ds(chunk0, chunks)], src_v)
        else:
            pltpu.sync_copy(src_hbm.at[strip, pl.ds(chunk0, chunks)], src_v)
        for b in range(NBUF):
            gather_issue(b, b)
        pltpu.sync_copy(dst_hbm.at[pl.ds(chunk0, chunks)], dst_v)
        pltpu.sync_copy(z2_hbm.at[pl.ds(s * rows_per_tile, rows_per_tile)],
                        acc.at[pl.ds(s * rows_per_tile, rows_per_tile)])
        if tail_rows:
            @pl.when(s == NS - 1)
            def _():
                pltpu.sync_copy(z2_hbm.at[pl.ds(tail_base, tail_rows)],
                                acc.at[pl.ds(tail_base, tail_rows)])
        if dacc is not None:
            @pl.when(s == 0)
            def _():
                pltpu.sync_copy(z1_hbm, dacc)
            for j in range(8):
                ones_v[pl.ds(j * 16, 16)] = jnp.ones((16,), jnp.float32)
        plsc.subcore_barrier()

        def step(i2, carry):
            for b in range(NBUF):
                i = i2 * NBUF + b
                gather_wait(i, b)
                scatter_issue(i, b)
                if dacc is not None:
                    in_my_half = jnp.where(c == 0, i < half, i >= half)

                    @pl.when(in_my_half)
                    def _():
                        pltpu.sync_copy(ones_v.at[pl.ds(0, K)],
                                        dacc.at[dst_v.at[i]], add=True)
                pb = (b - 1) % NBUF

                @pl.when(i >= 1)
                def _():
                    scatter_wait(i - 1, pb)

                @pl.when(jnp.logical_and(i >= 1, i - 1 + NBUF < chunks))
                def _():
                    gather_issue(i - 1 + NBUF, pb)
            return carry

        lax.fori_loop(0, chunks // NBUF, step, 0)
        scatter_wait(chunks - 1, (chunks - 1) % NBUF)
        plsc.subcore_barrier()
        out_cols = out_hbm.at[:, pl.ds(c * F2, F2)]
        pltpu.sync_copy(acc.at[pl.ds(s * rows_per_tile, rows_per_tile)],
                        out_cols.at[pl.ds(s * rows_per_tile, rows_per_tile)])
        if tail_rows:
            @pl.when(s == NS - 1)
            def _():
                pltpu.sync_copy(acc.at[pl.ds(tail_base, tail_rows)],
                                out_cols.at[pl.ds(tail_base, tail_rows)])
        if dacc is not None:
            @pl.when(s == 0)
            def _():
                pltpu.sync_copy(dacc, deg_hbm.at[c])

    if with_deg:
        def body(t_hbm, src_hbm, dst_hbm, z2_hbm, z1_hbm, out_hbm, deg_hbm,
                 src_v, dst_v, *rest):
            bufs = rest[:NBUF]
            acc = rest[NBUF]
            gsems = rest[NBUF + 1:NBUF + 1 + NBUF]
            ssems = rest[NBUF + 1 + NBUF:NBUF + 1 + 2 * NBUF]
            ones_v, dacc = rest[-2], rest[-1]
            _agg_body(t_hbm, src_hbm, dst_hbm, z2_hbm, out_hbm,
                      src_v, dst_v, bufs, acc, gsems, ssems,
                      z1_hbm=z1_hbm, deg_hbm=deg_hbm, ones_v=ones_v,
                      dacc=dacc)
    else:
        def body(t_hbm, src_hbm, dst_hbm, z2_hbm, out_hbm,
                 src_v, dst_v, *rest):
            bufs = rest[:NBUF]
            acc = rest[NBUF]
            gsems = rest[NBUF + 1:NBUF + 1 + NBUF]
            ssems = rest[NBUF + 1 + NBUF:NBUF + 1 + 2 * NBUF]
            _agg_body(t_hbm, src_hbm, dst_hbm, z2_hbm, out_hbm,
                      src_v, dst_v, bufs, acc, gsems, ssems)

    return pl.kernel(body, out_type=tuple(out_type), mesh=mesh,
                     scratch_types=scratch,
                     compiler_params=pltpu.CompilerParams(
                         use_tc_tiling_on_sc=False))


def _tc_layer(h, agg, deg2, W_self, W_neigh, b, gamma, beta, apply_ln,
              sum_halves, W_pre):
    N, Fin = h.shape
    Fout = W_self.shape[1]
    BLK = 2000
    grid = (N // BLK,)
    F2 = Fin // 2

    def body(h_ref, p_ref, d_ref, ws_ref, wn_ref, b_ref, g_ref, be_ref,
             wp_ref, *outs):
        hb = h_ref[...]
        deg = jnp.sum(d_ref[...], axis=1, keepdims=True)
        inv = 1.0 / jnp.maximum(deg, 1.0)
        p = p_ref[...]
        z = jnp.dot(hb, ws_ref[...], preferred_element_type=jnp.float32)
        if sum_halves:
            agg = (p[:, :F2] + p[:, F2:])[:, :Fout]
            z = z + agg * inv
        else:
            z = z + jnp.dot(p * inv, wn_ref[...],
                            preferred_element_type=jnp.float32)
        z = z + b_ref[...]
        if apply_ln:
            mu = jnp.mean(z, axis=-1, keepdims=True)
            var = jnp.mean((z - mu) ** 2, axis=-1, keepdims=True)
            z = (z - mu) * lax.rsqrt(var + 1e-5) * g_ref[...] + be_ref[...]
            z = jnp.maximum(z, 0.0)
        outs[0][...] = z
        if len(outs) > 1:
            outs[1][...] = jnp.dot(z, wp_ref[...],
                                   preferred_element_type=jnp.float32)

    n_out = 2 if W_pre is not None else 1
    wp = W_pre if W_pre is not None else jnp.zeros((Fout, 8), jnp.float32)
    out_shape = [jax.ShapeDtypeStruct((N, Fout), jnp.float32)]
    out_specs = [pl.BlockSpec((BLK, Fout), lambda i: (i, 0))]
    if n_out == 2:
        out_shape.append(jax.ShapeDtypeStruct((N, wp.shape[1]), jnp.float32))
        out_specs.append(pl.BlockSpec((BLK, wp.shape[1]), lambda i: (i, 0)))

    res = pl.pallas_call(
        body,
        grid=grid,
        in_specs=[
            pl.BlockSpec((BLK, Fin), lambda i: (i, 0)),
            pl.BlockSpec((BLK, Fin), lambda i: (i, 0)),
            pl.BlockSpec((BLK, NC), lambda i: (i, 0)),
            pl.BlockSpec((Fin, Fout), lambda i: (0, 0)),
            pl.BlockSpec((Fin, Fout), lambda i: (0, 0)),
            pl.BlockSpec((1, Fout), lambda i: (0, 0)),
            pl.BlockSpec((1, Fout), lambda i: (0, 0)),
            pl.BlockSpec((1, Fout), lambda i: (0, 0)),
            pl.BlockSpec(wp.shape, lambda i: (0, 0)),
        ],
        out_specs=out_specs,
        out_shape=out_shape,
    )(h, agg, deg2, W_self, W_neigh, b, gamma, beta, wp)
    return res


def kernel(x, edge_index, W_self0, W_neigh0, b0, W_self1, W_neigh1, b1,
           W_self2, W_neigh2, b2, gamma0, beta0, gamma1, beta1):
    N, D = x.shape
    E = edge_index.shape[1]
    H = W_self0.shape[1]
    C = W_self2.shape[1]
    F2 = D // NC
    CH = E // K
    assert E % K == 0 and CH % (NC * NS) == 0

    src1 = edge_index[0].astype(jnp.int32).reshape(CH, K)
    src2d = jnp.stack([2 * src1, 2 * src1 + 1])
    dst2d = edge_index[1].astype(jnp.int32).reshape(CH, K)
    z2 = jnp.zeros((N, F2), jnp.float32)
    z1 = jnp.zeros((N,), jnp.float32)

    agg0_k = _make_sc_aggregate(N, F2, CH, with_deg=True, strip_mode=True)
    agg_k = _make_sc_aggregate(N, F2, CH, with_deg=False, strip_mode=True)
    agg2_k = _make_sc_aggregate(N, F2, CH, with_deg=False, strip_mode=False)

    parts0, deg_parts = agg0_k(x.reshape(NC * N, F2), src2d, dst2d, z2, z1)
    deg2 = deg_parts.T

    b0r, b1r = b0.reshape(1, -1), b1.reshape(1, -1)
    g0r, be0r = gamma0.reshape(1, -1), beta0.reshape(1, -1)
    g1r, be1r = gamma1.reshape(1, -1), beta1.reshape(1, -1)

    Wn2p = jnp.pad(W_neigh2, ((0, 0), (0, H - C)))
    b2r = b2.reshape(1, -1)
    ones_r = jnp.ones((1, C), jnp.float32)
    zeros_r = jnp.zeros((1, C), jnp.float32)

    (h1,) = _tc_layer(x, parts0, deg2, W_self0, W_neigh0, b0r, g0r, be0r,
                      True, False, None)
    (parts1,) = agg_k(h1.reshape(NC * N, F2), src2d, dst2d, z2)
    h2, t2 = _tc_layer(h1, parts1, deg2, W_self1, W_neigh1, b1r, g1r,
                       be1r, True, False, Wn2p)
    (parts2,) = agg2_k(t2.reshape(NC * N, F2), src2d, dst2d, z2)
    (out,) = _tc_layer(h2, parts2, deg2, W_self2, W_neigh2, b2r, ones_r,
                       zeros_r, False, True, None)
    return out

# --- scband reference (transcript-rebuilt; emitter-appended) ---
"""Pipeline reference for scband-sage-three-layers-23235773072077 (READ-ONLY COPY).

The authoritative reference and input builder live on the scoring server;
editing this copy changes nothing except your own understanding.
"""

import jax, jax.numpy as jnp
import numpy as np

N = 10000
E = 320000
D = 128
H = 128
C = 47


def _layer_norm(h, gamma, beta, eps=1e-5):
    mu = jnp.mean(h, axis=-1, keepdims=True)
    var = jnp.mean((h - mu) ** 2, axis=-1, keepdims=True)
    return (h - mu) / jnp.sqrt(var + eps) * gamma + beta


def _sage_layer(h, src, dst, W_self, W_neigh, b):
    # DGL SAGEConv with 'mean' aggregation:
    # h_neigh = mean over incoming-edge source features; out = h_dst @ W_self + h_neigh @ W_neigh + b
    msg = h[src]
    summed = jax.ops.segment_sum(msg, dst, num_segments=N)
    deg = jax.ops.segment_sum(jnp.ones((msg.shape[0],), dtype=h.dtype), dst, num_segments=N)
    h_neigh = summed / jnp.clip(deg, 1.0)[:, None]
    return h @ W_self + h_neigh @ W_neigh + b


def setup_inputs(seed: int = 0) -> dict:
    key = jax.random.key(seed)
    ks = jax.random.split(key, 20)
    x = jax.random.normal(ks[0], (N, D), dtype=jnp.float32)
    edge_index = jax.random.randint(ks[1], (2, E), 0, N)
    s_d = 1.0 / np.sqrt(D)
    s_h = 1.0 / np.sqrt(H)
    return {
        "x": x,
        "edge_index": edge_index,
        "W_self0": jax.random.normal(ks[2], (D, H), dtype=jnp.float32) * s_d,
        "W_neigh0": jax.random.normal(ks[3], (D, H), dtype=jnp.float32) * s_d,
        "b0": jnp.zeros((H,), dtype=jnp.float32),
        "W_self1": jax.random.normal(ks[4], (H, H), dtype=jnp.float32) * s_h,
        "W_neigh1": jax.random.normal(ks[5], (H, H), dtype=jnp.float32) * s_h,
        "b1": jnp.zeros((H,), dtype=jnp.float32),
        "W_self2": jax.random.normal(ks[6], (H, C), dtype=jnp.float32) * s_h,
        "W_neigh2": jax.random.normal(ks[7], (H, C), dtype=jnp.float32) * s_h,
        "b2": jnp.zeros((C,), dtype=jnp.float32),
        "gamma0": jnp.ones((H,), dtype=jnp.float32),
        "beta0": jnp.zeros((H,), dtype=jnp.float32),
        "gamma1": jnp.ones((H,), dtype=jnp.float32),
        "beta1": jnp.zeros((H,), dtype=jnp.float32),
    }


def reference(x, edge_index, W_self0, W_neigh0, b0, W_self1, W_neigh1, b1, W_self2, W_neigh2, b2, gamma0, beta0, gamma1, beta1):
    src = edge_index[0]
    dst = edge_index[1]
    h = _sage_layer(x, src, dst, W_self0, W_neigh0, b0)
    h = _layer_norm(h, gamma0, beta0)
    h = jax.nn.relu(h)
    h = _sage_layer(h, src, dst, W_self1, W_neigh1, b1)
    h = _layer_norm(h, gamma1, beta1)
    h = jax.nn.relu(h)
    h = _sage_layer(h, src, dst, W_self2, W_neigh2, b2)
    return h

if __name__ == "__main__":
    import jax
    _d = setup_inputs()
    print(jax.jit(kernel)(*tuple(_d.values())))

</pallas_src>

<mosaic_0001>
#map = affine_map<(d0, d1) -> (0, 0)>
#map1 = affine_map<(d0, d1) -> (0, 0, 0)>
#map2 = affine_map<(d0, d1) -> (0)>
module attributes {stable_mosaic.version = 14 : i64} {
  func.func @body(%arg0: i32, %arg1: i32, %arg2: memref<20000x64xf32, #tpu.memory_space<hbm>>, %arg3: memref<2x2560x125xi32, #tpu.memory_space<hbm>>, %arg4: memref<2560x125xi32, #tpu.memory_space<hbm>>, %arg5: memref<10000x64xf32, #tpu.memory_space<hbm>>, %arg6: memref<10000xf32, #tpu.memory_space<hbm>>, %arg7: memref<10000x128xf32, #tpu.memory_space<hbm>>, %arg8: memref<2x10000xf32, #tpu.memory_space<hbm>>, %arg9: memref<160x125xi32, #tpu.memory_space<vmem>>, %arg10: memref<160x125xi32, #tpu.memory_space<vmem>>, %arg11: memref<125x64xf32, #tpu.memory_space<vmem>>, %arg12: memref<125x64xf32, #tpu.memory_space<vmem>>, %arg13: memref<125x64xf32, #tpu.memory_space<vmem>>, %arg14: memref<125x64xf32, #tpu.memory_space<vmem>>, %arg15: memref<125x64xf32, #tpu.memory_space<vmem>>, %arg16: memref<10000x64xf32, #tpu.memory_space<vmem_shared>>, %arg17: memref<!tpu.dma_semaphore, #tpu.memory_space<semaphore_mem>>, %arg18: memref<!tpu.dma_semaphore, #tpu.memory_space<semaphore_mem>>, %arg19: memref<!tpu.dma_semaphore, #tpu.memory_space<semaphore_mem>>, %arg20: memref<!tpu.dma_semaphore, #tpu.memory_space<semaphore_mem>>, %arg21: memref<!tpu.dma_semaphore, #tpu.memory_space<semaphore_mem>>, %arg22: memref<!tpu.dma_semaphore, #tpu.memory_space<semaphore_mem>>, %arg23: memref<!tpu.dma_semaphore, #tpu.memory_space<semaphore_mem>>, %arg24: memref<!tpu.dma_semaphore, #tpu.memory_space<semaphore_mem>>, %arg25: memref<!tpu.dma_semaphore, #tpu.memory_space<semaphore_mem>>, %arg26: memref<!tpu.dma_semaphore, #tpu.memory_space<semaphore_mem>>, %arg27: memref<128xf32, #tpu.memory_space<vmem>>, %arg28: memref<10000xf32, #tpu.memory_space<vmem_shared>>) attributes {dimension_semantics = [#tpu.dimension_semantics<core_parallel>, #tpu.dimension_semantics<subcore_parallel>], iteration_bounds = array<i64: 2, 16>, scalar_prefetch = 0 : i64, scratch_operands = 20 : i64, tpu.core_type = #tpu.core_type<sc_vector_subcore>, window_params = [{transform_indices = #map}, {transform_indices = #map1}, {transform_indices = #map}, {transform_indices = #map}, {transform_indices = #map2}, {transform_indices = #map}, {transform_indices = #map}]} {
    %mul3A = arith.constant 160 : i32
    %mul3A_0 = arith.muli %arg1, %mul3A : i32
    "tpu.region"() ({
      %run_scoped3A = tpu.sem_alloc : memref<!tpu.dma_semaphore, #tpu.memory_space<semaphore_mem>>
      %dma_start3A_114 = arith.constant 0 : i32
      %dma_start3A_115 = tpu.memref_slice %arg3[%arg0, %mul3A_0, %dma_start3A_114] : memref<2x2560x125xi32, #tpu.memory_space<hbm>> -> memref<1x160x125xi32, #tpu.memory_space<hbm>>
      %dma_start3A_116 = tpu.memref_squeeze %dma_start3A_115 : memref<1x160x125xi32, #tpu.memory_space<hbm>> -> memref<160x125xi32, #tpu.memory_space<hbm>>
      %dma_start3A_117 = arith.constant 0 : i32
      %dma_start3A_118 = tpu.memref_slice %arg3[%arg0, %mul3A_0, %dma_start3A_117] : memref<2x2560x125xi32, #tpu.memory_space<hbm>> -> memref<1x160x125xi32, #tpu.memory_space<hbm>>
      %dma_start3A_119 = tpu.memref_squeeze %dma_start3A_118 : memref<1x160x125xi32, #tpu.memory_space<hbm>> -> memref<160x125xi32, #tpu.memory_space<hbm>>
      tpu.enqueue_dma source(%dma_start3A_119 : memref<160x125xi32, #tpu.memory_space<hbm>>) target(%arg9 : memref<160x125xi32, #tpu.memory_space<vmem>>) target_semaphore(%run_scoped3A : memref<!tpu.dma_semaphore, #tpu.memory_space<semaphore_mem>>)
      %dma_wait3A = arith.constant 0 : i32
      %dma_wait3A_120 = tpu.memref_slice %arg3[%arg0, %mul3A_0, %dma_wait3A] : memref<2x2560x125xi32, #tpu.memory_space<hbm>> -> memref<1x160x125xi32, #tpu.memory_space<hbm>>
      %dma_wait3A_121 = tpu.memref_squeeze %dma_wait3A_120 : memref<1x160x125xi32, #tpu.memory_space<hbm>> -> memref<160x125xi32, #tpu.memory_space<hbm>>
      %dma_wait3A_122 = arith.constant 0 : i32
      %dma_wait3A_123 = tpu.memref_slice %arg3[%arg0, %mul3A_0, %dma_wait3A_122] : memref<2x2560x125xi32, #tpu.memory_space<hbm>> -> memref<1x160x125xi32, #tpu.memory_space<hbm>>
      %dma_wait3A_124 = tpu.memref_squeeze %dma_wait3A_123 : memref<1x160x125xi32, #tpu.memory_space<hbm>> -> memref<160x125xi32, #tpu.memory_space<hbm>>
      tpu.wait_dma2 semaphore(%run_scoped3A : memref<!tpu.dma_semaphore, #tpu.memory_space<semaphore_mem>>) src(%dma_wait3A_124 : memref<160x125xi32, #tpu.memory_space<hbm>>) dst(%arg9 : memref<160x125xi32, #tpu.memory_space<vmem>>)
      tpu.yield
    }) : () -> ()
    %dma_start3A = arith.constant 0 : i32
    %dma_start3A_1 = arith.constant 0 : i32
    %dma_start3A_2 = tpu.memref_slice %arg9[%dma_start3A, %dma_start3A_1] : memref<160x125xi32, #tpu.memory_space<vmem>> -> memref<1x125xi32, #tpu.memory_space<vmem>>
    %dma_start3A_3 = tpu.memref_squeeze %dma_start3A_2 : memref<1x125xi32, #tpu.memory_space<vmem>> -> memref<125xi32, #tpu.memory_space<vmem>>
    %dma_start3A_4 = arith.constant 0 : i32
    %dma_start3A_5 = arith.constant 0 : i32
    %dma_start3A_6 = tpu.memref_slice %arg2[%dma_start3A_4, %dma_start3A_5] : memref<20000x64xf32, #tpu.memory_space<hbm>> -> memref<20000x64xf32, #tpu.memory_space<hbm>>
    tpu.enqueue_indirect_dma source(%dma_start3A_6 : memref<20000x64xf32, #tpu.memory_space<hbm>>) target(%arg11 : memref<125x64xf32, #tpu.memory_space<vmem>>) offsets(%dma_start3A_3 : memref<125xi32, #tpu.memory_space<vmem>>) semaphore(%arg17 : memref<!tpu.dma_semaphore, #tpu.memory_space<semaphore_mem>>)
    %dma_start3A_7 = arith.constant 1 : i32
    %dma_start3A_8 = arith.constant 0 : i32
    %dma_start3A_9 = tpu.memref_slice %arg9[%dma_start3A_7, %dma_start3A_8] : memref<160x125xi32, #tpu.memory_space<vmem>> -> memref<1x125xi32, #tpu.memory_space<vmem>>
    %dma_start3A_10 = tpu.memref_squeeze %dma_start3A_9 : memref<1x125xi32, #tpu.memory_space<vmem>> -> memref<125xi32, #tpu.memory_space<vmem>>
    %dma_start3A_11 = arith.constant 0 : i32
    %dma_start3A_12 = arith.constant 0 : i32
    %dma_start3A_13 = tpu.memref_slice %arg2[%dma_start3A_11, %dma_start3A_12] : memref<20000x64xf32, #tpu.memory_space<hbm>> -> memref<20000x64xf32, #tpu.memory_space<hbm>>
    tpu.enqueue_indirect_dma source(%dma_start3A_13 : memref<20000x64xf32, #tpu.memory_space<hbm>>) target(%arg12 : memref<125x64xf32, #tpu.memory_space<vmem>>) offsets(%dma_start3A_10 : memref<125xi32, #tpu.memory_space<vmem>>) semaphore(%arg18 : memref<!tpu.dma_semaphore, #tpu.memory_space<semaphore_mem>>)
    %dma_start3A_14 = arith.constant 2 : i32
    %dma_start3A_15 = arith.constant 0 : i32
    %dma_start3A_16 = tpu.memref_slice %arg9[%dma_start3A_14, %dma_start3A_15] : memref<160x125xi32, #tpu.memory_space<vmem>> -> memref<1x125xi32, #tpu.memory_space<vmem>>
    %dma_start3A_17 = tpu.memref_squeeze %dma_start3A_16 : memref<1x125xi32, #tpu.memory_space<vmem>> -> memref<125xi32, #tpu.memory_space<vmem>>
    %dma_start3A_18 = arith.constant 0 : i32
    %dma_start3A_19 = arith.constant 0 : i32
    %dma_start3A_20 = tpu.memref_slice %arg2[%dma_start3A_18, %dma_start3A_19] : memref<20000x64xf32, #tpu.memory_space<hbm>> -> memref<20000x64xf32, #tpu.memory_space<hbm>>
    tpu.enqueue_indirect_dma source(%dma_start3A_20 : memref<20000x64xf32, #tpu.memory_space<hbm>>) target(%arg13 : memref<125x64xf32, #tpu.memory_space<vmem>>) offsets(%dma_start3A_17 : memref<125xi32, #tpu.memory_space<vmem>>) semaphore(%arg19 : memref<!tpu.dma_semaphore, #tpu.memory_space<semaphore_mem>>)
    %dma_start3A_21 = arith.constant 3 : i32
    %dma_start3A_22 = arith.constant 0 : i32
    %dma_start3A_23 = tpu.memref_slice %arg9[%dma_start3A_21, %dma_start3A_22] : memref<160x125xi32, #tpu.memory_space<vmem>> -> memref<1x125xi32, #tpu.memory_space<vmem>>
    %dma_start3A_24 = tpu.memref_squeeze %dma_start3A_23 : memref<1x125xi32, #tpu.memory_space<vmem>> -> memref<125xi32, #tpu.memory_space<vmem>>
    %dma_start3A_25 = arith.constant 0 : i32
    %dma_start3A_26 = arith.constant 0 : i32
    %dma_start3A_27 = tpu.memref_slice %arg2[%dma_start3A_25, %dma_start3A_26] : memref<20000x64xf32, #tpu.memory_space<hbm>> -> memref<20000x64xf32, #tpu.memory_space<hbm>>
    tpu.enqueue_indirect_dma source(%dma_start3A_27 : memref<20000x64xf32, #tpu.memory_space<hbm>>) target(%arg14 : memref<125x64xf32, #tpu.memory_space<vmem>>) offsets(%dma_start3A_24 : memref<125xi32, #tpu.memory_space<vmem>>) semaphore(%arg20 : memref<!tpu.dma_semaphore, #tpu.memory_space<semaphore_mem>>)
    %dma_start3A_28 = arith.constant 4 : i32
    %dma_start3A_29 = arith.constant 0 : i32
    %dma_start3A_30 = tpu.memref_slice %arg9[%dma_start3A_28, %dma_start3A_29] : memref<160x125xi32, #tpu.memory_space<vmem>> -> memref<1x125xi32, #tpu.memory_space<vmem>>
    %dma_start3A_31 = tpu.memref_squeeze %dma_start3A_30 : memref<1x125xi32, #tpu.memory_space<vmem>> -> memref<125xi32, #tpu.memory_space<vmem>>
    %dma_start3A_32 = arith.constant 0 : i32
    %dma_start3A_33 = arith.constant 0 : i32
    %dma_start3A_34 = tpu.memref_slice %arg2[%dma_start3A_32, %dma_start3A_33] : memref<20000x64xf32, #tpu.memory_space<hbm>> -> memref<20000x64xf32, #tpu.memory_space<hbm>>
    tpu.enqueue_indirect_dma source(%dma_start3A_34 : memref<20000x64xf32, #tpu.memory_space<hbm>>) target(%arg15 : memref<125x64xf32, #tpu.memory_space<vmem>>) offsets(%dma_start3A_31 : memref<125xi32, #tpu.memory_space<vmem>>) semaphore(%arg21 : memref<!tpu.dma_semaphore, #tpu.memory_space<semaphore_mem>>)
    "tpu.region"() ({
      %run_scoped3A = tpu.sem_alloc : memref<!tpu.dma_semaphore, #tpu.memory_space<semaphore_mem>>
      %dma_start3A_114 = arith.constant 0 : i32
      %dma_start3A_115 = tpu.memref_slice %arg4[%mul3A_0, %dma_start3A_114] : memref<2560x125xi32, #tpu.memory_space<hbm>> -> memref<160x125xi32, #tpu.memory_space<hbm>>
      %dma_start3A_116 = arith.constant 0 : i32
      %dma_start3A_117 = tpu.memref_slice %arg4[%mul3A_0, %dma_start3A_116] : memref<2560x125xi32, #tpu.memory_space<hbm>> -> memref<160x125xi32, #tpu.memory_space<hbm>>
      tpu.enqueue_dma source(%dma_start3A_117 : memref<160x125xi32, #tpu.memory_space<hbm>>) target(%arg10 : memref<160x125xi32, #tpu.memory_space<vmem>>) target_semaphore(%run_scoped3A : memref<!tpu.dma_semaphore, #tpu.memory_space<semaphore_mem>>)
      %dma_wait3A = arith.constant 0 : i32
      %dma_wait3A_118 = tpu.memref_slice %arg4[%mul3A_0, %dma_wait3A] : memref<2560x125xi32, #tpu.memory_space<hbm>> -> memref<160x125xi32, #tpu.memory_space<hbm>>
      %dma_wait3A_119 = arith.constant 0 : i32
      %dma_wait3A_120 = tpu.memref_slice %arg4[%mul3A_0, %dma_wait3A_119] : memref<2560x125xi32, #tpu.memory_space<hbm>> -> memref<160x125xi32, #tpu.memory_space<hbm>>
      tpu.wait_dma2 semaphore(%run_scoped3A : memref<!tpu.dma_semaphore, #tpu.memory_space<semaphore_mem>>) src(%dma_wait3A_120 : memref<160x125xi32, #tpu.memory_space<hbm>>) dst(%arg10 : memref<160x125xi32, #tpu.memory_space<vmem>>)
      tpu.yield
    }) : () -> ()
    %mul3A_35 = arith.constant 624 : i32
    %mul3A_36 = arith.muli %arg1, %mul3A_35 : i32
    %mul3A_37 = arith.constant 624 : i32
    %mul3A_38 = arith.muli %arg1, %mul3A_37 : i32
    "tpu.region"() ({
      %run_scoped3A = tpu.sem_alloc : memref<!tpu.dma_semaphore, #tpu.memory_space<semaphore_mem>>
      %dma_start3A_114 = arith.constant 0 : i32
      %dma_start3A_115 = tpu.memref_slice %arg16[%mul3A_38, %dma_start3A_114] : memref<10000x64xf32, #tpu.memory_space<vmem_shared>> -> memref<624x64xf32, #tpu.memory_space<vmem_shared>>
      %dma_start3A_116 = arith.constant 0 : i32
      %dma_start3A_117 = tpu.memref_slice %arg5[%mul3A_36, %dma_start3A_116] : memref<10000x64xf32, #tpu.memory_space<hbm>> -> memref<624x64xf32, #tpu.memory_space<hbm>>
      tpu.enqueue_dma source(%dma_start3A_117 : memref<624x64xf32, #tpu.memory_space<hbm>>) target(%dma_start3A_115 : memref<624x64xf32, #tpu.memory_space<vmem_shared>>) target_semaphore(%run_scoped3A : memref<!tpu.dma_semaphore, #tpu.memory_space<semaphore_mem>>)
      %dma_wait3A = arith.constant 0 : i32
      %dma_wait3A_118 = tpu.memref_slice %arg16[%mul3A_38, %dma_wait3A] : memref<10000x64xf32, #tpu.memory_space<vmem_shared>> -> memref<624x64xf32, #tpu.memory_space<vmem_shared>>
      %dma_wait3A_119 = arith.constant 0 : i32
      %dma_wait3A_120 = tpu.memref_slice %arg5[%mul3A_36, %dma_wait3A_119] : memref<10000x64xf32, #tpu.memory_space<hbm>> -> memref<624x64xf32, #tpu.memory_space<hbm>>
      tpu.wait_dma2 semaphore(%run_scoped3A : memref<!tpu.dma_semaphore, #tpu.memory_space<semaphore_mem>>) src(%dma_wait3A_120 : memref<624x64xf32, #tpu.memory_space<hbm>>) dst(%dma_wait3A_118 : memref<624x64xf32, #tpu.memory_space<vmem_shared>>)
      tpu.yield
    }) : () -> ()
    %eq3A = arith.constant 15 : i32
    %eq3A_39 = arith.cmpi eq, %arg1, %eq3A : i32
    %convert_element_type3A = arith.extui %eq3A_39 : i1 to i32
    %cond3A = arith.constant 0 : i32
    %cond3A_40 = arith.cmpi ne, %convert_element_type3A, %cond3A : i32
    scf.if %cond3A_40 {
      "tpu.region"() ({
        %run_scoped3A = tpu.sem_alloc : memref<!tpu.dma_semaphore, #tpu.memory_space<semaphore_mem>>
        %dma_start3A_114 = arith.constant 9984 : i32
        %dma_start3A_115 = arith.constant 0 : i32
        %dma_start3A_116 = tpu.memref_slice %arg16[%dma_start3A_114, %dma_start3A_115] : memref<10000x64xf32, #tpu.memory_space<vmem_shared>> -> memref<16x64xf32, #tpu.memory_space<vmem_shared>>
        %dma_start3A_117 = arith.constant 9984 : i32
        %dma_start3A_118 = arith.constant 0 : i32
        %dma_start3A_119 = tpu.memref_slice %arg5[%dma_start3A_117, %dma_start3A_118] : memref<10000x64xf32, #tpu.memory_space<hbm>> -> memref<16x64xf32, #tpu.memory_space<hbm>>
        tpu.enqueue_dma source(%dma_start3A_119 : memref<16x64xf32, #tpu.memory_space<hbm>>) target(%dma_start3A_116 : memref<16x64xf32, #tpu.memory_space<vmem_shared>>) target_semaphore(%run_scoped3A : memref<!tpu.dma_semaphore, #tpu.memory_space<semaphore_mem>>)
        %dma_wait3A = arith.constant 9984 : i32
        %dma_wait3A_120 = arith.constant 0 : i32
        %dma_wait3A_121 = tpu.memref_slice %arg16[%dma_wait3A, %dma_wait3A_120] : memref<10000x64xf32, #tpu.memory_space<vmem_shared>> -> memref<16x64xf32, #tpu.memory_space<vmem_shared>>
        %dma_wait3A_122 = arith.constant 9984 : i32
        %dma_wait3A_123 = arith.constant 0 : i32
        %dma_wait3A_124 = tpu.memref_slice %arg5[%dma_wait3A_122, %dma_wait3A_123] : memref<10000x64xf32, #tpu.memory_space<hbm>> -> memref<16x64xf32, #tpu.memory_space<hbm>>
        tpu.wait_dma2 semaphore(%run_scoped3A : memref<!tpu.dma_semaphore, #tpu.memory_space<semaphore_mem>>) src(%dma_wait3A_124 : memref<16x64xf32, #tpu.memory_space<hbm>>) dst(%dma_wait3A_121 : memref<16x64xf32, #tpu.memory_space<vmem_shared>>)
        tpu.yield
      }) : () -> ()
    } else {
    }
    %eq3A_41 = arith.constant 0 : i32
    %eq3A_42 = arith.cmpi eq, %arg1, %eq3A_41 : i32
    %convert_element_type3A_43 = arith.extui %eq3A_42 : i1 to i32
    %cond3A_44 = arith.constant 0 : i32
    %cond3A_45 = arith.cmpi ne, %convert_element_type3A_43, %cond3A_44 : i32
    scf.if %cond3A_45 {
      "tpu.region"() ({
        %run_scoped3A = tpu.sem_alloc : memref<!tpu.dma_semaphore, #tpu.memory_space<semaphore_mem>>
        tpu.enqueue_dma source(%arg6 : memref<10000xf32, #tpu.memory_space<hbm>>) target(%arg28 : memref<10000xf32, #tpu.memory_space<vmem_shared>>) target_semaphore(%run_scoped3A : memref<!tpu.dma_semaphore, #tpu.memory_space<semaphore_mem>>)
        tpu.wait_dma2 semaphore(%run_scoped3A : memref<!tpu.dma_semaphore, #tpu.memory_space<semaphore_mem>>) src(%arg6 : memref<10000xf32, #tpu.memory_space<hbm>>) dst(%arg28 : memref<10000xf32, #tpu.memory_space<vmem_shared>>)
        tpu.yield
      }) : () -> ()
    } else {
    }
    %broadcast_in_dim3A = arith.constant 1.000000e+00 : f32
    %broadcast_in_dim3A_46 = vector.broadcast %broadcast_in_dim3A : f32 to vector<16xf32>
    %swap3A = arith.constant 0 : index
    %swap3A_47 = tpu.vector_load %arg27[%swap3A] {strides = array<i32>} : memref<128xf32, #tpu.memory_space<vmem>>, vector<16xf32>,
    %swap3A_48 = vector.shape_cast %swap3A_47 : vector<16xf32> to vector<16xf32>
    %swap3A_49 = vector.shape_cast %broadcast_in_dim3A_46 : vector<16xf32> to vector<16xf32>
    tpu.vector_store %arg27[%swap3A], %swap3A_49 {strides = array<i32>} : memref<128xf32, #tpu.memory_space<vmem>>, vector<16xf32>,
    %broadcast_in_dim3A_50 = arith.constant 1.000000e+00 : f32
    %broadcast_in_dim3A_51 = vector.broadcast %broadcast_in_dim3A_50 : f32 to vector<16xf32>
    %swap3A_52 = arith.constant 16 : index
    %swap3A_53 = tpu.vector_load %arg27[%swap3A_52] {strides = array<i32>} : memref<128xf32, #tpu.memory_space<vmem>>, vector<16xf32>,
    %swap3A_54 = vector.shape_cast %swap3A_53 : vector<16xf32> to vector<16xf32>
    %swap3A_55 = vector.shape_cast %broadcast_in_dim3A_51 : vector<16xf32> to vector<16xf32>
    tpu.vector_store %arg27[%swap3A_52], %swap3A_55 {strides = array<i32>} : memref<128xf32, #tpu.memory_space<vmem>>, vector<16xf32>,
    %broadcast_in_dim3A_56 = arith.constant 1.000000e+00 : f32
    %broadcast_in_dim3A_57 = vector.broadcast %broadcast_in_dim3A_56 : f32 to vector<16xf32>
    %swap3A_58 = arith.constant 32 : index
    %swap3A_59 = tpu.vector_load %arg27[%swap3A_58] {strides = array<i32>} : memref<128xf32, #tpu.memory_space<vmem>>, vector<16xf32>,
    %swap3A_60 = vector.shape_cast %swap3A_59 : vector<16xf32> to vector<16xf32>
    %swap3A_61 = vector.shape_cast %broadcast_in_dim3A_57 : vector<16xf32> to vector<16xf32>
    tpu.vector_store %arg27[%swap3A_58], %swap3A_61 {strides = array<i32>} : memref<128xf32, #tpu.memory_space<vmem>>, vector<16xf32>,
    %broadcast_in_dim3A_62 = arith.constant 1.000000e+00 : f32
    %broadcast_in_dim3A_63 = vector.broadcast %broadcast_in_dim3A_62 : f32 to vector<16xf32>
    %swap3A_64 = arith.constant 48 : index
    %swap3A_65 = tpu.vector_load %arg27[%swap3A_64] {strides = array<i32>} : memref<128xf32, #tpu.memory_space<vmem>>, vector<16xf32>,
    %swap3A_66 = vector.shape_cast %swap3A_65 : vector<16xf32> to vector<16xf32>
    %swap3A_67 = vector.shape_cast %broadcast_in_dim3A_63 : vector<16xf32> to vector<16xf32>
    tpu.vector_store %arg27[%swap3A_64], %swap3A_67 {strides = array<i32>} : memref<128xf32, #tpu.memory_space<vmem>>, vector<16xf32>,
    %broadcast_in_dim3A_68 = arith.constant 1.000000e+00 : f32
    %broadcast_in_dim3A_69 = vector.broadcast %broadcast_in_dim3A_68 : f32 to vector<16xf32>
    %swap3A_70 = arith.constant 64 : index
    %swap3A_71 = tpu.vector_load %arg27[%swap3A_70] {strides = array<i32>} : memref<128xf32, #tpu.memory_space<vmem>>, vector<16xf32>,
    %swap3A_72 = vector.shape_cast %swap3A_71 : vector<16xf32> to vector<16xf32>
    %swap3A_73 = vector.shape_cast %broadcast_in_dim3A_69 : vector<16xf32> to vector<16xf32>
    tpu.vector_store %arg27[%swap3A_70], %swap3A_73 {strides = array<i32>} : memref<128xf32, #tpu.memory_space<vmem>>, vector<16xf32>,
    %broadcast_in_dim3A_74 = arith.constant 1.000000e+00 : f32
    %broadcast_in_dim3A_75 = vector.broadcast %broadcast_in_dim3A_74 : f32 to vector<16xf32>
    %swap3A_76 = arith.constant 80 : index
    %swap3A_77 = tpu.vector_load %arg27[%swap3A_76] {strides = array<i32>} : memref<128xf32, #tpu.memory_space<vmem>>, vector<16xf32>,
    %swap3A_78 = vector.shape_cast %swap3A_77 : vector<16xf32> to vector<16xf32>
    %swap3A_79 = vector.shape_cast %broadcast_in_dim3A_75 : vector<16xf32> to vector<16xf32>
    tpu.vector_store %arg27[%swap3A_76], %swap3A_79 {strides = array<i32>} : memref<128xf32, #tpu.memory_space<vmem>>, vector<16xf32>,
    %broadcast_in_dim3A_80 = arith.constant 1.000000e+00 : f32
    %broadcast_in_dim3A_81 = vector.broadcast %broadcast_in_dim3A_80 : f32 to vector<16xf32>
    %swap3A_82 = arith.constant 96 : index
    %swap3A_83 = tpu.vector_load %arg27[%swap3A_82] {strides = array<i32>} : memref<128xf32, #tpu.memory_space<vmem>>, vector<16xf32>,
    %swap3A_84 = vector.shape_cast %swap3A_83 : vector<16xf32> to vector<16xf32>
    %swap3A_85 = vector.shape_cast %broadcast_in_dim3A_81 : vector<16xf32> to vector<16xf32>
    tpu.vector_store %arg27[%swap3A_82], %swap3A_85 {strides = array<i32>} : memref<128xf32, #tpu.memory_space<vmem>>, vector<16xf32>,
    %broadcast_in_dim3A_86 = arith.constant 1.000000e+00 : f32
    %broadcast_in_dim3A_87 = vector.broadcast %broadcast_in_dim3A_86 : f32 to vector<16xf32>
    %swap3A_88 = arith.constant 112 : index
    %swap3A_89 = tpu.vector_load %arg27[%swap3A_88] {strides = array<i32>} : memref<128xf32, #tpu.memory_space<vmem>>, vector<16xf32>,
    %swap3A_90 = vector.shape_cast %swap3A_89 : vector<16xf32> to vector<16xf32>
    %swap3A_91 = vector.shape_cast %broadcast_in_dim3A_87 : vector<16xf32> to vector<16xf32>
    tpu.vector_store %arg27[%swap3A_88], %swap3A_91 {strides = array<i32>} : memref<128xf32, #tpu.memory_space<vmem>>, vector<16xf32>,
    %barrier3A = arith.constant 0 : index
    tpu.barrier barrier_id(%barrier3A)
    %scan3A = arith.constant 0 : i32
    %scan3A_92 = arith.constant 0 : i32
    %scan3A_93 = arith.constant 32 : i32
    %scan3A_94 = arith.addi %scan3A_92, %scan3A_93 : i32
    %scan3A_95 = arith.constant 1 : i32
    scf.for %scan3A_114 = %scan3A_92 to %scan3A_94 step %scan3A_95  : i32 {
      %mul3A_115 = arith.constant 5 : i32
      %mul3A_116 = arith.muli %scan3A_114, %mul3A_115 : i32
      %add3A = arith.constant 0 : i32
      %add3A_117 = arith.addi %mul3A_116, %add3A : i32
      %dma_wait3A = arith.constant 0 : i32
      %dma_wait3A_118 = tpu.memref_slice %arg9[%add3A_117, %dma_wait3A] : memref<160x125xi32, #tpu.memory_space<vmem>> -> memref<1x125xi32, #tpu.memory_space<vmem>>
      %dma_wait3A_119 = tpu.memref_squeeze %dma_wait3A_118 : memref<1x125xi32, #tpu.memory_space<vmem>> -> memref<125xi32, #tpu.memory_space<vmem>>
      %dma_wait3A_120 = arith.constant 0 : i32
      %dma_wait3A_121 = arith.constant 0 : i32
      %dma_wait3A_122 = tpu.memref_slice %arg2[%dma_wait3A_120, %dma_wait3A_121] : memref<20000x64xf32, #tpu.memory_space<hbm>> -> memref<20000x64xf32, #tpu.memory_space<hbm>>
      tpu.wait_indirect_dma semaphore(%arg17 : memref<!tpu.dma_semaphore, #tpu.memory_space<semaphore_mem>>) src(%dma_wait3A_122 : memref<20000x64xf32, #tpu.memory_space<hbm>>) dst(%arg11 : memref<125x64xf32, #tpu.memory_space<vmem>>)
      %eq3A_123 = arith.constant 0 : i32
      %eq3A_124 = arith.cmpi eq, %arg0, %eq3A_123 : i32
      %lt3A = arith.constant 80 : i32
      %lt3A_125 = arith.cmpi slt, %add3A_117, %lt3A : i32
      %ge3A = arith.constant 80 : i32
      %ge3A_126 = arith.cmpi sge, %add3A_117, %ge3A : i32
      %select_n3A = arith.select %eq3A_124, %lt3A_125, %ge3A_126 : i1
      %convert_element_type3A_127 = arith.extui %select_n3A : i1 to i32
      %cond3A_128 = arith.constant 0 : i32
      %cond3A_129 = arith.cmpi ne, %convert_element_type3A_127, %cond3A_128 : i32
      scf.if %cond3A_129 {
        "tpu.region"() ({
          %run_scoped3A = tpu.sem_alloc : memref<!tpu.dma_semaphore, #tpu.memory_space<semaphore_mem>>
          %dma_start3A_293 = arith.constant 0 : i32
          %dma_start3A_294 = tpu.memref_slice %arg27[%dma_start3A_293] : memref<128xf32, #tpu.memory_space<vmem>> -> memref<125xf32, #tpu.memory_space<vmem>>
          %dma_start3A_295 = arith.constant 0 : i32
          %dma_start3A_296 = tpu.memref_slice %arg10[%add3A_117, %dma_start3A_295] : memref<160x125xi32, #tpu.memory_space<vmem>> -> memref<1x125xi32, #tpu.memory_space<vmem>>
          %dma_start3A_297 = tpu.memref_squeeze %dma_start3A_296 : memref<1x125xi32, #tpu.memory_space<vmem>> -> memref<125xi32, #tpu.memory_space<vmem>>
          %dma_start3A_298 = arith.constant 0 : i32
          %dma_start3A_299 = tpu.memref_slice %arg28[%dma_start3A_298] : memref<10000xf32, #tpu.memory_space<vmem_shared>> -> memref<10000xf32, #tpu.memory_space<vmem_shared>>
          tpu.enqueue_indirect_dma source(%dma_start3A_294 : memref<125xf32, #tpu.memory_space<vmem>>) target(%dma_start3A_299 : memref<10000xf32, #tpu.memory_space<vmem_shared>>) offsets(%dma_start3A_297 : memref<125xi32, #tpu.memory_space<vmem>>) semaphore(%run_scoped3A : memref<!tpu.dma_semaphore, #tpu.memory_space<semaphore_mem>>) {add = true}
          %dma_wait3A_300 = arith.constant 0 : i32
          %dma_wait3A_301 = tpu.memref_slice %arg27[%dma_wait3A_300] : memref<128xf32, #tpu.memory_space<vmem>> -> memref<125xf32, #tpu.memory_space<vmem>>
          %dma_wait3A_302 = arith.constant 0 : i32
          %dma_wait3A_303 = tpu.memref_slice %arg10[%add3A_117, %dma_wait3A_302] : memref<160x125xi32, #tpu.memory_space<vmem>> -> memref<1x125xi32, #tpu.memory_space<vmem>>
          %dma_wait3A_304 = tpu.memref_squeeze %dma_wait3A_303 : memref<1x125xi32, #tpu.memory_space<vmem>> -> memref<125xi32, #tpu.memory_space<vmem>>
          %dma_wait3A_305 = arith.constant 0 : i32
          %dma_wait3A_306 = tpu.memref_slice %arg28[%dma_wait3A_305] : memref<10000xf32, #tpu.memory_space<vmem_shared>> -> memref<10000xf32, #tpu.memory_space<vmem_shared>>
          tpu.wait_indirect_dma semaphore(%run_scoped3A : memref<!tpu.dma_semaphore, #tpu.memory_space<semaphore_mem>>) src(%dma_wait3A_301 : memref<125xf32, #tpu.memory_space<vmem>>) dst(%dma_wait3A_306 : memref<10000xf32, #tpu.memory_space<vmem_shared>>)
          tpu.yield
        }) : () -> ()
      } else {
      }
      %ge3A_130 = arith.constant 1 : i32
      %ge3A_131 = arith.cmpi sge, %add3A_117, %ge3A_130 : i32
      %convert_element_type3A_132 = arith.extui %ge3A_131 : i1 to i32
      %cond3A_133 = arith.constant 0 : i32
      %cond3A_134 = arith.cmpi ne, %convert_element_type3A_132, %cond3A_133 : i32
      scf.if %cond3A_134 {
        %sub3A_293 = arith.constant 1 : i32
        %sub3A_294 = arith.subi %add3A_117, %sub3A_293 : i32
      } else {
      }
      %ge3A_135 = arith.constant 1 : i32
      %ge3A_136 = arith.cmpi sge, %add3A_117, %ge3A_135 : i32
      %sub3A = arith.constant 1 : i32
      %sub3A_137 = arith.subi %add3A_117, %sub3A : i32
      %add3A_138 = arith.constant 5 : i32
      %add3A_139 = arith.addi %sub3A_137, %add3A_138 : i32
      %lt3A_140 = arith.constant 160 : i32
      %lt3A_141 = arith.cmpi slt, %add3A_139, %lt3A_140 : i32
      %and3A = arith.andi %ge3A_136, %lt3A_141 : i1
      %convert_element_type3A_142 = arith.extui %and3A : i1 to i32
      %cond3A_143 = arith.constant 0 : i32
      %cond3A_144 = arith.cmpi ne, %convert_element_type3A_142, %cond3A_143 : i32
      scf.if %cond3A_144 {
        %sub3A_293 = arith.constant 1 : i32
        %sub3A_294 = arith.subi %add3A_117, %sub3A_293 : i32
        %add3A_295 = arith.constant 5 : i32
        %add3A_296 = arith.addi %sub3A_294, %add3A_295 : i32
        %dma_start3A_297 = arith.constant 0 : i32
        %dma_start3A_298 = tpu.memref_slice %arg9[%add3A_296, %dma_start3A_297] : memref<160x125xi32, #tpu.memory_space<vmem>> -> memref<1x125xi32, #tpu.memory_space<vmem>>
        %dma_start3A_299 = tpu.memref_squeeze %dma_start3A_298 : memref<1x125xi32, #tpu.memory_space<vmem>> -> memref<125xi32, #tpu.memory_space<vmem>>
        %dma_start3A_300 = arith.constant 0 : i32
        %dma_start3A_301 = arith.constant 0 : i32
        %dma_start3A_302 = tpu.memref_slice %arg2[%dma_start3A_300, %dma_start3A_301] : memref<20000x64xf32, #tpu.memory_space<hbm>> -> memref<20000x64xf32, #tpu.memory_space<hbm>>
        tpu.enqueue_indirect_dma source(%dma_start3A_302 : memref<20000x64xf32, #tpu.memory_space<hbm>>) target(%arg15 : memref<125x64xf32, #tpu.memory_space<vmem>>) offsets(%dma_start3A_299 : memref<125xi32, #tpu.memory_space<vmem>>) semaphore(%arg21 : memref<!tpu.dma_semaphore, #tpu.memory_space<semaphore_mem>>)
      } else {
      }
      %mul3A_145 = arith.constant 5 : i32
      %mul3A_146 = arith.muli %scan3A_114, %mul3A_145 : i32
      %add3A_147 = arith.constant 1 : i32
      %add3A_148 = arith.addi %mul3A_146, %add3A_147 : i32
      %dma_wait3A_149 = arith.constant 0 : i32
      %dma_wait3A_150 = tpu.memref_slice %arg9[%add3A_148, %dma_wait3A_149] : memref<160x125xi32, #tpu.memory_space<vmem>> -> memref<1x125xi32, #tpu.memory_space<vmem>>
      %dma_wait3A_151 = tpu.memref_squeeze %dma_wait3A_150 : memref<1x125xi32, #tpu.memory_space<vmem>> -> memref<125xi32, #tpu.memory_space<vmem>>
      %dma_wait3A_152 = arith.constant 0 : i32
      %dma_wait3A_153 = arith.constant 0 : i32
      %dma_wait3A_154 = tpu.memref_slice %arg2[%dma_wait3A_152, %dma_wait3A_153] : memref<20000x64xf32, #tpu.memory_space<hbm>> -> memref<20000x64xf32, #tpu.memory_space<hbm>>
      tpu.wait_indirect_dma semaphore(%arg18 : memref<!tpu.dma_semaphore, #tpu.memory_space<semaphore_mem>>) src(%dma_wait3A_154 : memref<20000x64xf32, #tpu.memory_space<hbm>>) dst(%arg12 : memref<125x64xf32, #tpu.memory_space<vmem>>)
      %eq3A_155 = arith.constant 0 : i32
      %eq3A_156 = arith.cmpi eq, %arg0, %eq3A_155 : i32
      %lt3A_157 = arith.constant 80 : i32
      %lt3A_158 = arith.cmpi slt, %add3A_148, %lt3A_157 : i32
      %ge3A_159 = arith.constant 80 : i32
      %ge3A_160 = arith.cmpi sge, %add3A_148, %ge3A_159 : i32
      %select_n3A_161 = arith.select %eq3A_156, %lt3A_158, %ge3A_160 : i1
      %convert_element_type3A_162 = arith.extui %select_n3A_161 : i1 to i32
      %cond3A_163 = arith.constant 0 : i32
      %cond3A_164 = arith.cmpi ne, %convert_element_type3A_162, %cond3A_163 : i32
      scf.if %cond3A_164 {
        "tpu.region"() ({
          %run_scoped3A = tpu.sem_alloc : memref<!tpu.dma_semaphore, #tpu.memory_space<semaphore_mem>>
          %dma_start3A_293 = arith.constant 0 : i32
          %dma_start3A_294 = tpu.memref_slice %arg27[%dma_start3A_293] : memref<128xf32, #tpu.memory_space<vmem>> -> memref<125xf32, #tpu.memory_space<vmem>>
          %dma_start3A_295 = arith.constant 0 : i32
          %dma_start3A_296 = tpu.memref_slice %arg10[%add3A_148, %dma_start3A_295] : memref<160x125xi32, #tpu.memory_space<vmem>> -> memref<1x125xi32, #tpu.memory_space<vmem>>
          %dma_start3A_297 = tpu.memref_squeeze %dma_start3A_296 : memref<1x125xi32, #tpu.memory_space<vmem>> -> memref<125xi32, #tpu.memory_space<vmem>>
          %dma_start3A_298 = arith.constant 0 : i32
          %dma_start3A_299 = tpu.memref_slice %arg28[%dma_start3A_298] : memref<10000xf32, #tpu.memory_space<vmem_shared>> -> memref<10000xf32, #tpu.memory_space<vmem_shared>>
          tpu.enqueue_indirect_dma source(%dma_start3A_294 : memref<125xf32, #tpu.memory_space<vmem>>) target(%dma_start3A_299 : memref<10000xf32, #tpu.memory_space<vmem_shared>>) offsets(%dma_start3A_297 : memref<125xi32, #tpu.memory_space<vmem>>) semaphore(%run_scoped3A : memref<!tpu.dma_semaphore, #tpu.memory_space<semaphore_mem>>) {add = true}
          %dma_wait3A_300 = arith.constant 0 : i32
          %dma_wait3A_301 = tpu.memref_slice %arg27[%dma_wait3A_300] : memref<128xf32, #tpu.memory_space<vmem>> -> memref<125xf32, #tpu.memory_space<vmem>>
          %dma_wait3A_302 = arith.constant 0 : i32
          %dma_wait3A_303 = tpu.memref_slice %arg10[%add3A_148, %dma_wait3A_302] : memref<160x125xi32, #tpu.memory_space<vmem>> -> memref<1x125xi32, #tpu.memory_space<vmem>>
          %dma_wait3A_304 = tpu.memref_squeeze %dma_wait3A_303 : memref<1x125xi32, #tpu.memory_space<vmem>> -> memref<125xi32, #tpu.memory_space<vmem>>
          %dma_wait3A_305 = arith.constant 0 : i32
          %dma_wait3A_306 = tpu.memref_slice %arg28[%dma_wait3A_305] : memref<10000xf32, #tpu.memory_space<vmem_shared>> -> memref<10000xf32, #tpu.memory_space<vmem_shared>>
          tpu.wait_indirect_dma semaphore(%run_scoped3A : memref<!tpu.dma_semaphore, #tpu.memory_space<semaphore_mem>>) src(%dma_wait3A_301 : memref<125xf32, #tpu.memory_space<vmem>>) dst(%dma_wait3A_306 : memref<10000xf32, #tpu.memory_space<vmem_shared>>)
          tpu.yield
        }) : () -> ()
      } else {
      }
      %ge3A_165 = arith.constant 1 : i32
      %ge3A_166 = arith.cmpi sge, %add3A_148, %ge3A_165 : i32
      %convert_element_type3A_167 = arith.extui %ge3A_166 : i1 to i32
      %cond3A_168 = arith.constant 0 : i32
      %cond3A_169 = arith.cmpi ne, %convert_element_type3A_167, %cond3A_168 : i32
      scf.if %cond3A_169 {
        %sub3A_293 = arith.constant 1 : i32
        %sub3A_294 = arith.subi %add3A_148, %sub3A_293 : i32
      } else {
      }
      %ge3A_170 = arith.constant 1 : i32
      %ge3A_171 = arith.cmpi sge, %add3A_148, %ge3A_170 : i32
      %sub3A_172 = arith.constant 1 : i32
      %sub3A_173 = arith.subi %add3A_148, %sub3A_172 : i32
      %add3A_174 = arith.constant 5 : i32
      %add3A_175 = arith.addi %sub3A_173, %add3A_174 : i32
      %lt3A_176 = arith.constant 160 : i32
      %lt3A_177 = arith.cmpi slt, %add3A_175, %lt3A_176 : i32
      %and3A_178 = arith.andi %ge3A_171, %lt3A_177 : i1
      %convert_element_type3A_179 = arith.extui %and3A_178 : i1 to i32
      %cond3A_180 = arith.constant 0 : i32
      %cond3A_181 = arith.cmpi ne, %convert_element_type3A_179, %cond3A_180 : i32
      scf.if %cond3A_181 {
        %sub3A_293 = arith.constant 1 : i32
        %sub3A_294 = arith.subi %add3A_148, %sub3A_293 : i32
        %add3A_295 = arith.constant 5 : i32
        %add3A_296 = arith.addi %sub3A_294, %add3A_295 : i32
        %dma_start3A_297 = arith.constant 0 : i32
        %dma_start3A_298 = tpu.memref_slice %arg9[%add3A_296, %dma_start3A_297] : memref<160x125xi32, #tpu.memory_space<vmem>> -> memref<1x125xi32, #tpu.memory_space<vmem>>
        %dma_start3A_299 = tpu.memref_squeeze %dma_start3A_298 : memref<1x125xi32, #tpu.memory_space<vmem>> -> memref<125xi32, #tpu.memory_space<vmem>>
        %dma_start3A_300 = arith.constant 0 : i32
        %dma_start3A_301 = arith.constant 0 : i32
        %dma_start3A_302 = tpu.memref_slice %arg2[%dma_start3A_300, %dma_start3A_301] : memref<20000x64xf32, #tpu.memory_space<hbm>> -> memref<20000x64xf32, #tpu.memory_space<hbm>>
        tpu.enqueue_indirect_dma source(%dma_start3A_302 : memref<20000x64xf32, #tpu.memory_space<hbm>>) target(%arg11 : memref<125x64xf32, #tpu.memory_space<vmem>>) offsets(%dma_start3A_299 : memref<125xi32, #tpu.memory_space<vmem>>) semaphore(%arg17 : memref<!tpu.dma_semaphore, #tpu.memory_space<semaphore_mem>>)
      } else {
      }
      %mul3A_182 = arith.constant 5 : i32
      %mul3A_183 = arith.muli %scan3A_114, %mul3A_182 : i32
      %add3A_184 = arith.constant 2 : i32
      %add3A_185 = arith.addi %mul3A_183, %add3A_184 : i32
      %dma_wait3A_186 = arith.constant 0 : i32
      %dma_wait3A_187 = tpu.memref_slice %arg9[%add3A_185, %dma_wait3A_186] : memref<160x125xi32, #tpu.memory_space<vmem>> -> memref<1x125xi32, #tpu.memory_space<vmem>>
      %dma_wait3A_188 = tpu.memref_squeeze %dma_wait3A_187 : memref<1x125xi32, #tpu.memory_space<vmem>> -> memref<125xi32, #tpu.memory_space<vmem>>
      %dma_wait3A_189 = arith.constant 0 : i32
      %dma_wait3A_190 = arith.constant 0 : i32
      %dma_wait3A_191 = tpu.memref_slice %arg2[%dma_wait3A_189, %dma_wait3A_190] : memref<20000x64xf32, #tpu.memory_space<hbm>> -> memref<20000x64xf32, #tpu.memory_space<hbm>>
      tpu.wait_indirect_dma semaphore(%arg19 : memref<!tpu.dma_semaphore, #tpu.memory_space<semaphore_mem>>) src(%dma_wait3A_191 : memref<20000x64xf32, #tpu.memory_space<hbm>>) dst(%arg13 : memref<125x64xf32, #tpu.memory_space<vmem>>)
      %eq3A_192 = arith.constant 0 : i32
      %eq3A_193 = arith.cmpi eq, %arg0, %eq3A_192 : i32
      %lt3A_194 = arith.constant 80 : i32
      %lt3A_195 = arith.cmpi slt, %add3A_185, %lt3A_194 : i32
      %ge3A_196 = arith.constant 80 : i32
      %ge3A_197 = arith.cmpi sge, %add3A_185, %ge3A_196 : i32
      %select_n3A_198 = arith.select %eq3A_193, %lt3A_195, %ge3A_197 : i1
      %convert_element_type3A_199 = arith.extui %select_n3A_198 : i1 to i32
      %cond3A_200 = arith.constant 0 : i32
      %cond3A_201 = arith.cmpi ne, %convert_element_type3A_199, %cond3A_200 : i32
      scf.if %cond3A_201 {
        "tpu.region"() ({
          %run_scoped3A = tpu.sem_alloc : memref<!tpu.dma_semaphore, #tpu.memory_space<semaphore_mem>>
          %dma_start3A_293 = arith.constant 0 : i32
          %dma_start3A_294 = tpu.memref_slice %arg27[%dma_start3A_293] : memref<128xf32, #tpu.memory_space<vmem>> -> memref<125xf32, #tpu.memory_space<vmem>>
          %dma_start3A_295 = arith.constant 0 : i32
          %dma_start3A_296 = tpu.memref_slice %arg10[%add3A_185, %dma_start3A_295] : memref<160x125xi32, #tpu.memory_space<vmem>> -> memref<1x125xi32, #tpu.memory_space<vmem>>
          %dma_start3A_297 = tpu.memref_squeeze %dma_start3A_296 : memref<1x125xi32, #tpu.memory_space<vmem>> -> memref<125xi32, #tpu.memory_space<vmem>>
          %dma_start3A_298 = arith.constant 0 : i32
          %dma_start3A_299 = tpu.memref_slice %arg28[%dma_start3A_298] : memref<10000xf32, #tpu.memory_space<vmem_shared>> -> memref<10000xf32, #tpu.memory_space<vmem_shared>>
          tpu.enqueue_indirect_dma source(%dma_start3A_294 : memref<125xf32, #tpu.memory_space<vmem>>) target(%dma_start3A_299 : memref<10000xf32, #tpu.memory_space<vmem_shared>>) offsets(%dma_start3A_297 : memref<125xi32, #tpu.memory_space<vmem>>) semaphore(%run_scoped3A : memref<!tpu.dma_semaphore, #tpu.memory_space<semaphore_mem>>) {add = true}
          %dma_wait3A_300 = arith.constant 0 : i32
          %dma_wait3A_301 = tpu.memref_slice %arg27[%dma_wait3A_300] : memref<128xf32, #tpu.memory_space<vmem>> -> memref<125xf32, #tpu.memory_space<vmem>>
          %dma_wait3A_302 = arith.constant 0 : i32
          %dma_wait3A_303 = tpu.memref_slice %arg10[%add3A_185, %dma_wait3A_302] : memref<160x125xi32, #tpu.memory_space<vmem>> -> memref<1x125xi32, #tpu.memory_space<vmem>>
          %dma_wait3A_304 = tpu.memref_squeeze %dma_wait3A_303 : memref<1x125xi32, #tpu.memory_space<vmem>> -> memref<125xi32, #tpu.memory_space<vmem>>
          %dma_wait3A_305 = arith.constant 0 : i32
          %dma_wait3A_306 = tpu.memref_slice %arg28[%dma_wait3A_305] : memref<10000xf32, #tpu.memory_space<vmem_shared>> -> memref<10000xf32, #tpu.memory_space<vmem_shared>>
          tpu.wait_indirect_dma semaphore(%run_scoped3A : memref<!tpu.dma_semaphore, #tpu.memory_space<semaphore_mem>>) src(%dma_wait3A_301 : memref<125xf32, #tpu.memory_space<vmem>>) dst(%dma_wait3A_306 : memref<10000xf32, #tpu.memory_space<vmem_shared>>)
          tpu.yield
        }) : () -> ()
      } else {
      }
      %ge3A_202 = arith.constant 1 : i32
      %ge3A_203 = arith.cmpi sge, %add3A_185, %ge3A_202 : i32
      %convert_element_type3A_204 = arith.extui %ge3A_203 : i1 to i32
      %cond3A_205 = arith.constant 0 : i32
      %cond3A_206 = arith.cmpi ne, %convert_element_type3A_204, %cond3A_205 : i32
      scf.if %cond3A_206 {
        %sub3A_293 = arith.constant 1 : i32
        %sub3A_294 = arith.subi %add3A_185, %sub3A_293 : i32
      } else {
      }
      %ge3A_207 = arith.constant 1 : i32
      %ge3A_208 = arith.cmpi sge, %add3A_185, %ge3A_207 : i32
      %sub3A_209 = arith.constant 1 : i32
      %sub3A_210 = arith.subi %add3A_185, %sub3A_209 : i32
      %add3A_211 = arith.constant 5 : i32
      %add3A_212 = arith.addi %sub3A_210, %add3A_211 : i32
      %lt3A_213 = arith.constant 160 : i32
      %lt3A_214 = arith.cmpi slt, %add3A_212, %lt3A_213 : i32
      %and3A_215 = arith.andi %ge3A_208, %lt3A_214 : i1
      %convert_element_type3A_216 = arith.extui %and3A_215 : i1 to i32
      %cond3A_217 = arith.constant 0 : i32
      %cond3A_218 = arith.cmpi ne, %convert_element_type3A_216, %cond3A_217 : i32
      scf.if %cond3A_218 {
        %sub3A_293 = arith.constant 1 : i32
        %sub3A_294 = arith.subi %add3A_185, %sub3A_293 : i32
        %add3A_295 = arith.constant 5 : i32
        %add3A_296 = arith.addi %sub3A_294, %add3A_295 : i32
        %dma_start3A_297 = arith.constant 0 : i32
        %dma_start3A_298 = tpu.memref_slice %arg9[%add3A_296, %dma_start3A_297] : memref<160x125xi32, #tpu.memory_space<vmem>> -> memref<1x125xi32, #tpu.memory_space<vmem>>
        %dma_start3A_299 = tpu.memref_squeeze %dma_start3A_298 : memref<1x125xi32, #tpu.memory_space<vmem>> -> memref<125xi32, #tpu.memory_space<vmem>>
        %dma_start3A_300 = arith.constant 0 : i32
        %dma_start3A_301 = arith.constant 0 : i32
        %dma_start3A_302 = tpu.memref_slice %arg2[%dma_start3A_300, %dma_start3A_301] : memref<20000x64xf32, #tpu.memory_space<hbm>> -> memref<20000x64xf32, #tpu.memory_space<hbm>>
        tpu.enqueue_indirect_dma source(%dma_start3A_302 : memref<20000x64xf32, #tpu.memory_space<hbm>>) target(%arg12 : memref<125x64xf32, #tpu.memory_space<vmem>>) offsets(%dma_start3A_299 : memref<125xi32, #tpu.memory_space<vmem>>) semaphore(%arg18 : memref<!tpu.dma_semaphore, #tpu.memory_space<semaphore_mem>>)
      } else {
      }
      %mul3A_219 = arith.constant 5 : i32
      %mul3A_220 = arith.muli %scan3A_114, %mul3A_219 : i32
      %add3A_221 = arith.constant 3 : i32
      %add3A_222 = arith.addi %mul3A_220, %add3A_221 : i32
      %dma_wait3A_223 = arith.constant 0 : i32
      %dma_wait3A_224 = tpu.memref_slice %arg9[%add3A_222, %dma_wait3A_223] : memref<160x125xi32, #tpu.memory_space<vmem>> -> memref<1x125xi32, #tpu.memory_space<vmem>>
      %dma_wait3A_225 = tpu.memref_squeeze %dma_wait3A_224 : memref<1x125xi32, #tpu.memory_space<vmem>> -> memref<125xi32, #tpu.memory_space<vmem>>
      %dma_wait3A_226 = arith.constant 0 : i32
      %dma_wait3A_227 = arith.constant 0 : i32
      %dma_wait3A_228 = tpu.memref_slice %arg2[%dma_wait3A_226, %dma_wait3A_227] : memref<20000x64xf32, #tpu.memory_space<hbm>> -> memref<20000x64xf32, #tpu.memory_space<hbm>>
      tpu.wait_indirect_dma semaphore(%arg20 : memref<!tpu.dma_semaphore, #tpu.memory_space<semaphore_mem>>) src(%dma_wait3A_228 : memref<20000x64xf32, #tpu.memory_space<hbm>>) dst(%arg14 : memref<125x64xf32, #tpu.memory_space<vmem>>)
      %eq3A_229 = arith.constant 0 : i32
      %eq3A_230 = arith.cmpi eq, %arg0, %eq3A_229 : i32
      %lt3A_231 = arith.constant 80 : i32
      %lt3A_232 = arith.cmpi slt, %add3A_222, %lt3A_231 : i32
      %ge3A_233 = arith.constant 80 : i32
      %ge3A_234 = arith.cmpi sge, %add3A_222, %ge3A_233 : i32
      %select_n3A_235 = arith.select %eq3A_230, %lt3A_232, %ge3A_234 : i1
      %convert_element_type3A_236 = arith.extui %select_n3A_235 : i1 to i32
      %cond3A_237 = arith.constant 0 : i32
      %cond3A_238 = arith.cmpi ne, %convert_element_type3A_236, %cond3A_237 : i32
      scf.if %cond3A_238 {
        "tpu.region"() ({
          %run_scoped3A = tpu.sem_alloc : memref<!tpu.dma_semaphore, #tpu.memory_space<semaphore_mem>>
          %dma_start3A_293 = arith.constant 0 : i32
          %dma_start3A_294 = tpu.memref_slice %arg27[%dma_start3A_293] : memref<128xf32, #tpu.memory_space<vmem>> -> memref<125xf32, #tpu.memory_space<vmem>>
          %dma_start3A_295 = arith.constant 0 : i32
          %dma_start3A_296 = tpu.memref_slice %arg10[%add3A_222, %dma_start3A_295] : memref<160x125xi32, #tpu.memory_space<vmem>> -> memref<1x125xi32, #tpu.memory_space<vmem>>
          %dma_start3A_297 = tpu.memref_squeeze %dma_start3A_296 : memref<1x125xi32, #tpu.memory_space<vmem>> -> memref<125xi32, #tpu.memory_space<vmem>>
          %dma_start3A_298 = arith.constant 0 : i32
          %dma_start3A_299 = tpu.memref_slice %arg28[%dma_start3A_298] : memref<10000xf32, #tpu.memory_space<vmem_shared>> -> memref<10000xf32, #tpu.memory_space<vmem_shared>>
          tpu.enqueue_indirect_dma source(%dma_start3A_294 : memref<125xf32, #tpu.memory_space<vmem>>) target(%dma_start3A_299 : memref<10000xf32, #tpu.memory_space<vmem_shared>>) offsets(%dma_start3A_297 : memref<125xi32, #tpu.memory_space<vmem>>) semaphore(%run_scoped3A : memref<!tpu.dma_semaphore, #tpu.memory_space<semaphore_mem>>) {add = true}
          %dma_wait3A_300 = arith.constant 0 : i32
          %dma_wait3A_301 = tpu.memref_slice %arg27[%dma_wait3A_300] : memref<128xf32, #tpu.memory_space<vmem>> -> memref<125xf32, #tpu.memory_space<vmem>>
          %dma_wait3A_302 = arith.constant 0 : i32
          %dma_wait3A_303 = tpu.memref_slice %arg10[%add3A_222, %dma_wait3A_302] : memref<160x125xi32, #tpu.memory_space<vmem>> -> memref<1x125xi32, #tpu.memory_space<vmem>>
          %dma_wait3A_304 = tpu.memref_squeeze %dma_wait3A_303 : memref<1x125xi32, #tpu.memory_space<vmem>> -> memref<125xi32, #tpu.memory_space<vmem>>
          %dma_wait3A_305 = arith.constant 0 : i32
          %dma_wait3A_306 = tpu.memref_slice %arg28[%dma_wait3A_305] : memref<10000xf32, #tpu.memory_space<vmem_shared>> -> memref<10000xf32, #tpu.memory_space<vmem_shared>>
          tpu.wait_indirect_dma semaphore(%run_scoped3A : memref<!tpu.dma_semaphore, #tpu.memory_space<semaphore_mem>>) src(%dma_wait3A_301 : memref<125xf32, #tpu.memory_space<vmem>>) dst(%dma_wait3A_306 : memref<10000xf32, #tpu.memory_space<vmem_shared>>)
          tpu.yield
        }) : () -> ()
      } else {
      }
      %ge3A_239 = arith.constant 1 : i32
      %ge3A_240 = arith.cmpi sge, %add3A_222, %ge3A_239 : i32
      %convert_element_type3A_241 = arith.extui %ge3A_240 : i1 to i32
      %cond3A_242 = arith.constant 0 : i32
      %cond3A_243 = arith.cmpi ne, %convert_element_type3A_241, %cond3A_242 : i32
      scf.if %cond3A_243 {
        %sub3A_293 = arith.constant 1 : i32
        %sub3A_294 = arith.subi %add3A_222, %sub3A_293 : i32
      } else {
      }
      %ge3A_244 = arith.constant 1 : i32
      %ge3A_245 = arith.cmpi sge, %add3A_222, %ge3A_244 : i32
      %sub3A_246 = arith.constant 1 : i32
      %sub3A_247 = arith.subi %add3A_222, %sub3A_246 : i32
      %add3A_248 = arith.constant 5 : i32
      %add3A_249 = arith.addi %sub3A_247, %add3A_248 : i32
      %lt3A_250 = arith.constant 160 : i32
      %lt3A_251 = arith.cmpi slt, %add3A_249, %lt3A_250 : i32
      %and3A_252 = arith.andi %ge3A_245, %lt3A_251 : i1
      %convert_element_type3A_253 = arith.extui %and3A_252 : i1 to i32
      %cond3A_254 = arith.constant 0 : i32
      %cond3A_255 = arith.cmpi ne, %convert_element_type3A_253, %cond3A_254 : i32
      scf.if %cond3A_255 {
        %sub3A_293 = arith.constant 1 : i32
        %sub3A_294 = arith.subi %add3A_222, %sub3A_293 : i32
        %add3A_295 = arith.constant 5 : i32
        %add3A_296 = arith.addi %sub3A_294, %add3A_295 : i32
        %dma_start3A_297 = arith.constant 0 : i32
        %dma_start3A_298 = tpu.memref_slice %arg9[%add3A_296, %dma_start3A_297] : memref<160x125xi32, #tpu.memory_space<vmem>> -> memref<1x125xi32, #tpu.memory_space<vmem>>
        %dma_start3A_299 = tpu.memref_squeeze %dma_start3A_298 : memref<1x125xi32, #tpu.memory_space<vmem>> -> memref<125xi32, #tpu.memory_space<vmem>>
        %dma_start3A_300 = arith.constant 0 : i32
        %dma_start3A_301 = arith.constant 0 : i32
        %dma_start3A_302 = tpu.memref_slice %arg2[%dma_start3A_300, %dma_start3A_301] : memref<20000x64xf32, #tpu.memory_space<hbm>> -> memref<20000x64xf32, #tpu.memory_space<hbm>>
        tpu.enqueue_indirect_dma source(%dma_start3A_302 : memref<20000x64xf32, #tpu.memory_space<hbm>>) target(%arg13 : memref<125x64xf32, #tpu.memory_space<vmem>>) offsets(%dma_start3A_299 : memref<125xi32, #tpu.memory_space<vmem>>) semaphore(%arg19 : memref<!tpu.dma_semaphore, #tpu.memory_space<semaphore_mem>>)
      } else {
      }
      %mul3A_256 = arith.constant 5 : i32
      %mul3A_257 = arith.muli %scan3A_114, %mul3A_256 : i32
      %add3A_258 = arith.constant 4 : i32
      %add3A_259 = arith.addi %mul3A_257, %add3A_258 : i32
      %dma_wait3A_260 = arith.constant 0 : i32
      %dma_wait3A_261 = tpu.memref_slice %arg9[%add3A_259, %dma_wait3A_260] : memref<160x125xi32, #tpu.memory_space<vmem>> -> memref<1x125xi32, #tpu.memory_space<vmem>>
      %dma_wait3A_262 = tpu.memref_squeeze %dma_wait3A_261 : memref<1x125xi32, #tpu.memory_space<vmem>> -> memref<125xi32, #tpu.memory_space<vmem>>
      %dma_wait3A_263 = arith.constant 0 : i32
      %dma_wait3A_264 = arith.constant 0 : i32
      %dma_wait3A_265 = tpu.memref_slice %arg2[%dma_wait3A_263, %dma_wait3A_264] : memref<20000x64xf32, #tpu.memory_space<hbm>> -> memref<20000x64xf32, #tpu.memory_space<hbm>>
      tpu.wait_indirect_dma semaphore(%arg21 : memref<!tpu.dma_semaphore, #tpu.memory_space<semaphore_mem>>) src(%dma_wait3A_265 : memref<20000x64xf32, #tpu.memory_space<hbm>>) dst(%arg15 : memref<125x64xf32, #tpu.memory_space<vmem>>)
      %eq3A_266 = arith.constant 0 : i32
      %eq3A_267 = arith.cmpi eq, %arg0, %eq3A_266 : i32
      %lt3A_268 = arith.constant 80 : i32
      %lt3A_269 = arith.cmpi slt, %add3A_259, %lt3A_268 : i32
      %ge3A_270 = arith.constant 80 : i32
      %ge3A_271 = arith.cmpi sge, %add3A_259, %ge3A_270 : i32
      %select_n3A_272 = arith.select %eq3A_267, %lt3A_269, %ge3A_271 : i1
      %convert_element_type3A_273 = arith.extui %select_n3A_272 : i1 to i32
      %cond3A_274 = arith.constant 0 : i32
      %cond3A_275 = arith.cmpi ne, %convert_element_type3A_273, %cond3A_274 : i32
      scf.if %cond3A_275 {
        "tpu.region"() ({
          %run_scoped3A = tpu.sem_alloc : memref<!tpu.dma_semaphore, #tpu.memory_space<semaphore_mem>>
          %dma_start3A_293 = arith.constant 0 : i32
          %dma_start3A_294 = tpu.memref_slice %arg27[%dma_start3A_293] : memref<128xf32, #tpu.memory_space<vmem>> -> memref<125xf32, #tpu.memory_space<vmem>>
          %dma_start3A_295 = arith.constant 0 : i32
          %dma_start3A_296 = tpu.memref_slice %arg10[%add3A_259, %dma_start3A_295] : memref<160x125xi32, #tpu.memory_space<vmem>> -> memref<1x125xi32, #tpu.memory_space<vmem>>
          %dma_start3A_297 = tpu.memref_squeeze %dma_start3A_296 : memref<1x125xi32, #tpu.memory_space<vmem>> -> memref<125xi32, #tpu.memory_space<vmem>>
          %dma_start3A_298 = arith.constant 0 : i32
          %dma_start3A_299 = tpu.memref_slice %arg28[%dma_start3A_298] : memref<10000xf32, #tpu.memory_space<vmem_shared>> -> memref<10000xf32, #tpu.memory_space<vmem_shared>>
          tpu.enqueue_indirect_dma source(%dma_start3A_294 : memref<125xf32, #tpu.memory_space<vmem>>) target(%dma_start3A_299 : memref<10000xf32, #tpu.memory_space<vmem_shared>>) offsets(%dma_start3A_297 : memref<125xi32, #tpu.memory_space<vmem>>) semaphore(%run_scoped3A : memref<!tpu.dma_semaphore, #tpu.memory_space<semaphore_mem>>) {add = true}
          %dma_wait3A_300 = arith.constant 0 : i32
          %dma_wait3A_301 = tpu.memref_slice %arg27[%dma_wait3A_300] : memref<128xf32, #tpu.memory_space<vmem>> -> memref<125xf32, #tpu.memory_space<vmem>>
          %dma_wait3A_302 = arith.constant 0 : i32
          %dma_wait3A_303 = tpu.memref_slice %arg10[%add3A_259, %dma_wait3A_302] : memref<160x125xi32, #tpu.memory_space<vmem>> -> memref<1x125xi32, #tpu.memory_space<vmem>>
          %dma_wait3A_304 = tpu.memref_squeeze %dma_wait3A_303 : memref<1x125xi32, #tpu.memory_space<vmem>> -> memref<125xi32, #tpu.memory_space<vmem>>
          %dma_wait3A_305 = arith.constant 0 : i32
          %dma_wait3A_306 = tpu.memref_slice %arg28[%dma_wait3A_305] : memref<10000xf32, #tpu.memory_space<vmem_shared>> -> memref<10000xf32, #tpu.memory_space<vmem_shared>>
          tpu.wait_indirect_dma semaphore(%run_scoped3A : memref<!tpu.dma_semaphore, #tpu.memory_space<semaphore_mem>>) src(%dma_wait3A_301 : memref<125xf32, #tpu.memory_space<vmem>>) dst(%dma_wait3A_306 : memref<10000xf32, #tpu.memory_space<vmem_shared>>)
          tpu.yield
        }) : () -> ()
      } else {
      }
      %ge3A_276 = arith.constant 1 : i32
      %ge3A_277 = arith.cmpi sge, %add3A_259, %ge3A_276 : i32
      %convert_element_type3A_278 = arith.extui %ge3A_277 : i1 to i32
      %cond3A_279 = arith.constant 0 : i32
      %cond3A_280 = arith.cmpi ne, %convert_element_type3A_278, %cond3A_279 : i32
      scf.if %cond3A_280 {
        %sub3A_293 = arith.constant 1 : i32
        %sub3A_294 = arith.subi %add3A_259, %sub3A_293 : i32
      } else {
      }
      %ge3A_281 = arith.constant 1 : i32
      %ge3A_282 = arith.cmpi sge, %add3A_259, %ge3A_281 : i32
      %sub3A_283 = arith.constant 1 : i32
      %sub3A_284 = arith.subi %add3A_259, %sub3A_283 : i32
      %add3A_285 = arith.constant 5 : i32
      %add3A_286 = arith.addi %sub3A_284, %add3A_285 : i32
      %lt3A_287 = arith.constant 160 : i32
      %lt3A_288 = arith.cmpi slt, %add3A_286, %lt3A_287 : i32
      %and3A_289 = arith.andi %ge3A_282, %lt3A_288 : i1
      %convert_element_type3A_290 = arith.extui %and3A_289 : i1 to i32
      %cond3A_291 = arith.constant 0 : i32
      %cond3A_292 = arith.cmpi ne, %convert_element_type3A_290, %cond3A_291 : i32
      scf.if %cond3A_292 {
        %sub3A_293 = arith.constant 1 : i32
        %sub3A_294 = arith.subi %add3A_259, %sub3A_293 : i32
        %add3A_295 = arith.constant 5 : i32
        %add3A_296 = arith.addi %sub3A_294, %add3A_295 : i32
        %dma_start3A_297 = arith.constant 0 : i32
        %dma_start3A_298 = tpu.memref_slice %arg9[%add3A_296, %dma_start3A_297] : memref<160x125xi32, #tpu.memory_space<vmem>> -> memref<1x125xi32, #tpu.memory_space<vmem>>
        %dma_start3A_299 = tpu.memref_squeeze %dma_start3A_298 : memref<1x125xi32, #tpu.memory_space<vmem>> -> memref<125xi32, #tpu.memory_space<vmem>>
        %dma_start3A_300 = arith.constant 0 : i32
        %dma_start3A_301 = arith.constant 0 : i32
        %dma_start3A_302 = tpu.memref_slice %arg2[%dma_start3A_300, %dma_start3A_301] : memref<20000x64xf32, #tpu.memory_space<hbm>> -> memref<20000x64xf32, #tpu.memory_space<hbm>>
        tpu.enqueue_indirect_dma source(%dma_start3A_302 : memref<20000x64xf32, #tpu.memory_space<hbm>>) target(%arg14 : memref<125x64xf32, #tpu.memory_space<vmem>>) offsets(%dma_start3A_299 : memref<125xi32, #tpu.memory_space<vmem>>) semaphore(%arg20 : memref<!tpu.dma_semaphore, #tpu.memory_space<semaphore_mem>>)
      } else {
      }
    }
    %scan3A_96 = arith.constant 32 : i32
    %barrier3A_97 = arith.constant 0 : index
    tpu.barrier barrier_id(%barrier3A_97)
    %mul3A_98 = arith.constant 64 : i32
    %mul3A_99 = arith.muli %arg0, %mul3A_98 : i32
    %mul3A_100 = arith.constant 624 : i32
    %mul3A_101 = arith.muli %arg1, %mul3A_100 : i32
    %mul3A_102 = arith.constant 624 : i32
    %mul3A_103 = arith.muli %arg1, %mul3A_102 : i32
    "tpu.region"() ({
      %run_scoped3A = tpu.sem_alloc : memref<!tpu.dma_semaphore, #tpu.memory_space<semaphore_mem>>
      %dma_start3A_114 = arith.constant 0 : i32
      %dma_start3A_115 = tpu.memref_slice %arg7[%dma_start3A_114, %mul3A_99] : memref<10000x128xf32, #tpu.memory_space<hbm>> -> memref<10000x64xf32, #tpu.memory_space<hbm>>
      %dma_start3A_116 = arith.constant 0 : i32
      %dma_start3A_117 = tpu.memref_slice %dma_start3A_115[%mul3A_103, %dma_start3A_116] : memref<10000x64xf32, #tpu.memory_space<hbm>> -> memref<624x64xf32, #tpu.memory_space<hbm>>
      %dma_start3A_118 = arith.constant 0 : i32
      %dma_start3A_119 = tpu.memref_slice %arg16[%mul3A_101, %dma_start3A_118] : memref<10000x64xf32, #tpu.memory_space<vmem_shared>> -> memref<624x64xf32, #tpu.memory_space<vmem_shared>>
      tpu.enqueue_dma source(%dma_start3A_119 : memref<624x64xf32, #tpu.memory_space<vmem_shared>>) target(%dma_start3A_117 : memref<624x64xf32, #tpu.memory_space<hbm>>) target_semaphore(%run_scoped3A : memref<!tpu.dma_semaphore, #tpu.memory_space<semaphore_mem>>)
      %dma_wait3A = arith.constant 0 : i32
      %dma_wait3A_120 = tpu.memref_slice %arg7[%dma_wait3A, %mul3A_99] : memref<10000x128xf32, #tpu.memory_space<hbm>> -> memref<10000x64xf32, #tpu.memory_space<hbm>>
      %dma_wait3A_121 = arith.constant 0 : i32
      %dma_wait3A_122 = tpu.memref_slice %dma_wait3A_120[%mul3A_103, %dma_wait3A_121] : memref<10000x64xf32, #tpu.memory_space<hbm>> -> memref<624x64xf32, #tpu.memory_space<hbm>>
      %dma_wait3A_123 = arith.constant 0 : i32
      %dma_wait3A_124 = tpu.memref_slice %arg16[%mul3A_101, %dma_wait3A_123] : memref<10000x64xf32, #tpu.memory_space<vmem_shared>> -> memref<624x64xf32, #tpu.memory_space<vmem_shared>>
      tpu.wait_dma2 semaphore(%run_scoped3A : memref<!tpu.dma_semaphore, #tpu.memory_space<semaphore_mem>>) src(%dma_wait3A_124 : memref<624x64xf32, #tpu.memory_space<vmem_shared>>) dst(%dma_wait3A_122 : memref<624x64xf32, #tpu.memory_space<hbm>>)
      tpu.yield
    }) : () -> ()
    %eq3A_104 = arith.constant 15 : i32
    %eq3A_105 = arith.cmpi eq, %arg1, %eq3A_104 : i32
    %convert_element_type3A_106 = arith.extui %eq3A_105 : i1 to i32
    %cond3A_107 = arith.constant 0 : i32
    %cond3A_108 = arith.cmpi ne, %convert_element_type3A_106, %cond3A_107 : i32
    scf.if %cond3A_108 {
      "tpu.region"() ({
        %run_scoped3A = tpu.sem_alloc : memref<!tpu.dma_semaphore, #tpu.memory_space<semaphore_mem>>
        %dma_start3A_114 = arith.constant 0 : i32
        %dma_start3A_115 = tpu.memref_slice %arg7[%dma_start3A_114, %mul3A_99] : memref<10000x128xf32, #tpu.memory_space<hbm>> -> memref<10000x64xf32, #tpu.memory_space<hbm>>
        %dma_start3A_116 = arith.constant 9984 : i32
        %dma_start3A_117 = arith.constant 0 : i32
        %dma_start3A_118 = tpu.memref_slice %dma_start3A_115[%dma_start3A_116, %dma_start3A_117] : memref<10000x64xf32, #tpu.memory_space<hbm>> -> memref<16x64xf32, #tpu.memory_space<hbm>>
        %dma_start3A_119 = arith.constant 9984 : i32
        %dma_start3A_120 = arith.constant 0 : i32
        %dma_start3A_121 = tpu.memref_slice %arg16[%dma_start3A_119, %dma_start3A_120] : memref<10000x64xf32, #tpu.memory_space<vmem_shared>> -> memref<16x64xf32, #tpu.memory_space<vmem_shared>>
        tpu.enqueue_dma source(%dma_start3A_121 : memref<16x64xf32, #tpu.memory_space<vmem_shared>>) target(%dma_start3A_118 : memref<16x64xf32, #tpu.memory_space<hbm>>) target_semaphore(%run_scoped3A : memref<!tpu.dma_semaphore, #tpu.memory_space<semaphore_mem>>)
        %dma_wait3A = arith.constant 0 : i32
        %dma_wait3A_122 = tpu.memref_slice %arg7[%dma_wait3A, %mul3A_99] : memref<10000x128xf32, #tpu.memory_space<hbm>> -> memref<10000x64xf32, #tpu.memory_space<hbm>>
        %dma_wait3A_123 = arith.constant 9984 : i32
        %dma_wait3A_124 = arith.constant 0 : i32
        %dma_wait3A_125 = tpu.memref_slice %dma_wait3A_122[%dma_wait3A_123, %dma_wait3A_124] : memref<10000x64xf32, #tpu.memory_space<hbm>> -> memref<16x64xf32, #tpu.memory_space<hbm>>
        %dma_wait3A_126 = arith.constant 9984 : i32
        %dma_wait3A_127 = arith.constant 0 : i32
        %dma_wait3A_128 = tpu.memref_slice %arg16[%dma_wait3A_126, %dma_wait3A_127] : memref<10000x64xf32, #tpu.memory_space<vmem_shared>> -> memref<16x64xf32, #tpu.memory_space<vmem_shared>>
        tpu.wait_dma2 semaphore(%run_scoped3A : memref<!tpu.dma_semaphore, #tpu.memory_space<semaphore_mem>>) src(%dma_wait3A_128 : memref<16x64xf32, #tpu.memory_space<vmem_shared>>) dst(%dma_wait3A_125 : memref<16x64xf32, #tpu.memory_space<hbm>>)
        tpu.yield
      }) : () -> ()
    } else {
    }
    %eq3A_109 = arith.constant 0 : i32
    %eq3A_110 = arith.cmpi eq, %arg1, %eq3A_109 : i32
    %convert_element_type3A_111 = arith.extui %eq3A_110 : i1 to i32
    %cond3A_112 = arith.constant 0 : i32
    %cond3A_113 = arith.cmpi ne, %convert_element_type3A_111, %cond3A_112 : i32
    scf.if %cond3A_113 {
      "tpu.region"() ({
        %run_scoped3A = tpu.sem_alloc : memref<!tpu.dma_semaphore, #tpu.memory_space<semaphore_mem>>
        %dma_start3A_114 = arith.constant 0 : i32
        %dma_start3A_115 = tpu.memref_slice %arg8[%arg0, %dma_start3A_114] : memref<2x10000xf32, #tpu.memory_space<hbm>> -> memref<1x10000xf32, #tpu.memory_space<hbm>>
        %dma_start3A_116 = tpu.memref_squeeze %dma_start3A_115 : memref<1x10000xf32, #tpu.memory_space<hbm>> -> memref<10000xf32, #tpu.memory_space<hbm>>
        tpu.enqueue_dma source(%arg28 : memref<10000xf32, #tpu.memory_space<vmem_shared>>) target(%dma_start3A_116 : memref<10000xf32, #tpu.memory_space<hbm>>) target_semaphore(%run_scoped3A : memref<!tpu.dma_semaphore, #tpu.memory_space<semaphore_mem>>)
        %dma_wait3A = arith.constant 0 : i32
        %dma_wait3A_117 = tpu.memref_slice %arg8[%arg0, %dma_wait3A] : memref<2x10000xf32, #tpu.memory_space<hbm>> -> memref<1x10000xf32, #tpu.memory_space<hbm>>
        %dma_wait3A_118 = tpu.memref_squeeze %dma_wait3A_117 : memref<1x10000xf32, #tpu.memory_space<hbm>> -> memref<10000xf32, #tpu.memory_space<hbm>>
        tpu.wait_dma2 semaphore(%run_scoped3A : memref<!tpu.dma_semaphore, #tpu.memory_space<semaphore_mem>>) src(%arg28 : memref<10000xf32, #tpu.memory_space<vmem_shared>>) dst(%dma_wait3A_118 : memref<10000xf32, #tpu.memory_space<hbm>>)
        tpu.yield
      }) : () -> ()
    } else {
    }
    return
  }
}

#map = affine_map<(d0, d1) -> (0, 0)>
#map1 = affine_map<(d0, d1) -> (0, 0, 0)>
module attributes {stable_mosaic.version = 14 : i64} {
  func.func @body(%arg0: i32, %arg1: i32, %arg2: memref<20000x64xf32, #tpu.memory_space<hbm>>, %arg3: memref<2x2560x125xi32, #tpu.memory_space<hbm>>, %arg4: memref<2560x125xi32, #tpu.memory_space<hbm>>, %arg5: memref<10000x64xf32, #tpu.memory_space<hbm>>, %arg6: memref<10000x128xf32, #tpu.memory_space<hbm>>, %arg7: memref<160x125xi32, #tpu.memory_space<vmem>>, %arg8: memref<160x125xi32, #tpu.memory_space<vmem>>, %arg9: memref<125x64xf32, #tpu.memory_space<vmem>>, %arg10: memref<125x64xf32, #tpu.memory_space<vmem>>, %arg11: memref<125x64xf32, #tpu.memory_space<vmem>>, %arg12: memref<125x64xf32, #tpu.memory_space<vmem>>, %arg13: memref<125x64xf32, #tpu.memory_space<vmem>>, %arg14: memref<10000x64xf32, #tpu.memory_space<vmem_shared>>, %arg15: memref<!tpu.dma_semaphore, #tpu.memory_space<semaphore_mem>>, %arg16: memref<!tpu.dma_semaphore, #tpu.memory_space<semaphore_mem>>, %arg17: memref<!tpu.dma_semaphore, #tpu.memory_space<semaphore_mem>>, %arg18: memref<!tpu.dma_semaphore, #tpu.memory_space<semaphore_mem>>, %arg19: memref<!tpu.dma_semaphore, #tpu.memory_space<semaphore_mem>>, %arg20: memref<!tpu.dma_semaphore, #tpu.memory_space<semaphore_mem>>, %arg21: memref<!tpu.dma_semaphore, #tpu.memory_space<semaphore_mem>>, %arg22: memref<!tpu.dma_semaphore, #tpu.memory_space<semaphore_mem>>, %arg23: memref<!tpu.dma_semaphore, #tpu.memory_space<semaphore_mem>>, %arg24: memref<!tpu.dma_semaphore, #tpu.memory_space<semaphore_mem>>) attributes {dimension_semantics = [#tpu.dimension_semantics<core_parallel>, #tpu.dimension_semantics<subcore_parallel>], iteration_bounds = array<i64: 2, 16>, scalar_prefetch = 0 : i64, scratch_operands = 18 : i64, tpu.core_type = #tpu.core_type<sc_vector_subcore>, window_params = [{transform_indices = #map}, {transform_indices = #map1}, {transform_indices = #map}, {transform_indices = #map}, {transform_indices = #map}]} {
    %mul3A = arith.constant 160 : i32
    %mul3A_0 = arith.muli %arg1, %mul3A : i32
    "tpu.region"() ({
      %run_scoped3A = tpu.sem_alloc : memref<!tpu.dma_semaphore, #tpu.memory_space<semaphore_mem>>
      %dma_start3A_58 = arith.constant 0 : i32
      %dma_start3A_59 = tpu.memref_slice %arg3[%arg0, %mul3A_0, %dma_start3A_58] : memref<2x2560x125xi32, #tpu.memory_space<hbm>> -> memref<1x160x125xi32, #tpu.memory_space<hbm>>
      %dma_start3A_60 = tpu.memref_squeeze %dma_start3A_59 : memref<1x160x125xi32, #tpu.memory_space<hbm>> -> memref<160x125xi32, #tpu.memory_space<hbm>>
      %dma_start3A_61 = arith.constant 0 : i32
      %dma_start3A_62 = tpu.memref_slice %arg3[%arg0, %mul3A_0, %dma_start3A_61] : memref<2x2560x125xi32, #tpu.memory_space<hbm>> -> memref<1x160x125xi32, #tpu.memory_space<hbm>>
      %dma_start3A_63 = tpu.memref_squeeze %dma_start3A_62 : memref<1x160x125xi32, #tpu.memory_space<hbm>> -> memref<160x125xi32, #tpu.memory_space<hbm>>
      tpu.enqueue_dma source(%dma_start3A_63 : memref<160x125xi32, #tpu.memory_space<hbm>>) target(%arg7 : memref<160x125xi32, #tpu.memory_space<vmem>>) target_semaphore(%run_scoped3A : memref<!tpu.dma_semaphore, #tpu.memory_space<semaphore_mem>>)
      %dma_wait3A = arith.constant 0 : i32
      %dma_wait3A_64 = tpu.memref_slice %arg3[%arg0, %mul3A_0, %dma_wait3A] : memref<2x2560x125xi32, #tpu.memory_space<hbm>> -> memref<1x160x125xi32, #tpu.memory_space<hbm>>
      %dma_wait3A_65 = tpu.memref_squeeze %dma_wait3A_64 : memref<1x160x125xi32, #tpu.memory_space<hbm>> -> memref<160x125xi32, #tpu.memory_space<hbm>>
      %dma_wait3A_66 = arith.constant 0 : i32
      %dma_wait3A_67 = tpu.memref_slice %arg3[%arg0, %mul3A_0, %dma_wait3A_66] : memref<2x2560x125xi32, #tpu.memory_space<hbm>> -> memref<1x160x125xi32, #tpu.memory_space<hbm>>
      %dma_wait3A_68 = tpu.memref_squeeze %dma_wait3A_67 : memref<1x160x125xi32, #tpu.memory_space<hbm>> -> memref<160x125xi32, #tpu.memory_space<hbm>>
      tpu.wait_dma2 semaphore(%run_scoped3A : memref<!tpu.dma_semaphore, #tpu.memory_space<semaphore_mem>>) src(%dma_wait3A_68 : memref<160x125xi32, #tpu.memory_space<hbm>>) dst(%arg7 : memref<160x125xi32, #tpu.memory_space<vmem>>)
      tpu.yield
    }) : () -> ()
    %dma_start3A = arith.constant 0 : i32
    %dma_start3A_1 = arith.constant 0 : i32
    %dma_start3A_2 = tpu.memref_slice %arg7[%dma_start3A, %dma_start3A_1] : memref<160x125xi32, #tpu.memory_space<vmem>> -> memref<1x125xi32, #tpu.memory_space<vmem>>
    %dma_start3A_3 = tpu.memref_squeeze %dma_start3A_2 : memref<1x125xi32, #tpu.memory_space<vmem>> -> memref<125xi32, #tpu.memory_space<vmem>>
    %dma_start3A_4 = arith.constant 0 : i32
    %dma_start3A_5 = arith.constant 0 : i32
    %dma_start3A_6 = tpu.memref_slice %arg2[%dma_start3A_4, %dma_start3A_5] : memref<20000x64xf32, #tpu.memory_space<hbm>> -> memref<20000x64xf32, #tpu.memory_space<hbm>>
    tpu.enqueue_indirect_dma source(%dma_start3A_6 : memref<20000x64xf32, #tpu.memory_space<hbm>>) target(%arg9 : memref<125x64xf32, #tpu.memory_space<vmem>>) offsets(%dma_start3A_3 : memref<125xi32, #tpu.memory_space<vmem>>) semaphore(%arg15 : memref<!tpu.dma_semaphore, #tpu.memory_space<semaphore_mem>>)
    %dma_start3A_7 = arith.constant 1 : i32
    %dma_start3A_8 = arith.constant 0 : i32
    %dma_start3A_9 = tpu.memref_slice %arg7[%dma_start3A_7, %dma_start3A_8] : memref<160x125xi32, #tpu.memory_space<vmem>> -> memref<1x125xi32, #tpu.memory_space<vmem>>
    %dma_start3A_10 = tpu.memref_squeeze %dma_start3A_9 : memref<1x125xi32, #tpu.memory_space<vmem>> -> memref<125xi32, #tpu.memory_space<vmem>>
    %dma_start3A_11 = arith.constant 0 : i32
    %dma_start3A_12 = arith.constant 0 : i32
    %dma_start3A_13 = tpu.memref_slice %arg2[%dma_start3A_11, %dma_start3A_12] : memref<20000x64xf32, #tpu.memory_space<hbm>> -> memref<20000x64xf32, #tpu.memory_space<hbm>>
    tpu.enqueue_indirect_dma source(%dma_start3A_13 : memref<20000x64xf32, #tpu.memory_space<hbm>>) target(%arg10 : memref<125x64xf32, #tpu.memory_space<vmem>>) offsets(%dma_start3A_10 : memref<125xi32, #tpu.memory_space<vmem>>) semaphore(%arg16 : memref<!tpu.dma_semaphore, #tpu.memory_space<semaphore_mem>>)
    %dma_start3A_14 = arith.constant 2 : i32
    %dma_start3A_15 = arith.constant 0 : i32
    %dma_start3A_16 = tpu.memref_slice %arg7[%dma_start3A_14, %dma_start3A_15] : memref<160x125xi32, #tpu.memory_space<vmem>> -> memref<1x125xi32, #tpu.memory_space<vmem>>
    %dma_start3A_17 = tpu.memref_squeeze %dma_start3A_16 : memref<1x125xi32, #tpu.memory_space<vmem>> -> memref<125xi32, #tpu.memory_space<vmem>>
    %dma_start3A_18 = arith.constant 0 : i32
    %dma_start3A_19 = arith.constant 0 : i32
    %dma_start3A_20 = tpu.memref_slice %arg2[%dma_start3A_18, %dma_start3A_19] : memref<20000x64xf32, #tpu.memory_space<hbm>> -> memref<20000x64xf32, #tpu.memory_space<hbm>>
    tpu.enqueue_indirect_dma source(%dma_start3A_20 : memref<20000x64xf32, #tpu.memory_space<hbm>>) target(%arg11 : memref<125x64xf32, #tpu.memory_space<vmem>>) offsets(%dma_start3A_17 : memref<125xi32, #tpu.memory_space<vmem>>) semaphore(%arg17 : memref<!tpu.dma_semaphore, #tpu.memory_space<semaphore_mem>>)
    %dma_start3A_21 = arith.constant 3 : i32
    %dma_start3A_22 = arith.constant 0 : i32
    %dma_start3A_23 = tpu.memref_slice %arg7[%dma_start3A_21, %dma_start3A_22] : memref<160x125xi32, #tpu.memory_space<vmem>> -> memref<1x125xi32, #tpu.memory_space<vmem>>
    %dma_start3A_24 = tpu.memref_squeeze %dma_start3A_23 : memref<1x125xi32, #tpu.memory_space<vmem>> -> memref<125xi32, #tpu.memory_space<vmem>>
    %dma_start3A_25 = arith.constant 0 : i32
    %dma_start3A_26 = arith.constant 0 : i32
    %dma_start3A_27 = tpu.memref_slice %arg2[%dma_start3A_25, %dma_start3A_26] : memref<20000x64xf32, #tpu.memory_space<hbm>> -> memref<20000x64xf32, #tpu.memory_space<hbm>>
    tpu.enqueue_indirect_dma source(%dma_start3A_27 : memref<20000x64xf32, #tpu.memory_space<hbm>>) target(%arg12 : memref<125x64xf32, #tpu.memory_space<vmem>>) offsets(%dma_start3A_24 : memref<125xi32, #tpu.memory_space<vmem>>) semaphore(%arg18 : memref<!tpu.dma_semaphore, #tpu.memory_space<semaphore_mem>>)
    %dma_start3A_28 = arith.constant 4 : i32
    %dma_start3A_29 = arith.constant 0 : i32
    %dma_start3A_30 = tpu.memref_slice %arg7[%dma_start3A_28, %dma_start3A_29] : memref<160x125xi32, #tpu.memory_space<vmem>> -> memref<1x125xi32, #tpu.memory_space<vmem>>
    %dma_start3A_31 = tpu.memref_squeeze %dma_start3A_30 : memref<1x125xi32, #tpu.memory_space<vmem>> -> memref<125xi32, #tpu.memory_space<vmem>>
    %dma_start3A_32 = arith.constant 0 : i32
    %dma_start3A_33 = arith.constant 0 : i32
    %dma_start3A_34 = tpu.memref_slice %arg2[%dma_start3A_32, %dma_start3A_33] : memref<20000x64xf32, #tpu.memory_space<hbm>> -> memref<20000x64xf32, #tpu.memory_space<hbm>>
    tpu.enqueue_indirect_dma source(%dma_start3A_34 : memref<20000x64xf32, #tpu.memory_space<hbm>>) target(%arg13 : memref<125x64xf32, #tpu.memory_space<vmem>>) offsets(%dma_start3A_31 : memref<125xi32, #tpu.memory_space<vmem>>) semaphore(%arg19 : memref<!tpu.dma_semaphore, #tpu.memory_space<semaphore_mem>>)
    "tpu.region"() ({
      %run_scoped3A = tpu.sem_alloc : memref<!tpu.dma_semaphore, #tpu.memory_space<semaphore_mem>>
      %dma_start3A_58 = arith.constant 0 : i32
      %dma_start3A_59 = tpu.memref_slice %arg4[%mul3A_0, %dma_start3A_58] : memref<2560x125xi32, #tpu.memory_space<hbm>> -> memref<160x125xi32, #tpu.memory_space<hbm>>
      %dma_start3A_60 = arith.constant 0 : i32
      %dma_start3A_61 = tpu.memref_slice %arg4[%mul3A_0, %dma_start3A_60] : memref<2560x125xi32, #tpu.memory_space<hbm>> -> memref<160x125xi32, #tpu.memory_space<hbm>>
      tpu.enqueue_dma source(%dma_start3A_61 : memref<160x125xi32, #tpu.memory_space<hbm>>) target(%arg8 : memref<160x125xi32, #tpu.memory_space<vmem>>) target_semaphore(%run_scoped3A : memref<!tpu.dma_semaphore, #tpu.memory_space<semaphore_mem>>)
      %dma_wait3A = arith.constant 0 : i32
      %dma_wait3A_62 = tpu.memref_slice %arg4[%mul3A_0, %dma_wait3A] : memref<2560x125xi32, #tpu.memory_space<hbm>> -> memref<160x125xi32, #tpu.memory_space<hbm>>
      %dma_wait3A_63 = arith.constant 0 : i32
      %dma_wait3A_64 = tpu.memref_slice %arg4[%mul3A_0, %dma_wait3A_63] : memref<2560x125xi32, #tpu.memory_space<hbm>> -> memref<160x125xi32, #tpu.memory_space<hbm>>
      tpu.wait_dma2 semaphore(%run_scoped3A : memref<!tpu.dma_semaphore, #tpu.memory_space<semaphore_mem>>) src(%dma_wait3A_64 : memref<160x125xi32, #tpu.memory_space<hbm>>) dst(%arg8 : memref<160x125xi32, #tpu.memory_space<vmem>>)
      tpu.yield
    }) : () -> ()
    %mul3A_35 = arith.constant 624 : i32
    %mul3A_36 = arith.muli %arg1, %mul3A_35 : i32
    %mul3A_37 = arith.constant 624 : i32
    %mul3A_38 = arith.muli %arg1, %mul3A_37 : i32
    "tpu.region"() ({
      %run_scoped3A = tpu.sem_alloc : memref<!tpu.dma_semaphore, #tpu.memory_space<semaphore_mem>>
      %dma_start3A_58 = arith.constant 0 : i32
      %dma_start3A_59 = tpu.memref_slice %arg14[%mul3A_38, %dma_start3A_58] : memref<10000x64xf32, #tpu.memory_space<vmem_shared>> -> memref<624x64xf32, #tpu.memory_space<vmem_shared>>
      %dma_start3A_60 = arith.constant 0 : i32
      %dma_start3A_61 = tpu.memref_slice %arg5[%mul3A_36, %dma_start3A_60] : memref<10000x64xf32, #tpu.memory_space<hbm>> -> memref<624x64xf32, #tpu.memory_space<hbm>>
      tpu.enqueue_dma source(%dma_start3A_61 : memref<624x64xf32, #tpu.memory_space<hbm>>) target(%dma_start3A_59 : memref<624x64xf32, #tpu.memory_space<vmem_shared>>) target_semaphore(%run_scoped3A : memref<!tpu.dma_semaphore, #tpu.memory_space<semaphore_mem>>)
      %dma_wait3A = arith.constant 0 : i32
      %dma_wait3A_62 = tpu.memref_slice %arg14[%mul3A_38, %dma_wait3A] : memref<10000x64xf32, #tpu.memory_space<vmem_shared>> -> memref<624x64xf32, #tpu.memory_space<vmem_shared>>
      %dma_wait3A_63 = arith.constant 0 : i32
      %dma_wait3A_64 = tpu.memref_slice %arg5[%mul3A_36, %dma_wait3A_63] : memref<10000x64xf32, #tpu.memory_space<hbm>> -> memref<624x64xf32, #tpu.memory_space<hbm>>
      tpu.wait_dma2 semaphore(%run_scoped3A : memref<!tpu.dma_semaphore, #tpu.memory_space<semaphore_mem>>) src(%dma_wait3A_64 : memref<624x64xf32, #tpu.memory_space<hbm>>) dst(%dma_wait3A_62 : memref<624x64xf32, #tpu.memory_space<vmem_shared>>)
      tpu.yield
    }) : () -> ()
    %eq3A = arith.constant 15 : i32
    %eq3A_39 = arith.cmpi eq, %arg1, %eq3A : i32
    %convert_element_type3A = arith.extui %eq3A_39 : i1 to i32
    %cond3A = arith.constant 0 : i32
    %cond3A_40 = arith.cmpi ne, %convert_element_type3A, %cond3A : i32
    scf.if %cond3A_40 {
      "tpu.region"() ({
        %run_scoped3A = tpu.sem_alloc : memref<!tpu.dma_semaphore, #tpu.memory_space<semaphore_mem>>
        %dma_start3A_58 = arith.constant 9984 : i32
        %dma_start3A_59 = arith.constant 0 : i32
        %dma_start3A_60 = tpu.memref_slice %arg14[%dma_start3A_58, %dma_start3A_59] : memref<10000x64xf32, #tpu.memory_space<vmem_shared>> -> memref<16x64xf32, #tpu.memory_space<vmem_shared>>
        %dma_start3A_61 = arith.constant 9984 : i32
        %dma_start3A_62 = arith.constant 0 : i32
        %dma_start3A_63 = tpu.memref_slice %arg5[%dma_start3A_61, %dma_start3A_62] : memref<10000x64xf32, #tpu.memory_space<hbm>> -> memref<16x64xf32, #tpu.memory_space<hbm>>
        tpu.enqueue_dma source(%dma_start3A_63 : memref<16x64xf32, #tpu.memory_space<hbm>>) target(%dma_start3A_60 : memref<16x64xf32, #tpu.memory_space<vmem_shared>>) target_semaphore(%run_scoped3A : memref<!tpu.dma_semaphore, #tpu.memory_space<semaphore_mem>>)
        %dma_wait3A = arith.constant 9984 : i32
        %dma_wait3A_64 = arith.constant 0 : i32
        %dma_wait3A_65 = tpu.memref_slice %arg14[%dma_wait3A, %dma_wait3A_64] : memref<10000x64xf32, #tpu.memory_space<vmem_shared>> -> memref<16x64xf32, #tpu.memory_space<vmem_shared>>
        %dma_wait3A_66 = arith.constant 9984 : i32
        %dma_wait3A_67 = arith.constant 0 : i32
        %dma_wait3A_68 = tpu.memref_slice %arg5[%dma_wait3A_66, %dma_wait3A_67] : memref<10000x64xf32, #tpu.memory_space<hbm>> -> memref<16x64xf32, #tpu.memory_space<hbm>>
        tpu.wait_dma2 semaphore(%run_scoped3A : memref<!tpu.dma_semaphore, #tpu.memory_space<semaphore_mem>>) src(%dma_wait3A_68 : memref<16x64xf32, #tpu.memory_space<hbm>>) dst(%dma_wait3A_65 : memref<16x64xf32, #tpu.memory_space<vmem_shared>>)
        tpu.yield
      }) : () -> ()
    } else {
    }
    %barrier3A = arith.constant 0 : index
    tpu.barrier barrier_id(%barrier3A)
    %scan3A = arith.constant 0 : i32
    %scan3A_41 = arith.constant 0 : i32
    %scan3A_42 = arith.constant 32 : i32
    %scan3A_43 = arith.addi %scan3A_41, %scan3A_42 : i32
    %scan3A_44 = arith.constant 1 : i32
    scf.for %scan3A_58 = %scan3A_41 to %scan3A_43 step %scan3A_44  : i32 {
      %mul3A_59 = arith.constant 5 : i32
      %mul3A_60 = arith.muli %scan3A_58, %mul3A_59 : i32
      %add3A = arith.constant 0 : i32
      %add3A_61 = arith.addi %mul3A_60, %add3A : i32
      %dma_wait3A = arith.constant 0 : i32
      %dma_wait3A_62 = tpu.memref_slice %arg7[%add3A_61, %dma_wait3A] : memref<160x125xi32, #tpu.memory_space<vmem>> -> memref<1x125xi32, #tpu.memory_space<vmem>>
      %dma_wait3A_63 = tpu.memref_squeeze %dma_wait3A_62 : memref<1x125xi32, #tpu.memory_space<vmem>> -> memref<125xi32, #tpu.memory_space<vmem>>
      %dma_wait3A_64 = arith.constant 0 : i32
      %dma_wait3A_65 = arith.constant 0 : i32
      %dma_wait3A_66 = tpu.memref_slice %arg2[%dma_wait3A_64, %dma_wait3A_65] : memref<20000x64xf32, #tpu.memory_space<hbm>> -> memref<20000x64xf32, #tpu.memory_space<hbm>>
      tpu.wait_indirect_dma semaphore(%arg15 : memref<!tpu.dma_semaphore, #tpu.memory_space<semaphore_mem>>) src(%dma_wait3A_66 : memref<20000x64xf32, #tpu.memory_space<hbm>>) dst(%arg9 : memref<125x64xf32, #tpu.memory_space<vmem>>)
      %ge3A = arith.constant 1 : i32
      %ge3A_67 = arith.cmpi sge, %add3A_61, %ge3A : i32
      %convert_element_type3A_68 = arith.extui %ge3A_67 : i1 to i32
      %cond3A_69 = arith.constant 0 : i32
      %cond3A_70 = arith.cmpi ne, %convert_element_type3A_68, %cond3A_69 : i32
      scf.if %cond3A_70 {
        %sub3A_188 = arith.constant 1 : i32
        %sub3A_189 = arith.subi %add3A_61, %sub3A_188 : i32
      } else {
      }
      %ge3A_71 = arith.constant 1 : i32
      %ge3A_72 = arith.cmpi sge, %add3A_61, %ge3A_71 : i32
      %sub3A = arith.constant 1 : i32
      %sub3A_73 = arith.subi %add3A_61, %sub3A : i32
      %add3A_74 = arith.constant 5 : i32
      %add3A_75 = arith.addi %sub3A_73, %add3A_74 : i32
      %lt3A = arith.constant 160 : i32
      %lt3A_76 = arith.cmpi slt, %add3A_75, %lt3A : i32
      %and3A = arith.andi %ge3A_72, %lt3A_76 : i1
      %convert_element_type3A_77 = arith.extui %and3A : i1 to i32
      %cond3A_78 = arith.constant 0 : i32
      %cond3A_79 = arith.cmpi ne, %convert_element_type3A_77, %cond3A_78 : i32
      scf.if %cond3A_79 {
        %sub3A_188 = arith.constant 1 : i32
        %sub3A_189 = arith.subi %add3A_61, %sub3A_188 : i32
        %add3A_190 = arith.constant 5 : i32
        %add3A_191 = arith.addi %sub3A_189, %add3A_190 : i32
        %dma_start3A_192 = arith.constant 0 : i32
        %dma_start3A_193 = tpu.memref_slice %arg7[%add3A_191, %dma_start3A_192] : memref<160x125xi32, #tpu.memory_space<vmem>> -> memref<1x125xi32, #tpu.memory_space<vmem>>
        %dma_start3A_194 = tpu.memref_squeeze %dma_start3A_193 : memref<1x125xi32, #tpu.memory_space<vmem>> -> memref<125xi32, #tpu.memory_space<vmem>>
        %dma_start3A_195 = arith.constant 0 : i32
        %dma_start3A_196 = arith.constant 0 : i32
        %dma_start3A_197 = tpu.memref_slice %arg2[%dma_start3A_195, %dma_start3A_196] : memref<20000x64xf32, #tpu.memory_space<hbm>> -> memref<20000x64xf32, #tpu.memory_space<hbm>>
        tpu.enqueue_indirect_dma source(%dma_start3A_197 : memref<20000x64xf32, #tpu.memory_space<hbm>>) target(%arg13 : memref<125x64xf32, #tpu.memory_space<vmem>>) offsets(%dma_start3A_194 : memref<125xi32, #tpu.memory_space<vmem>>) semaphore(%arg19 : memref<!tpu.dma_semaphore, #tpu.memory_space<semaphore_mem>>)
      } else {
      }
      %mul3A_80 = arith.constant 5 : i32
      %mul3A_81 = arith.muli %scan3A_58, %mul3A_80 : i32
      %add3A_82 = arith.constant 1 : i32
      %add3A_83 = arith.addi %mul3A_81, %add3A_82 : i32
      %dma_wait3A_84 = arith.constant 0 : i32
      %dma_wait3A_85 = tpu.memref_slice %arg7[%add3A_83, %dma_wait3A_84] : memref<160x125xi32, #tpu.memory_space<vmem>> -> memref<1x125xi32, #tpu.memory_space<vmem>>
      %dma_wait3A_86 = tpu.memref_squeeze %dma_wait3A_85 : memref<1x125xi32, #tpu.memory_space<vmem>> -> memref<125xi32, #tpu.memory_space<vmem>>
      %dma_wait3A_87 = arith.constant 0 : i32
      %dma_wait3A_88 = arith.constant 0 : i32
      %dma_wait3A_89 = tpu.memref_slice %arg2[%dma_wait3A_87, %dma_wait3A_88] : memref<20000x64xf32, #tpu.memory_space<hbm>> -> memref<20000x64xf32, #tpu.memory_space<hbm>>
      tpu.wait_indirect_dma semaphore(%arg16 : memref<!tpu.dma_semaphore, #tpu.memory_space<semaphore_mem>>) src(%dma_wait3A_89 : memref<20000x64xf32, #tpu.memory_space<hbm>>) dst(%arg10 : memref<125x64xf32, #tpu.memory_space<vmem>>)
      %ge3A_90 = arith.constant 1 : i32
      %ge3A_91 = arith.cmpi sge, %add3A_83, %ge3A_90 : i32
      %convert_element_type3A_92 = arith.extui %ge3A_91 : i1 to i32
      %cond3A_93 = arith.constant 0 : i32
      %cond3A_94 = arith.cmpi ne, %convert_element_type3A_92, %cond3A_93 : i32
      scf.if %cond3A_94 {
        %sub3A_188 = arith.constant 1 : i32
        %sub3A_189 = arith.subi %add3A_83, %sub3A_188 : i32
      } else {
      }
      %ge3A_95 = arith.constant 1 : i32
      %ge3A_96 = arith.cmpi sge, %add3A_83, %ge3A_95 : i32
      %sub3A_97 = arith.constant 1 : i32
      %sub3A_98 = arith.subi %add3A_83, %sub3A_97 : i32
      %add3A_99 = arith.constant 5 : i32
      %add3A_100 = arith.addi %sub3A_98, %add3A_99 : i32
      %lt3A_101 = arith.constant 160 : i32
      %lt3A_102 = arith.cmpi slt, %add3A_100, %lt3A_101 : i32
      %and3A_103 = arith.andi %ge3A_96, %lt3A_102 : i1
      %convert_element_type3A_104 = arith.extui %and3A_103 : i1 to i32
      %cond3A_105 = arith.constant 0 : i32
      %cond3A_106 = arith.cmpi ne, %convert_element_type3A_104, %cond3A_105 : i32
      scf.if %cond3A_106 {
        %sub3A_188 = arith.constant 1 : i32
        %sub3A_189 = arith.subi %add3A_83, %sub3A_188 : i32
        %add3A_190 = arith.constant 5 : i32
        %add3A_191 = arith.addi %sub3A_189, %add3A_190 : i32
        %dma_start3A_192 = arith.constant 0 : i32
        %dma_start3A_193 = tpu.memref_slice %arg7[%add3A_191, %dma_start3A_192] : memref<160x125xi32, #tpu.memory_space<vmem>> -> memref<1x125xi32, #tpu.memory_space<vmem>>
        %dma_start3A_194 = tpu.memref_squeeze %dma_start3A_193 : memref<1x125xi32, #tpu.memory_space<vmem>> -> memref<125xi32, #tpu.memory_space<vmem>>
        %dma_start3A_195 = arith.constant 0 : i32
        %dma_start3A_196 = arith.constant 0 : i32
        %dma_start3A_197 = tpu.memref_slice %arg2[%dma_start3A_195, %dma_start3A_196] : memref<20000x64xf32, #tpu.memory_space<hbm>> -> memref<20000x64xf32, #tpu.memory_space<hbm>>
        tpu.enqueue_indirect_dma source(%dma_start3A_197 : memref<20000x64xf32, #tpu.memory_space<hbm>>) target(%arg9 : memref<125x64xf32, #tpu.memory_space<vmem>>) offsets(%dma_start3A_194 : memref<125xi32, #tpu.memory_space<vmem>>) semaphore(%arg15 : memref<!tpu.dma_semaphore, #tpu.memory_space<semaphore_mem>>)
      } else {
      }
      %mul3A_107 = arith.constant 5 : i32
      %mul3A_108 = arith.muli %scan3A_58, %mul3A_107 : i32
      %add3A_109 = arith.constant 2 : i32
      %add3A_110 = arith.addi %mul3A_108, %add3A_109 : i32
      %dma_wait3A_111 = arith.constant 0 : i32
      %dma_wait3A_112 = tpu.memref_slice %arg7[%add3A_110, %dma_wait3A_111] : memref<160x125xi32, #tpu.memory_space<vmem>> -> memref<1x125xi32, #tpu.memory_space<vmem>>
      %dma_wait3A_113 = tpu.memref_squeeze %dma_wait3A_112 : memref<1x125xi32, #tpu.memory_space<vmem>> -> memref<125xi32, #tpu.memory_space<vmem>>
      %dma_wait3A_114 = arith.constant 0 : i32
      %dma_wait3A_115 = arith.constant 0 : i32
      %dma_wait3A_116 = tpu.memref_slice %arg2[%dma_wait3A_114, %dma_wait3A_115] : memref<20000x64xf32, #tpu.memory_space<hbm>> -> memref<20000x64xf32, #tpu.memory_space<hbm>>
      tpu.wait_indirect_dma semaphore(%arg17 : memref<!tpu.dma_semaphore, #tpu.memory_space<semaphore_mem>>) src(%dma_wait3A_116 : memref<20000x64xf32, #tpu.memory_space<hbm>>) dst(%arg11 : memref<125x64xf32, #tpu.memory_space<vmem>>)
      %ge3A_117 = arith.constant 1 : i32
      %ge3A_118 = arith.cmpi sge, %add3A_110, %ge3A_117 : i32
      %convert_element_type3A_119 = arith.extui %ge3A_118 : i1 to i32
      %cond3A_120 = arith.constant 0 : i32
      %cond3A_121 = arith.cmpi ne, %convert_element_type3A_119, %cond3A_120 : i32
      scf.if %cond3A_121 {
        %sub3A_188 = arith.constant 1 : i32
        %sub3A_189 = arith.subi %add3A_110, %sub3A_188 : i32
      } else {
      }
      %ge3A_122 = arith.constant 1 : i32
      %ge3A_123 = arith.cmpi sge, %add3A_110, %ge3A_122 : i32
      %sub3A_124 = arith.constant 1 : i32
      %sub3A_125 = arith.subi %add3A_110, %sub3A_124 : i32
      %add3A_126 = arith.constant 5 : i32
      %add3A_127 = arith.addi %sub3A_125, %add3A_126 : i32
      %lt3A_128 = arith.constant 160 : i32
      %lt3A_129 = arith.cmpi slt, %add3A_127, %lt3A_128 : i32
      %and3A_130 = arith.andi %ge3A_123, %lt3A_129 : i1
      %convert_element_type3A_131 = arith.extui %and3A_130 : i1 to i32
      %cond3A_132 = arith.constant 0 : i32
      %cond3A_133 = arith.cmpi ne, %convert_element_type3A_131, %cond3A_132 : i32
      scf.if %cond3A_133 {
        %sub3A_188 = arith.constant 1 : i32
        %sub3A_189 = arith.subi %add3A_110, %sub3A_188 : i32
        %add3A_190 = arith.constant 5 : i32
        %add3A_191 = arith.addi %sub3A_189, %add3A_190 : i32
        %dma_start3A_192 = arith.constant 0 : i32
        %dma_start3A_193 = tpu.memref_slice %arg7[%add3A_191, %dma_start3A_192] : memref<160x125xi32, #tpu.memory_space<vmem>> -> memref<1x125xi32, #tpu.memory_space<vmem>>
        %dma_start3A_194 = tpu.memref_squeeze %dma_start3A_193 : memref<1x125xi32, #tpu.memory_space<vmem>> -> memref<125xi32, #tpu.memory_space<vmem>>
        %dma_start3A_195 = arith.constant 0 : i32
        %dma_start3A_196 = arith.constant 0 : i32
        %dma_start3A_197 = tpu.memref_slice %arg2[%dma_start3A_195, %dma_start3A_196] : memref<20000x64xf32, #tpu.memory_space<hbm>> -> memref<20000x64xf32, #tpu.memory_space<hbm>>
        tpu.enqueue_indirect_dma source(%dma_start3A_197 : memref<20000x64xf32, #tpu.memory_space<hbm>>) target(%arg10 : memref<125x64xf32, #tpu.memory_space<vmem>>) offsets(%dma_start3A_194 : memref<125xi32, #tpu.memory_space<vmem>>) semaphore(%arg16 : memref<!tpu.dma_semaphore, #tpu.memory_space<semaphore_mem>>)
      } else {
      }
      %mul3A_134 = arith.constant 5 : i32
      %mul3A_135 = arith.muli %scan3A_58, %mul3A_134 : i32
      %add3A_136 = arith.constant 3 : i32
      %add3A_137 = arith.addi %mul3A_135, %add3A_136 : i32
      %dma_wait3A_138 = arith.constant 0 : i32
      %dma_wait3A_139 = tpu.memref_slice %arg7[%add3A_137, %dma_wait3A_138] : memref<160x125xi32, #tpu.memory_space<vmem>> -> memref<1x125xi32, #tpu.memory_space<vmem>>
      %dma_wait3A_140 = tpu.memref_squeeze %dma_wait3A_139 : memref<1x125xi32, #tpu.memory_space<vmem>> -> memref<125xi32, #tpu.memory_space<vmem>>
      %dma_wait3A_141 = arith.constant 0 : i32
      %dma_wait3A_142 = arith.constant 0 : i32
      %dma_wait3A_143 = tpu.memref_slice %arg2[%dma_wait3A_141, %dma_wait3A_142] : memref<20000x64xf32, #tpu.memory_space<hbm>> -> memref<20000x64xf32, #tpu.memory_space<hbm>>
      tpu.wait_indirect_dma semaphore(%arg18 : memref<!tpu.dma_semaphore, #tpu.memory_space<semaphore_mem>>) src(%dma_wait3A_143 : memref<20000x64xf32, #tpu.memory_space<hbm>>) dst(%arg12 : memref<125x64xf32, #tpu.memory_space<vmem>>)
      %ge3A_144 = arith.constant 1 : i32
      %ge3A_145 = arith.cmpi sge, %add3A_137, %ge3A_144 : i32
      %convert_element_type3A_146 = arith.extui %ge3A_145 : i1 to i32
      %cond3A_147 = arith.constant 0 : i32
      %cond3A_148 = arith.cmpi ne, %convert_element_type3A_146, %cond3A_147 : i32
      scf.if %cond3A_148 {
        %sub3A_188 = arith.constant 1 : i32
        %sub3A_189 = arith.subi %add3A_137, %sub3A_188 : i32
      } else {
      }
      %ge3A_149 = arith.constant 1 : i32
      %ge3A_150 = arith.cmpi sge, %add3A_137, %ge3A_149 : i32
      %sub3A_151 = arith.constant 1 : i32
      %sub3A_152 = arith.subi %add3A_137, %sub3A_151 : i32
      %add3A_153 = arith.constant 5 : i32
      %add3A_154 = arith.addi %sub3A_152, %add3A_153 : i32
      %lt3A_155 = arith.constant 160 : i32
      %lt3A_156 = arith.cmpi slt, %add3A_154, %lt3A_155 : i32
      %and3A_157 = arith.andi %ge3A_150, %lt3A_156 : i1
      %convert_element_type3A_158 = arith.extui %and3A_157 : i1 to i32
      %cond3A_159 = arith.constant 0 : i32
      %cond3A_160 = arith.cmpi ne, %convert_element_type3A_158, %cond3A_159 : i32
      scf.if %cond3A_160 {
        %sub3A_188 = arith.constant 1 : i32
        %sub3A_189 = arith.subi %add3A_137, %sub3A_188 : i32
        %add3A_190 = arith.constant 5 : i32
        %add3A_191 = arith.addi %sub3A_189, %add3A_190 : i32
        %dma_start3A_192 = arith.constant 0 : i32
        %dma_start3A_193 = tpu.memref_slice %arg7[%add3A_191, %dma_start3A_192] : memref<160x125xi32, #tpu.memory_space<vmem>> -> memref<1x125xi32, #tpu.memory_space<vmem>>
        %dma_start3A_194 = tpu.memref_squeeze %dma_start3A_193 : memref<1x125xi32, #tpu.memory_space<vmem>> -> memref<125xi32, #tpu.memory_space<vmem>>
        %dma_start3A_195 = arith.constant 0 : i32
        %dma_start3A_196 = arith.constant 0 : i32
        %dma_start3A_197 = tpu.memref_slice %arg2[%dma_start3A_195, %dma_start3A_196] : memref<20000x64xf32, #tpu.memory_space<hbm>> -> memref<20000x64xf32, #tpu.memory_space<hbm>>
        tpu.enqueue_indirect_dma source(%dma_start3A_197 : memref<20000x64xf32, #tpu.memory_space<hbm>>) target(%arg11 : memref<125x64xf32, #tpu.memory_space<vmem>>) offsets(%dma_start3A_194 : memref<125xi32, #tpu.memory_space<vmem>>) semaphore(%arg17 : memref<!tpu.dma_semaphore, #tpu.memory_space<semaphore_mem>>)
      } else {
      }
      %mul3A_161 = arith.constant 5 : i32
      %mul3A_162 = arith.muli %scan3A_58, %mul3A_161 : i32
      %add3A_163 = arith.constant 4 : i32
      %add3A_164 = arith.addi %mul3A_162, %add3A_163 : i32
      %dma_wait3A_165 = arith.constant 0 : i32
      %dma_wait3A_166 = tpu.memref_slice %arg7[%add3A_164, %dma_wait3A_165] : memref<160x125xi32, #tpu.memory_space<vmem>> -> memref<1x125xi32, #tpu.memory_space<vmem>>
      %dma_wait3A_167 = tpu.memref_squeeze %dma_wait3A_166 : memref<1x125xi32, #tpu.memory_space<vmem>> -> memref<125xi32, #tpu.memory_space<vmem>>
      %dma_wait3A_168 = arith.constant 0 : i32
      %dma_wait3A_169 = arith.constant 0 : i32
      %dma_wait3A_170 = tpu.memref_slice %arg2[%dma_wait3A_168, %dma_wait3A_169] : memref<20000x64xf32, #tpu.memory_space<hbm>> -> memref<20000x64xf32, #tpu.memory_space<hbm>>
      tpu.wait_indirect_dma semaphore(%arg19 : memref<!tpu.dma_semaphore, #tpu.memory_space<semaphore_mem>>) src(%dma_wait3A_170 : memref<20000x64xf32, #tpu.memory_space<hbm>>) dst(%arg13 : memref<125x64xf32, #tpu.memory_space<vmem>>)
      %ge3A_171 = arith.constant 1 : i32
      %ge3A_172 = arith.cmpi sge, %add3A_164, %ge3A_171 : i32
      %convert_element_type3A_173 = arith.extui %ge3A_172 : i1 to i32
      %cond3A_174 = arith.constant 0 : i32
      %cond3A_175 = arith.cmpi ne, %convert_element_type3A_173, %cond3A_174 : i32
      scf.if %cond3A_175 {
        %sub3A_188 = arith.constant 1 : i32
        %sub3A_189 = arith.subi %add3A_164, %sub3A_188 : i32
      } else {
      }
      %ge3A_176 = arith.constant 1 : i32
      %ge3A_177 = arith.cmpi sge, %add3A_164, %ge3A_176 : i32
      %sub3A_178 = arith.constant 1 : i32
      %sub3A_179 = arith.subi %add3A_164, %sub3A_178 : i32
      %add3A_180 = arith.constant 5 : i32
      %add3A_181 = arith.addi %sub3A_179, %add3A_180 : i32
      %lt3A_182 = arith.constant 160 : i32
      %lt3A_183 = arith.cmpi slt, %add3A_181, %lt3A_182 : i32
      %and3A_184 = arith.andi %ge3A_177, %lt3A_183 : i1
      %convert_element_type3A_185 = arith.extui %and3A_184 : i1 to i32
      %cond3A_186 = arith.constant 0 : i32
      %cond3A_187 = arith.cmpi ne, %convert_element_type3A_185, %cond3A_186 : i32
      scf.if %cond3A_187 {
        %sub3A_188 = arith.constant 1 : i32
        %sub3A_189 = arith.subi %add3A_164, %sub3A_188 : i32
        %add3A_190 = arith.constant 5 : i32
        %add3A_191 = arith.addi %sub3A_189, %add3A_190 : i32
        %dma_start3A_192 = arith.constant 0 : i32
        %dma_start3A_193 = tpu.memref_slice %arg7[%add3A_191, %dma_start3A_192] : memref<160x125xi32, #tpu.memory_space<vmem>> -> memref<1x125xi32, #tpu.memory_space<vmem>>
        %dma_start3A_194 = tpu.memref_squeeze %dma_start3A_193 : memref<1x125xi32, #tpu.memory_space<vmem>> -> memref<125xi32, #tpu.memory_space<vmem>>
        %dma_start3A_195 = arith.constant 0 : i32
        %dma_start3A_196 = arith.constant 0 : i32
        %dma_start3A_197 = tpu.memref_slice %arg2[%dma_start3A_195, %dma_start3A_196] : memref<20000x64xf32, #tpu.memory_space<hbm>> -> memref<20000x64xf32, #tpu.memory_space<hbm>>
        tpu.enqueue_indirect_dma source(%dma_start3A_197 : memref<20000x64xf32, #tpu.memory_space<hbm>>) target(%arg12 : memref<125x64xf32, #tpu.memory_space<vmem>>) offsets(%dma_start3A_194 : memref<125xi32, #tpu.memory_space<vmem>>) semaphore(%arg18 : memref<!tpu.dma_semaphore, #tpu.memory_space<semaphore_mem>>)
      } else {
      }
    }
    %scan3A_45 = arith.constant 32 : i32
    %barrier3A_46 = arith.constant 0 : index
    tpu.barrier barrier_id(%barrier3A_46)
    %mul3A_47 = arith.constant 64 : i32
    %mul3A_48 = arith.muli %arg0, %mul3A_47 : i32
    %mul3A_49 = arith.constant 624 : i32
    %mul3A_50 = arith.muli %arg1, %mul3A_49 : i32
    %mul3A_51 = arith.constant 624 : i32
    %mul3A_52 = arith.muli %arg1, %mul3A_51 : i32
    "tpu.region"() ({
      %run_scoped3A = tpu.sem_alloc : memref<!tpu.dma_semaphore, #tpu.memory_space<semaphore_mem>>
      %dma_start3A_58 = arith.constant 0 : i32
      %dma_start3A_59 = tpu.memref_slice %arg6[%dma_start3A_58, %mul3A_48] : memref<10000x128xf32, #tpu.memory_space<hbm>> -> memref<10000x64xf32, #tpu.memory_space<hbm>>
      %dma_start3A_60 = arith.constant 0 : i32
      %dma_start3A_61 = tpu.memref_slice %dma_start3A_59[%mul3A_52, %dma_start3A_60] : memref<10000x64xf32, #tpu.memory_space<hbm>> -> memref<624x64xf32, #tpu.memory_space<hbm>>
      %dma_start3A_62 = arith.constant 0 : i32
      %dma_start3A_63 = tpu.memref_slice %arg14[%mul3A_50, %dma_start3A_62] : memref<10000x64xf32, #tpu.memory_space<vmem_shared>> -> memref<624x64xf32, #tpu.memory_space<vmem_shared>>
      tpu.enqueue_dma source(%dma_start3A_63 : memref<624x64xf32, #tpu.memory_space<vmem_shared>>) target(%dma_start3A_61 : memref<624x64xf32, #tpu.memory_space<hbm>>) target_semaphore(%run_scoped3A : memref<!tpu.dma_semaphore, #tpu.memory_space<semaphore_mem>>)
      %dma_wait3A = arith.constant 0 : i32
      %dma_wait3A_64 = tpu.memref_slice %arg6[%dma_wait3A, %mul3A_48] : memref<10000x128xf32, #tpu.memory_space<hbm>> -> memref<10000x64xf32, #tpu.memory_space<hbm>>
      %dma_wait3A_65 = arith.constant 0 : i32
      %dma_wait3A_66 = tpu.memref_slice %dma_wait3A_64[%mul3A_52, %dma_wait3A_65] : memref<10000x64xf32, #tpu.memory_space<hbm>> -> memref<624x64xf32, #tpu.memory_space<hbm>>
      %dma_wait3A_67 = arith.constant 0 : i32
      %dma_wait3A_68 = tpu.memref_slice %arg14[%mul3A_50, %dma_wait3A_67] : memref<10000x64xf32, #tpu.memory_space<vmem_shared>> -> memref<624x64xf32, #tpu.memory_space<vmem_shared>>
      tpu.wait_dma2 semaphore(%run_scoped3A : memref<!tpu.dma_semaphore, #tpu.memory_space<semaphore_mem>>) src(%dma_wait3A_68 : memref<624x64xf32, #tpu.memory_space<vmem_shared>>) dst(%dma_wait3A_66 : memref<624x64xf32, #tpu.memory_space<hbm>>)
      tpu.yield
    }) : () -> ()
    %eq3A_53 = arith.constant 15 : i32
    %eq3A_54 = arith.cmpi eq, %arg1, %eq3A_53 : i32
    %convert_element_type3A_55 = arith.extui %eq3A_54 : i1 to i32
    %cond3A_56 = arith.constant 0 : i32
    %cond3A_57 = arith.cmpi ne, %convert_element_type3A_55, %cond3A_56 : i32
    scf.if %cond3A_57 {
      "tpu.region"() ({
        %run_scoped3A = tpu.sem_alloc : memref<!tpu.dma_semaphore, #tpu.memory_space<semaphore_mem>>
        %dma_start3A_58 = arith.constant 0 : i32
        %dma_start3A_59 = tpu.memref_slice %arg6[%dma_start3A_58, %mul3A_48] : memref<10000x128xf32, #tpu.memory_space<hbm>> -> memref<10000x64xf32, #tpu.memory_space<hbm>>
        %dma_start3A_60 = arith.constant 9984 : i32
        %dma_start3A_61 = arith.constant 0 : i32
        %dma_start3A_62 = tpu.memref_slice %dma_start3A_59[%dma_start3A_60, %dma_start3A_61] : memref<10000x64xf32, #tpu.memory_space<hbm>> -> memref<16x64xf32, #tpu.memory_space<hbm>>
        %dma_start3A_63 = arith.constant 9984 : i32
        %dma_start3A_64 = arith.constant 0 : i32
        %dma_start3A_65 = tpu.memref_slice %arg14[%dma_start3A_63, %dma_start3A_64] : memref<10000x64xf32, #tpu.memory_space<vmem_shared>> -> memref<16x64xf32, #tpu.memory_space<vmem_shared>>
        tpu.enqueue_dma source(%dma_start3A_65 : memref<16x64xf32, #tpu.memory_space<vmem_shared>>) target(%dma_start3A_62 : memref<16x64xf32, #tpu.memory_space<hbm>>) target_semaphore(%run_scoped3A : memref<!tpu.dma_semaphore, #tpu.memory_space<semaphore_mem>>)
        %dma_wait3A = arith.constant 0 : i32
        %dma_wait3A_66 = tpu.memref_slice %arg6[%dma_wait3A, %mul3A_48] : memref<10000x128xf32, #tpu.memory_space<hbm>> -> memref<10000x64xf32, #tpu.memory_space<hbm>>
        %dma_wait3A_67 = arith.constant 9984 : i32
        %dma_wait3A_68 = arith.constant 0 : i32
        %dma_wait3A_69 = tpu.memref_slice %dma_wait3A_66[%dma_wait3A_67, %dma_wait3A_68] : memref<10000x64xf32, #tpu.memory_space<hbm>> -> memref<16x64xf32, #tpu.memory_space<hbm>>
        %dma_wait3A_70 = arith.constant 9984 : i32
        %dma_wait3A_71 = arith.constant 0 : i32
        %dma_wait3A_72 = tpu.memref_slice %arg14[%dma_wait3A_70, %dma_wait3A_71] : memref<10000x64xf32, #tpu.memory_space<vmem_shared>> -> memref<16x64xf32, #tpu.memory_space<vmem_shared>>
        tpu.wait_dma2 semaphore(%run_scoped3A : memref<!tpu.dma_semaphore, #tpu.memory_space<semaphore_mem>>) src(%dma_wait3A_72 : memref<16x64xf32, #tpu.memory_space<vmem_shared>>) dst(%dma_wait3A_69 : memref<16x64xf32, #tpu.memory_space<hbm>>)
        tpu.yield
      }) : () -> ()
    } else {
    }
    return
  }
}

#map = affine_map<(d0, d1) -> (0, 0)>
#map1 = affine_map<(d0, d1) -> (0, 0, 0)>
module attributes {stable_mosaic.version = 14 : i64} {
  func.func @body(%arg0: i32, %arg1: i32, %arg2: memref<20000x64xf32, #tpu.memory_space<hbm>>, %arg3: memref<2x2560x125xi32, #tpu.memory_space<hbm>>, %arg4: memref<2560x125xi32, #tpu.memory_space<hbm>>, %arg5: memref<10000x64xf32, #tpu.memory_space<hbm>>, %arg6: memref<10000x128xf32, #tpu.memory_space<hbm>>, %arg7: memref<80x125xi32, #tpu.memory_space<vmem>>, %arg8: memref<80x125xi32, #tpu.memory_space<vmem>>, %arg9: memref<125x64xf32, #tpu.memory_space<vmem>>, %arg10: memref<125x64xf32, #tpu.memory_space<vmem>>, %arg11: memref<125x64xf32, #tpu.memory_space<vmem>>, %arg12: memref<125x64xf32, #tpu.memory_space<vmem>>, %arg13: memref<125x64xf32, #tpu.memory_space<vmem>>, %arg14: memref<10000x64xf32, #tpu.memory_space<vmem_shared>>, %arg15: memref<!tpu.dma_semaphore, #tpu.memory_space<semaphore_mem>>, %arg16: memref<!tpu.dma_semaphore, #tpu.memory_space<semaphore_mem>>, %arg17: memref<!tpu.dma_semaphore, #tpu.memory_space<semaphore_mem>>, %arg18: memref<!tpu.dma_semaphore, #tpu.memory_space<semaphore_mem>>, %arg19: memref<!tpu.dma_semaphore, #tpu.memory_space<semaphore_mem>>, %arg20: memref<!tpu.dma_semaphore, #tpu.memory_space<semaphore_mem>>, %arg21: memref<!tpu.dma_semaphore, #tpu.memory_space<semaphore_mem>>, %arg22: memref<!tpu.dma_semaphore, #tpu.memory_space<semaphore_mem>>, %arg23: memref<!tpu.dma_semaphore, #tpu.memory_space<semaphore_mem>>, %arg24: memref<!tpu.dma_semaphore, #tpu.memory_space<semaphore_mem>>) attributes {dimension_semantics = [#tpu.dimension_semantics<core_parallel>, #tpu.dimension_semantics<subcore_parallel>], iteration_bounds = array<i64: 2, 16>, scalar_prefetch = 0 : i64, scratch_operands = 18 : i64, tpu.core_type = #tpu.core_type<sc_vector_subcore>, window_params = [{transform_indices = #map}, {transform_indices = #map1}, {transform_indices = #map}, {transform_indices = #map}, {transform_indices = #map}]} {
    %mul3A = arith.constant 16 : i32
    %mul3A_0 = arith.muli %arg0, %mul3A : i32
    %add3A = arith.addi %mul3A_0, %arg1 : i32
    %mul3A_1 = arith.constant 80 : i32
    %mul3A_2 = arith.muli %add3A, %mul3A_1 : i32
    %run_scoped3A = arith.constant 0 : i32
    "tpu.region"() ({
      %run_scoped3A_60 = tpu.sem_alloc : memref<!tpu.dma_semaphore, #tpu.memory_space<semaphore_mem>>
      %dma_start3A_61 = arith.constant 0 : i32
      %dma_start3A_62 = tpu.memref_slice %arg3[%run_scoped3A, %mul3A_2, %dma_start3A_61] : memref<2x2560x125xi32, #tpu.memory_space<hbm>> -> memref<1x80x125xi32, #tpu.memory_space<hbm>>
      %dma_start3A_63 = tpu.memref_squeeze %dma_start3A_62 : memref<1x80x125xi32, #tpu.memory_space<hbm>> -> memref<80x125xi32, #tpu.memory_space<hbm>>
      %dma_start3A_64 = arith.constant 0 : i32
      %dma_start3A_65 = tpu.memref_slice %arg3[%run_scoped3A, %mul3A_2, %dma_start3A_64] : memref<2x2560x125xi32, #tpu.memory_space<hbm>> -> memref<1x80x125xi32, #tpu.memory_space<hbm>>
      %dma_start3A_66 = tpu.memref_squeeze %dma_start3A_65 : memref<1x80x125xi32, #tpu.memory_space<hbm>> -> memref<80x125xi32, #tpu.memory_space<hbm>>
      tpu.enqueue_dma source(%dma_start3A_66 : memref<80x125xi32, #tpu.memory_space<hbm>>) target(%arg7 : memref<80x125xi32, #tpu.memory_space<vmem>>) target_semaphore(%run_scoped3A_60 : memref<!tpu.dma_semaphore, #tpu.memory_space<semaphore_mem>>)
      %dma_wait3A = arith.constant 0 : i32
      %dma_wait3A_67 = tpu.memref_slice %arg3[%run_scoped3A, %mul3A_2, %dma_wait3A] : memref<2x2560x125xi32, #tpu.memory_space<hbm>> -> memref<1x80x125xi32, #tpu.memory_space<hbm>>
      %dma_wait3A_68 = tpu.memref_squeeze %dma_wait3A_67 : memref<1x80x125xi32, #tpu.memory_space<hbm>> -> memref<80x125xi32, #tpu.memory_space<hbm>>
      %dma_wait3A_69 = arith.constant 0 : i32
      %dma_wait3A_70 = tpu.memref_slice %arg3[%run_scoped3A, %mul3A_2, %dma_wait3A_69] : memref<2x2560x125xi32, #tpu.memory_space<hbm>> -> memref<1x80x125xi32, #tpu.memory_space<hbm>>
      %dma_wait3A_71 = tpu.memref_squeeze %dma_wait3A_70 : memref<1x80x125xi32, #tpu.memory_space<hbm>> -> memref<80x125xi32, #tpu.memory_space<hbm>>
      tpu.wait_dma2 semaphore(%run_scoped3A_60 : memref<!tpu.dma_semaphore, #tpu.memory_space<semaphore_mem>>) src(%dma_wait3A_71 : memref<80x125xi32, #tpu.memory_space<hbm>>) dst(%arg7 : memref<80x125xi32, #tpu.memory_space<vmem>>)
      tpu.yield
    }) : () -> ()
    %dma_start3A = arith.constant 0 : i32
    %dma_start3A_3 = arith.constant 0 : i32
    %dma_start3A_4 = tpu.memref_slice %arg7[%dma_start3A, %dma_start3A_3] : memref<80x125xi32, #tpu.memory_space<vmem>> -> memref<1x125xi32, #tpu.memory_space<vmem>>
    %dma_start3A_5 = tpu.memref_squeeze %dma_start3A_4 : memref<1x125xi32, #tpu.memory_space<vmem>> -> memref<125xi32, #tpu.memory_space<vmem>>
    %dma_start3A_6 = arith.constant 0 : i32
    %dma_start3A_7 = arith.constant 0 : i32
    %dma_start3A_8 = tpu.memref_slice %arg2[%dma_start3A_6, %dma_start3A_7] : memref<20000x64xf32, #tpu.memory_space<hbm>> -> memref<20000x64xf32, #tpu.memory_space<hbm>>
    tpu.enqueue_indirect_dma source(%dma_start3A_8 : memref<20000x64xf32, #tpu.memory_space<hbm>>) target(%arg9 : memref<125x64xf32, #tpu.memory_space<vmem>>) offsets(%dma_start3A_5 : memref<125xi32, #tpu.memory_space<vmem>>) semaphore(%arg15 : memref<!tpu.dma_semaphore, #tpu.memory_space<semaphore_mem>>)
    %dma_start3A_9 = arith.constant 1 : i32
    %dma_start3A_10 = arith.constant 0 : i32
    %dma_start3A_11 = tpu.memref_slice %arg7[%dma_start3A_9, %dma_start3A_10] : memref<80x125xi32, #tpu.memory_space<vmem>> -> memref<1x125xi32, #tpu.memory_space<vmem>>
    %dma_start3A_12 = tpu.memref_squeeze %dma_start3A_11 : memref<1x125xi32, #tpu.memory_space<vmem>> -> memref<125xi32, #tpu.memory_space<vmem>>
    %dma_start3A_13 = arith.constant 0 : i32
    %dma_start3A_14 = arith.constant 0 : i32
    %dma_start3A_15 = tpu.memref_slice %arg2[%dma_start3A_13, %dma_start3A_14] : memref<20000x64xf32, #tpu.memory_space<hbm>> -> memref<20000x64xf32, #tpu.memory_space<hbm>>
    tpu.enqueue_indirect_dma source(%dma_start3A_15 : memref<20000x64xf32, #tpu.memory_space<hbm>>) target(%arg10 : memref<125x64xf32, #tpu.memory_space<vmem>>) offsets(%dma_start3A_12 : memref<125xi32, #tpu.memory_space<vmem>>) semaphore(%arg16 : memref<!tpu.dma_semaphore, #tpu.memory_space<semaphore_mem>>)
    %dma_start3A_16 = arith.constant 2 : i32
    %dma_start3A_17 = arith.constant 0 : i32
    %dma_start3A_18 = tpu.memref_slice %arg7[%dma_start3A_16, %dma_start3A_17] : memref<80x125xi32, #tpu.memory_space<vmem>> -> memref<1x125xi32, #tpu.memory_space<vmem>>
    %dma_start3A_19 = tpu.memref_squeeze %dma_start3A_18 : memref<1x125xi32, #tpu.memory_space<vmem>> -> memref<125xi32, #tpu.memory_space<vmem>>
    %dma_start3A_20 = arith.constant 0 : i32
    %dma_start3A_21 = arith.constant 0 : i32
    %dma_start3A_22 = tpu.memref_slice %arg2[%dma_start3A_20, %dma_start3A_21] : memref<20000x64xf32, #tpu.memory_space<hbm>> -> memref<20000x64xf32, #tpu.memory_space<hbm>>
    tpu.enqueue_indirect_dma source(%dma_start3A_22 : memref<20000x64xf32, #tpu.memory_space<hbm>>) target(%arg11 : memref<125x64xf32, #tpu.memory_space<vmem>>) offsets(%dma_start3A_19 : memref<125xi32, #tpu.memory_space<vmem>>) semaphore(%arg17 : memref<!tpu.dma_semaphore, #tpu.memory_space<semaphore_mem>>)
    %dma_start3A_23 = arith.constant 3 : i32
    %dma_start3A_24 = arith.constant 0 : i32
    %dma_start3A_25 = tpu.memref_slice %arg7[%dma_start3A_23, %dma_start3A_24] : memref<80x125xi32, #tpu.memory_space<vmem>> -> memref<1x125xi32, #tpu.memory_space<vmem>>
    %dma_start3A_26 = tpu.memref_squeeze %dma_start3A_25 : memref<1x125xi32, #tpu.memory_space<vmem>> -> memref<125xi32, #tpu.memory_space<vmem>>
    %dma_start3A_27 = arith.constant 0 : i32
    %dma_start3A_28 = arith.constant 0 : i32
    %dma_start3A_29 = tpu.memref_slice %arg2[%dma_start3A_27, %dma_start3A_28] : memref<20000x64xf32, #tpu.memory_space<hbm>> -> memref<20000x64xf32, #tpu.memory_space<hbm>>
    tpu.enqueue_indirect_dma source(%dma_start3A_29 : memref<20000x64xf32, #tpu.memory_space<hbm>>) target(%arg12 : memref<125x64xf32, #tpu.memory_space<vmem>>) offsets(%dma_start3A_26 : memref<125xi32, #tpu.memory_space<vmem>>) semaphore(%arg18 : memref<!tpu.dma_semaphore, #tpu.memory_space<semaphore_mem>>)
    %dma_start3A_30 = arith.constant 4 : i32
    %dma_start3A_31 = arith.constant 0 : i32
    %dma_start3A_32 = tpu.memref_slice %arg7[%dma_start3A_30, %dma_start3A_31] : memref<80x125xi32, #tpu.memory_space<vmem>> -> memref<1x125xi32, #tpu.memory_space<vmem>>
    %dma_start3A_33 = tpu.memref_squeeze %dma_start3A_32 : memref<1x125xi32, #tpu.memory_space<vmem>> -> memref<125xi32, #tpu.memory_space<vmem>>
    %dma_start3A_34 = arith.constant 0 : i32
    %dma_start3A_35 = arith.constant 0 : i32
    %dma_start3A_36 = tpu.memref_slice %arg2[%dma_start3A_34, %dma_start3A_35] : memref<20000x64xf32, #tpu.memory_space<hbm>> -> memref<20000x64xf32, #tpu.memory_space<hbm>>
    tpu.enqueue_indirect_dma source(%dma_start3A_36 : memref<20000x64xf32, #tpu.memory_space<hbm>>) target(%arg13 : memref<125x64xf32, #tpu.memory_space<vmem>>) offsets(%dma_start3A_33 : memref<125xi32, #tpu.memory_space<vmem>>) semaphore(%arg19 : memref<!tpu.dma_semaphore, #tpu.memory_space<semaphore_mem>>)
    "tpu.region"() ({
      %run_scoped3A_60 = tpu.sem_alloc : memref<!tpu.dma_semaphore, #tpu.memory_space<semaphore_mem>>
      %dma_start3A_61 = arith.constant 0 : i32
      %dma_start3A_62 = tpu.memref_slice %arg4[%mul3A_2, %dma_start3A_61] : memref<2560x125xi32, #tpu.memory_space<hbm>> -> memref<80x125xi32, #tpu.memory_space<hbm>>
      %dma_start3A_63 = arith.constant 0 : i32
      %dma_start3A_64 = tpu.memref_slice %arg4[%mul3A_2, %dma_start3A_63] : memref<2560x125xi32, #tpu.memory_space<hbm>> -> memref<80x125xi32, #tpu.memory_space<hbm>>
      tpu.enqueue_dma source(%dma_start3A_64 : memref<80x125xi32, #tpu.memory_space<hbm>>) target(%arg8 : memref<80x125xi32, #tpu.memory_space<vmem>>) target_semaphore(%run_scoped3A_60 : memref<!tpu.dma_semaphore, #tpu.memory_space<semaphore_mem>>)
      %dma_wait3A = arith.constant 0 : i32
      %dma_wait3A_65 = tpu.memref_slice %arg4[%mul3A_2, %dma_wait3A] : memref<2560x125xi32, #tpu.memory_space<hbm>> -> memref<80x125xi32, #tpu.memory_space<hbm>>
      %dma_wait3A_66 = arith.constant 0 : i32
      %dma_wait3A_67 = tpu.memref_slice %arg4[%mul3A_2, %dma_wait3A_66] : memref<2560x125xi32, #tpu.memory_space<hbm>> -> memref<80x125xi32, #tpu.memory_space<hbm>>
      tpu.wait_dma2 semaphore(%run_scoped3A_60 : memref<!tpu.dma_semaphore, #tpu.memory_space<semaphore_mem>>) src(%dma_wait3A_67 : memref<80x125xi32, #tpu.memory_space<hbm>>) dst(%arg8 : memref<80x125xi32, #tpu.memory_space<vmem>>)
      tpu.yield
    }) : () -> ()
    %mul3A_37 = arith.constant 624 : i32
    %mul3A_38 = arith.muli %arg1, %mul3A_37 : i32
    %mul3A_39 = arith.constant 624 : i32
    %mul3A_40 = arith.muli %arg1, %mul3A_39 : i32
    "tpu.region"() ({
      %run_scoped3A_60 = tpu.sem_alloc : memref<!tpu.dma_semaphore, #tpu.memory_space<semaphore_mem>>
      %dma_start3A_61 = arith.constant 0 : i32
      %dma_start3A_62 = tpu.memref_slice %arg14[%mul3A_40, %dma_start3A_61] : memref<10000x64xf32, #tpu.memory_space<vmem_shared>> -> memref<624x64xf32, #tpu.memory_space<vmem_shared>>
      %dma_start3A_63 = arith.constant 0 : i32
      %dma_start3A_64 = tpu.memref_slice %arg5[%mul3A_38, %dma_start3A_63] : memref<10000x64xf32, #tpu.memory_space<hbm>> -> memref<624x64xf32, #tpu.memory_space<hbm>>
      tpu.enqueue_dma source(%dma_start3A_64 : memref<624x64xf32, #tpu.memory_space<hbm>>) target(%dma_start3A_62 : memref<624x64xf32, #tpu.memory_space<vmem_shared>>) target_semaphore(%run_scoped3A_60 : memref<!tpu.dma_semaphore, #tpu.memory_space<semaphore_mem>>)
      %dma_wait3A = arith.constant 0 : i32
      %dma_wait3A_65 = tpu.memref_slice %arg14[%mul3A_40, %dma_wait3A] : memref<10000x64xf32, #tpu.memory_space<vmem_shared>> -> memref<624x64xf32, #tpu.memory_space<vmem_shared>>
      %dma_wait3A_66 = arith.constant 0 : i32
      %dma_wait3A_67 = tpu.memref_slice %arg5[%mul3A_38, %dma_wait3A_66] : memref<10000x64xf32, #tpu.memory_space<hbm>> -> memref<624x64xf32, #tpu.memory_space<hbm>>
      tpu.wait_dma2 semaphore(%run_scoped3A_60 : memref<!tpu.dma_semaphore, #tpu.memory_space<semaphore_mem>>) src(%dma_wait3A_67 : memref<624x64xf32, #tpu.memory_space<hbm>>) dst(%dma_wait3A_65 : memref<624x64xf32, #tpu.memory_space<vmem_shared>>)
      tpu.yield
    }) : () -> ()
    %eq3A = arith.constant 15 : i32
    %eq3A_41 = arith.cmpi eq, %arg1, %eq3A : i32
    %convert_element_type3A = arith.extui %eq3A_41 : i1 to i32
    %cond3A = arith.constant 0 : i32
    %cond3A_42 = arith.cmpi ne, %convert_element_type3A, %cond3A : i32
    scf.if %cond3A_42 {
      "tpu.region"() ({
        %run_scoped3A_60 = tpu.sem_alloc : memref<!tpu.dma_semaphore, #tpu.memory_space<semaphore_mem>>
        %dma_start3A_61 = arith.constant 9984 : i32
        %dma_start3A_62 = arith.constant 0 : i32
        %dma_start3A_63 = tpu.memref_slice %arg14[%dma_start3A_61, %dma_start3A_62] : memref<10000x64xf32, #tpu.memory_space<vmem_shared>> -> memref<16x64xf32, #tpu.memory_space<vmem_shared>>
        %dma_start3A_64 = arith.constant 9984 : i32
        %dma_start3A_65 = arith.constant 0 : i32
        %dma_start3A_66 = tpu.memref_slice %arg5[%dma_start3A_64, %dma_start3A_65] : memref<10000x64xf32, #tpu.memory_space<hbm>> -> memref<16x64xf32, #tpu.memory_space<hbm>>
        tpu.enqueue_dma source(%dma_start3A_66 : memref<16x64xf32, #tpu.memory_space<hbm>>) target(%dma_start3A_63 : memref<16x64xf32, #tpu.memory_space<vmem_shared>>) target_semaphore(%run_scoped3A_60 : memref<!tpu.dma_semaphore, #tpu.memory_space<semaphore_mem>>)
        %dma_wait3A = arith.constant 9984 : i32
        %dma_wait3A_67 = arith.constant 0 : i32
        %dma_wait3A_68 = tpu.memref_slice %arg14[%dma_wait3A, %dma_wait3A_67] : memref<10000x64xf32, #tpu.memory_space<vmem_shared>> -> memref<16x64xf32, #tpu.memory_space<vmem_shared>>
        %dma_wait3A_69 = arith.constant 9984 : i32
        %dma_wait3A_70 = arith.constant 0 : i32
        %dma_wait3A_71 = tpu.memref_slice %arg5[%dma_wait3A_69, %dma_wait3A_70] : memref<10000x64xf32, #tpu.memory_space<hbm>> -> memref<16x64xf32, #tpu.memory_space<hbm>>
        tpu.wait_dma2 semaphore(%run_scoped3A_60 : memref<!tpu.dma_semaphore, #tpu.memory_space<semaphore_mem>>) src(%dma_wait3A_71 : memref<16x64xf32, #tpu.memory_space<hbm>>) dst(%dma_wait3A_68 : memref<16x64xf32, #tpu.memory_space<vmem_shared>>)
        tpu.yield
      }) : () -> ()
    } else {
    }
    %barrier3A = arith.constant 0 : index
    tpu.barrier barrier_id(%barrier3A)
    %scan3A = arith.constant 0 : i32
    %scan3A_43 = arith.constant 0 : i32
    %scan3A_44 = arith.constant 16 : i32
    %scan3A_45 = arith.addi %scan3A_43, %scan3A_44 : i32
    %scan3A_46 = arith.constant 1 : i32
    scf.for %scan3A_60 = %scan3A_43 to %scan3A_45 step %scan3A_46  : i32 {
      %mul3A_61 = arith.constant 5 : i32
      %mul3A_62 = arith.muli %scan3A_60, %mul3A_61 : i32
      %add3A_63 = arith.constant 0 : i32
      %add3A_64 = arith.addi %mul3A_62, %add3A_63 : i32
      %dma_wait3A = arith.constant 0 : i32
      %dma_wait3A_65 = tpu.memref_slice %arg7[%add3A_64, %dma_wait3A] : memref<80x125xi32, #tpu.memory_space<vmem>> -> memref<1x125xi32, #tpu.memory_space<vmem>>
      %dma_wait3A_66 = tpu.memref_squeeze %dma_wait3A_65 : memref<1x125xi32, #tpu.memory_space<vmem>> -> memref<125xi32, #tpu.memory_space<vmem>>
      %dma_wait3A_67 = arith.constant 0 : i32
      %dma_wait3A_68 = arith.constant 0 : i32
      %dma_wait3A_69 = tpu.memref_slice %arg2[%dma_wait3A_67, %dma_wait3A_68] : memref<20000x64xf32, #tpu.memory_space<hbm>> -> memref<20000x64xf32, #tpu.memory_space<hbm>>
      tpu.wait_indirect_dma semaphore(%arg15 : memref<!tpu.dma_semaphore, #tpu.memory_space<semaphore_mem>>) src(%dma_wait3A_69 : memref<20000x64xf32, #tpu.memory_space<hbm>>) dst(%arg9 : memref<125x64xf32, #tpu.memory_space<vmem>>)
      %ge3A = arith.constant 1 : i32
      %ge3A_70 = arith.cmpi sge, %add3A_64, %ge3A : i32
      %convert_element_type3A_71 = arith.extui %ge3A_70 : i1 to i32
      %cond3A_72 = arith.constant 0 : i32
      %cond3A_73 = arith.cmpi ne, %convert_element_type3A_71, %cond3A_72 : i32
      scf.if %cond3A_73 {
        %sub3A_191 = arith.constant 1 : i32
        %sub3A_192 = arith.subi %add3A_64, %sub3A_191 : i32
      } else {
      }
      %ge3A_74 = arith.constant 1 : i32
      %ge3A_75 = arith.cmpi sge, %add3A_64, %ge3A_74 : i32
      %sub3A = arith.constant 1 : i32
      %sub3A_76 = arith.subi %add3A_64, %sub3A : i32
      %add3A_77 = arith.constant 5 : i32
      %add3A_78 = arith.addi %sub3A_76, %add3A_77 : i32
      %lt3A = arith.constant 80 : i32
      %lt3A_79 = arith.cmpi slt, %add3A_78, %lt3A : i32
      %and3A = arith.andi %ge3A_75, %lt3A_79 : i1
      %convert_element_type3A_80 = arith.extui %and3A : i1 to i32
      %cond3A_81 = arith.constant 0 : i32
      %cond3A_82 = arith.cmpi ne, %convert_element_type3A_80, %cond3A_81 : i32
      scf.if %cond3A_82 {
        %sub3A_191 = arith.constant 1 : i32
        %sub3A_192 = arith.subi %add3A_64, %sub3A_191 : i32
        %add3A_193 = arith.constant 5 : i32
        %add3A_194 = arith.addi %sub3A_192, %add3A_193 : i32
        %dma_start3A_195 = arith.constant 0 : i32
        %dma_start3A_196 = tpu.memref_slice %arg7[%add3A_194, %dma_start3A_195] : memref<80x125xi32, #tpu.memory_space<vmem>> -> memref<1x125xi32, #tpu.memory_space<vmem>>
        %dma_start3A_197 = tpu.memref_squeeze %dma_start3A_196 : memref<1x125xi32, #tpu.memory_space<vmem>> -> memref<125xi32, #tpu.memory_space<vmem>>
        %dma_start3A_198 = arith.constant 0 : i32
        %dma_start3A_199 = arith.constant 0 : i32
        %dma_start3A_200 = tpu.memref_slice %arg2[%dma_start3A_198, %dma_start3A_199] : memref<20000x64xf32, #tpu.memory_space<hbm>> -> memref<20000x64xf32, #tpu.memory_space<hbm>>
        tpu.enqueue_indirect_dma source(%dma_start3A_200 : memref<20000x64xf32, #tpu.memory_space<hbm>>) target(%arg13 : memref<125x64xf32, #tpu.memory_space<vmem>>) offsets(%dma_start3A_197 : memref<125xi32, #tpu.memory_space<vmem>>) semaphore(%arg19 : memref<!tpu.dma_semaphore, #tpu.memory_space<semaphore_mem>>)
      } else {
      }
      %mul3A_83 = arith.constant 5 : i32
      %mul3A_84 = arith.muli %scan3A_60, %mul3A_83 : i32
      %add3A_85 = arith.constant 1 : i32
      %add3A_86 = arith.addi %mul3A_84, %add3A_85 : i32
      %dma_wait3A_87 = arith.constant 0 : i32
      %dma_wait3A_88 = tpu.memref_slice %arg7[%add3A_86, %dma_wait3A_87] : memref<80x125xi32, #tpu.memory_space<vmem>> -> memref<1x125xi32, #tpu.memory_space<vmem>>
      %dma_wait3A_89 = tpu.memref_squeeze %dma_wait3A_88 : memref<1x125xi32, #tpu.memory_space<vmem>> -> memref<125xi32, #tpu.memory_space<vmem>>
      %dma_wait3A_90 = arith.constant 0 : i32
      %dma_wait3A_91 = arith.constant 0 : i32
      %dma_wait3A_92 = tpu.memref_slice %arg2[%dma_wait3A_90, %dma_wait3A_91] : memref<20000x64xf32, #tpu.memory_space<hbm>> -> memref<20000x64xf32, #tpu.memory_space<hbm>>
      tpu.wait_indirect_dma semaphore(%arg16 : memref<!tpu.dma_semaphore, #tpu.memory_space<semaphore_mem>>) src(%dma_wait3A_92 : memref<20000x64xf32, #tpu.memory_space<hbm>>) dst(%arg10 : memref<125x64xf32, #tpu.memory_space<vmem>>)
      %ge3A_93 = arith.constant 1 : i32
      %ge3A_94 = arith.cmpi sge, %add3A_86, %ge3A_93 : i32
      %convert_element_type3A_95 = arith.extui %ge3A_94 : i1 to i32
      %cond3A_96 = arith.constant 0 : i32
      %cond3A_97 = arith.cmpi ne, %convert_element_type3A_95, %cond3A_96 : i32
      scf.if %cond3A_97 {
        %sub3A_191 = arith.constant 1 : i32
        %sub3A_192 = arith.subi %add3A_86, %sub3A_191 : i32
      } else {
      }
      %ge3A_98 = arith.constant 1 : i32
      %ge3A_99 = arith.cmpi sge, %add3A_86, %ge3A_98 : i32
      %sub3A_100 = arith.constant 1 : i32
      %sub3A_101 = arith.subi %add3A_86, %sub3A_100 : i32
      %add3A_102 = arith.constant 5 : i32
      %add3A_103 = arith.addi %sub3A_101, %add3A_102 : i32
      %lt3A_104 = arith.constant 80 : i32
      %lt3A_105 = arith.cmpi slt, %add3A_103, %lt3A_104 : i32
      %and3A_106 = arith.andi %ge3A_99, %lt3A_105 : i1
      %convert_element_type3A_107 = arith.extui %and3A_106 : i1 to i32
      %cond3A_108 = arith.constant 0 : i32
      %cond3A_109 = arith.cmpi ne, %convert_element_type3A_107, %cond3A_108 : i32
      scf.if %cond3A_109 {
        %sub3A_191 = arith.constant 1 : i32
        %sub3A_192 = arith.subi %add3A_86, %sub3A_191 : i32
        %add3A_193 = arith.constant 5 : i32
        %add3A_194 = arith.addi %sub3A_192, %add3A_193 : i32
        %dma_start3A_195 = arith.constant 0 : i32
        %dma_start3A_196 = tpu.memref_slice %arg7[%add3A_194, %dma_start3A_195] : memref<80x125xi32, #tpu.memory_space<vmem>> -> memref<1x125xi32, #tpu.memory_space<vmem>>
        %dma_start3A_197 = tpu.memref_squeeze %dma_start3A_196 : memref<1x125xi32, #tpu.memory_space<vmem>> -> memref<125xi32, #tpu.memory_space<vmem>>
        %dma_start3A_198 = arith.constant 0 : i32
        %dma_start3A_199 = arith.constant 0 : i32
        %dma_start3A_200 = tpu.memref_slice %arg2[%dma_start3A_198, %dma_start3A_199] : memref<20000x64xf32, #tpu.memory_space<hbm>> -> memref<20000x64xf32, #tpu.memory_space<hbm>>
        tpu.enqueue_indirect_dma source(%dma_start3A_200 : memref<20000x64xf32, #tpu.memory_space<hbm>>) target(%arg9 : memref<125x64xf32, #tpu.memory_space<vmem>>) offsets(%dma_start3A_197 : memref<125xi32, #tpu.memory_space<vmem>>) semaphore(%arg15 : memref<!tpu.dma_semaphore, #tpu.memory_space<semaphore_mem>>)
      } else {
      }
      %mul3A_110 = arith.constant 5 : i32
      %mul3A_111 = arith.muli %scan3A_60, %mul3A_110 : i32
      %add3A_112 = arith.constant 2 : i32
      %add3A_113 = arith.addi %mul3A_111, %add3A_112 : i32
      %dma_wait3A_114 = arith.constant 0 : i32
      %dma_wait3A_115 = tpu.memref_slice %arg7[%add3A_113, %dma_wait3A_114] : memref<80x125xi32, #tpu.memory_space<vmem>> -> memref<1x125xi32, #tpu.memory_space<vmem>>
      %dma_wait3A_116 = tpu.memref_squeeze %dma_wait3A_115 : memref<1x125xi32, #tpu.memory_space<vmem>> -> memref<125xi32, #tpu.memory_space<vmem>>
      %dma_wait3A_117 = arith.constant 0 : i32
      %dma_wait3A_118 = arith.constant 0 : i32
      %dma_wait3A_119 = tpu.memref_slice %arg2[%dma_wait3A_117, %dma_wait3A_118] : memref<20000x64xf32, #tpu.memory_space<hbm>> -> memref<20000x64xf32, #tpu.memory_space<hbm>>
      tpu.wait_indirect_dma semaphore(%arg17 : memref<!tpu.dma_semaphore, #tpu.memory_space<semaphore_mem>>) src(%dma_wait3A_119 : memref<20000x64xf32, #tpu.memory_space<hbm>>) dst(%arg11 : memref<125x64xf32, #tpu.memory_space<vmem>>)
      %ge3A_120 = arith.constant 1 : i32
      %ge3A_121 = arith.cmpi sge, %add3A_113, %ge3A_120 : i32
      %convert_element_type3A_122 = arith.extui %ge3A_121 : i1 to i32
      %cond3A_123 = arith.constant 0 : i32
      %cond3A_124 = arith.cmpi ne, %convert_element_type3A_122, %cond3A_123 : i32
      scf.if %cond3A_124 {
        %sub3A_191 = arith.constant 1 : i32
        %sub3A_192 = arith.subi %add3A_113, %sub3A_191 : i32
      } else {
      }
      %ge3A_125 = arith.constant 1 : i32
      %ge3A_126 = arith.cmpi sge, %add3A_113, %ge3A_125 : i32
      %sub3A_127 = arith.constant 1 : i32
      %sub3A_128 = arith.subi %add3A_113, %sub3A_127 : i32
      %add3A_129 = arith.constant 5 : i32
      %add3A_130 = arith.addi %sub3A_128, %add3A_129 : i32
      %lt3A_131 = arith.constant 80 : i32
      %lt3A_132 = arith.cmpi slt, %add3A_130, %lt3A_131 : i32
      %and3A_133 = arith.andi %ge3A_126, %lt3A_132 : i1
      %convert_element_type3A_134 = arith.extui %and3A_133 : i1 to i32
      %cond3A_135 = arith.constant 0 : i32
      %cond3A_136 = arith.cmpi ne, %convert_element_type3A_134, %cond3A_135 : i32
      scf.if %cond3A_136 {
        %sub3A_191 = arith.constant 1 : i32
        %sub3A_192 = arith.subi %add3A_113, %sub3A_191 : i32
        %add3A_193 = arith.constant 5 : i32
        %add3A_194 = arith.addi %sub3A_192, %add3A_193 : i32
        %dma_start3A_195 = arith.constant 0 : i32
        %dma_start3A_196 = tpu.memref_slice %arg7[%add3A_194, %dma_start3A_195] : memref<80x125xi32, #tpu.memory_space<vmem>> -> memref<1x125xi32, #tpu.memory_space<vmem>>
        %dma_start3A_197 = tpu.memref_squeeze %dma_start3A_196 : memref<1x125xi32, #tpu.memory_space<vmem>> -> memref<125xi32, #tpu.memory_space<vmem>>
        %dma_start3A_198 = arith.constant 0 : i32
        %dma_start3A_199 = arith.constant 0 : i32
        %dma_start3A_200 = tpu.memref_slice %arg2[%dma_start3A_198, %dma_start3A_199] : memref<20000x64xf32, #tpu.memory_space<hbm>> -> memref<20000x64xf32, #tpu.memory_space<hbm>>
        tpu.enqueue_indirect_dma source(%dma_start3A_200 : memref<20000x64xf32, #tpu.memory_space<hbm>>) target(%arg10 : memref<125x64xf32, #tpu.memory_space<vmem>>) offsets(%dma_start3A_197 : memref<125xi32, #tpu.memory_space<vmem>>) semaphore(%arg16 : memref<!tpu.dma_semaphore, #tpu.memory_space<semaphore_mem>>)
      } else {
      }
      %mul3A_137 = arith.constant 5 : i32
      %mul3A_138 = arith.muli %scan3A_60, %mul3A_137 : i32
      %add3A_139 = arith.constant 3 : i32
      %add3A_140 = arith.addi %mul3A_138, %add3A_139 : i32
      %dma_wait3A_141 = arith.constant 0 : i32
      %dma_wait3A_142 = tpu.memref_slice %arg7[%add3A_140, %dma_wait3A_141] : memref<80x125xi32, #tpu.memory_space<vmem>> -> memref<1x125xi32, #tpu.memory_space<vmem>>
      %dma_wait3A_143 = tpu.memref_squeeze %dma_wait3A_142 : memref<1x125xi32, #tpu.memory_space<vmem>> -> memref<125xi32, #tpu.memory_space<vmem>>
      %dma_wait3A_144 = arith.constant 0 : i32
      %dma_wait3A_145 = arith.constant 0 : i32
      %dma_wait3A_146 = tpu.memref_slice %arg2[%dma_wait3A_144, %dma_wait3A_145] : memref<20000x64xf32, #tpu.memory_space<hbm>> -> memref<20000x64xf32, #tpu.memory_space<hbm>>
      tpu.wait_indirect_dma semaphore(%arg18 : memref<!tpu.dma_semaphore, #tpu.memory_space<semaphore_mem>>) src(%dma_wait3A_146 : memref<20000x64xf32, #tpu.memory_space<hbm>>) dst(%arg12 : memref<125x64xf32, #tpu.memory_space<vmem>>)
      %ge3A_147 = arith.constant 1 : i32
      %ge3A_148 = arith.cmpi sge, %add3A_140, %ge3A_147 : i32
      %convert_element_type3A_149 = arith.extui %ge3A_148 : i1 to i32
      %cond3A_150 = arith.constant 0 : i32
      %cond3A_151 = arith.cmpi ne, %convert_element_type3A_149, %cond3A_150 : i32
      scf.if %cond3A_151 {
        %sub3A_191 = arith.constant 1 : i32
        %sub3A_192 = arith.subi %add3A_140, %sub3A_191 : i32
      } else {
      }
      %ge3A_152 = arith.constant 1 : i32
      %ge3A_153 = arith.cmpi sge, %add3A_140, %ge3A_152 : i32
      %sub3A_154 = arith.constant 1 : i32
      %sub3A_155 = arith.subi %add3A_140, %sub3A_154 : i32
      %add3A_156 = arith.constant 5 : i32
      %add3A_157 = arith.addi %sub3A_155, %add3A_156 : i32
      %lt3A_158 = arith.constant 80 : i32
      %lt3A_159 = arith.cmpi slt, %add3A_157, %lt3A_158 : i32
      %and3A_160 = arith.andi %ge3A_153, %lt3A_159 : i1
      %convert_element_type3A_161 = arith.extui %and3A_160 : i1 to i32
      %cond3A_162 = arith.constant 0 : i32
      %cond3A_163 = arith.cmpi ne, %convert_element_type3A_161, %cond3A_162 : i32
      scf.if %cond3A_163 {
        %sub3A_191 = arith.constant 1 : i32
        %sub3A_192 = arith.subi %add3A_140, %sub3A_191 : i32
        %add3A_193 = arith.constant 5 : i32
        %add3A_194 = arith.addi %sub3A_192, %add3A_193 : i32
        %dma_start3A_195 = arith.constant 0 : i32
        %dma_start3A_196 = tpu.memref_slice %arg7[%add3A_194, %dma_start3A_195] : memref<80x125xi32, #tpu.memory_space<vmem>> -> memref<1x125xi32, #tpu.memory_space<vmem>>
        %dma_start3A_197 = tpu.memref_squeeze %dma_start3A_196 : memref<1x125xi32, #tpu.memory_space<vmem>> -> memref<125xi32, #tpu.memory_space<vmem>>
        %dma_start3A_198 = arith.constant 0 : i32
        %dma_start3A_199 = arith.constant 0 : i32
        %dma_start3A_200 = tpu.memref_slice %arg2[%dma_start3A_198, %dma_start3A_199] : memref<20000x64xf32, #tpu.memory_space<hbm>> -> memref<20000x64xf32, #tpu.memory_space<hbm>>
        tpu.enqueue_indirect_dma source(%dma_start3A_200 : memref<20000x64xf32, #tpu.memory_space<hbm>>) target(%arg11 : memref<125x64xf32, #tpu.memory_space<vmem>>) offsets(%dma_start3A_197 : memref<125xi32, #tpu.memory_space<vmem>>) semaphore(%arg17 : memref<!tpu.dma_semaphore, #tpu.memory_space<semaphore_mem>>)
      } else {
      }
      %mul3A_164 = arith.constant 5 : i32
      %mul3A_165 = arith.muli %scan3A_60, %mul3A_164 : i32
      %add3A_166 = arith.constant 4 : i32
      %add3A_167 = arith.addi %mul3A_165, %add3A_166 : i32
      %dma_wait3A_168 = arith.constant 0 : i32
      %dma_wait3A_169 = tpu.memref_slice %arg7[%add3A_167, %dma_wait3A_168] : memref<80x125xi32, #tpu.memory_space<vmem>> -> memref<1x125xi32, #tpu.memory_space<vmem>>
      %dma_wait3A_170 = tpu.memref_squeeze %dma_wait3A_169 : memref<1x125xi32, #tpu.memory_space<vmem>> -> memref<125xi32, #tpu.memory_space<vmem>>
      %dma_wait3A_171 = arith.constant 0 : i32
      %dma_wait3A_172 = arith.constant 0 : i32
      %dma_wait3A_173 = tpu.memref_slice %arg2[%dma_wait3A_171, %dma_wait3A_172] : memref<20000x64xf32, #tpu.memory_space<hbm>> -> memref<20000x64xf32, #tpu.memory_space<hbm>>
      tpu.wait_indirect_dma semaphore(%arg19 : memref<!tpu.dma_semaphore, #tpu.memory_space<semaphore_mem>>) src(%dma_wait3A_173 : memref<20000x64xf32, #tpu.memory_space<hbm>>) dst(%arg13 : memref<125x64xf32, #tpu.memory_space<vmem>>)
      %ge3A_174 = arith.constant 1 : i32
      %ge3A_175 = arith.cmpi sge, %add3A_167, %ge3A_174 : i32
      %convert_element_type3A_176 = arith.extui %ge3A_175 : i1 to i32
      %cond3A_177 = arith.constant 0 : i32
      %cond3A_178 = arith.cmpi ne, %convert_element_type3A_176, %cond3A_177 : i32
      scf.if %cond3A_178 {
        %sub3A_191 = arith.constant 1 : i32
        %sub3A_192 = arith.subi %add3A_167, %sub3A_191 : i32
      } else {
      }
      %ge3A_179 = arith.constant 1 : i32
      %ge3A_180 = arith.cmpi sge, %add3A_167, %ge3A_179 : i32
      %sub3A_181 = arith.constant 1 : i32
      %sub3A_182 = arith.subi %add3A_167, %sub3A_181 : i32
      %add3A_183 = arith.constant 5 : i32
      %add3A_184 = arith.addi %sub3A_182, %add3A_183 : i32
      %lt3A_185 = arith.constant 80 : i32
      %lt3A_186 = arith.cmpi slt, %add3A_184, %lt3A_185 : i32
      %and3A_187 = arith.andi %ge3A_180, %lt3A_186 : i1
      %convert_element_type3A_188 = arith.extui %and3A_187 : i1 to i32
      %cond3A_189 = arith.constant 0 : i32
      %cond3A_190 = arith.cmpi ne, %convert_element_type3A_188, %cond3A_189 : i32
      scf.if %cond3A_190 {
        %sub3A_191 = arith.constant 1 : i32
        %sub3A_192 = arith.subi %add3A_167, %sub3A_191 : i32
        %add3A_193 = arith.constant 5 : i32
        %add3A_194 = arith.addi %sub3A_192, %add3A_193 : i32
        %dma_start3A_195 = arith.constant 0 : i32
        %dma_start3A_196 = tpu.memref_slice %arg7[%add3A_194, %dma_start3A_195] : memref<80x125xi32, #tpu.memory_space<vmem>> -> memref<1x125xi32, #tpu.memory_space<vmem>>
        %dma_start3A_197 = tpu.memref_squeeze %dma_start3A_196 : memref<1x125xi32, #tpu.memory_space<vmem>> -> memref<125xi32, #tpu.memory_space<vmem>>
        %dma_start3A_198 = arith.constant 0 : i32
        %dma_start3A_199 = arith.constant 0 : i32
        %dma_start3A_200 = tpu.memref_slice %arg2[%dma_start3A_198, %dma_start3A_199] : memref<20000x64xf32, #tpu.memory_space<hbm>> -> memref<20000x64xf32, #tpu.memory_space<hbm>>
        tpu.enqueue_indirect_dma source(%dma_start3A_200 : memref<20000x64xf32, #tpu.memory_space<hbm>>) target(%arg12 : memref<125x64xf32, #tpu.memory_space<vmem>>) offsets(%dma_start3A_197 : memref<125xi32, #tpu.memory_space<vmem>>) semaphore(%arg18 : memref<!tpu.dma_semaphore, #tpu.memory_space<semaphore_mem>>)
      } else {
      }
    }
    %scan3A_47 = arith.constant 16 : i32
    %barrier3A_48 = arith.constant 0 : index
    tpu.barrier barrier_id(%barrier3A_48)
    %mul3A_49 = arith.constant 64 : i32
    %mul3A_50 = arith.muli %arg0, %mul3A_49 : i32
    %mul3A_51 = arith.constant 624 : i32
    %mul3A_52 = arith.muli %arg1, %mul3A_51 : i32
    %mul3A_53 = arith.constant 624 : i32
    %mul3A_54 = arith.muli %arg1, %mul3A_53 : i32
    "tpu.region"() ({
      %run_scoped3A_60 = tpu.sem_alloc : memref<!tpu.dma_semaphore, #tpu.memory_space<semaphore_mem>>
      %dma_start3A_61 = arith.constant 0 : i32
      %dma_start3A_62 = tpu.memref_slice %arg6[%dma_start3A_61, %mul3A_50] : memref<10000x128xf32, #tpu.memory_space<hbm>> -> memref<10000x64xf32, #tpu.memory_space<hbm>>
      %dma_start3A_63 = arith.constant 0 : i32
      %dma_start3A_64 = tpu.memref_slice %dma_start3A_62[%mul3A_54, %dma_start3A_63] : memref<10000x64xf32, #tpu.memory_space<hbm>> -> memref<624x64xf32, #tpu.memory_space<hbm>>
      %dma_start3A_65 = arith.constant 0 : i32
      %dma_start3A_66 = tpu.memref_slice %arg14[%mul3A_52, %dma_start3A_65] : memref<10000x64xf32, #tpu.memory_space<vmem_shared>> -> memref<624x64xf32, #tpu.memory_space<vmem_shared>>
      tpu.enqueue_dma source(%dma_start3A_66 : memref<624x64xf32, #tpu.memory_space<vmem_shared>>) target(%dma_start3A_64 : memref<624x64xf32, #tpu.memory_space<hbm>>) target_semaphore(%run_scoped3A_60 : memref<!tpu.dma_semaphore, #tpu.memory_space<semaphore_mem>>)
      %dma_wait3A = arith.constant 0 : i32
      %dma_wait3A_67 = tpu.memref_slice %arg6[%dma_wait3A, %mul3A_50] : memref<10000x128xf32, #tpu.memory_space<hbm>> -> memref<10000x64xf32, #tpu.memory_space<hbm>>
      %dma_wait3A_68 = arith.constant 0 : i32
      %dma_wait3A_69 = tpu.memref_slice %dma_wait3A_67[%mul3A_54, %dma_wait3A_68] : memref<10000x64xf32, #tpu.memory_space<hbm>> -> memref<624x64xf32, #tpu.memory_space<hbm>>
      %dma_wait3A_70 = arith.constant 0 : i32
      %dma_wait3A_71 = tpu.memref_slice %arg14[%mul3A_52, %dma_wait3A_70] : memref<10000x64xf32, #tpu.memory_space<vmem_shared>> -> memref<624x64xf32, #tpu.memory_space<vmem_shared>>
      tpu.wait_dma2 semaphore(%run_scoped3A_60 : memref<!tpu.dma_semaphore, #tpu.memory_space<semaphore_mem>>) src(%dma_wait3A_71 : memref<624x64xf32, #tpu.memory_space<vmem_shared>>) dst(%dma_wait3A_69 : memref<624x64xf32, #tpu.memory_space<hbm>>)
      tpu.yield
    }) : () -> ()
    %eq3A_55 = arith.constant 15 : i32
    %eq3A_56 = arith.cmpi eq, %arg1, %eq3A_55 : i32
    %convert_element_type3A_57 = arith.extui %eq3A_56 : i1 to i32
    %cond3A_58 = arith.constant 0 : i32
    %cond3A_59 = arith.cmpi ne, %convert_element_type3A_57, %cond3A_58 : i32
    scf.if %cond3A_59 {
      "tpu.region"() ({
        %run_scoped3A_60 = tpu.sem_alloc : memref<!tpu.dma_semaphore, #tpu.memory_space<semaphore_mem>>
        %dma_start3A_61 = arith.constant 0 : i32
        %dma_start3A_62 = tpu.memref_slice %arg6[%dma_start3A_61, %mul3A_50] : memref<10000x128xf32, #tpu.memory_space<hbm>> -> memref<10000x64xf32, #tpu.memory_space<hbm>>
        %dma_start3A_63 = arith.constant 9984 : i32
        %dma_start3A_64 = arith.constant 0 : i32
        %dma_start3A_65 = tpu.memref_slice %dma_start3A_62[%dma_start3A_63, %dma_start3A_64] : memref<10000x64xf32, #tpu.memory_space<hbm>> -> memref<16x64xf32, #tpu.memory_space<hbm>>
        %dma_start3A_66 = arith.constant 9984 : i32
        %dma_start3A_67 = arith.constant 0 : i32
        %dma_start3A_68 = tpu.memref_slice %arg14[%dma_start3A_66, %dma_start3A_67] : memref<10000x64xf32, #tpu.memory_space<vmem_shared>> -> memref<16x64xf32, #tpu.memory_space<vmem_shared>>
        tpu.enqueue_dma source(%dma_start3A_68 : memref<16x64xf32, #tpu.memory_space<vmem_shared>>) target(%dma_start3A_65 : memref<16x64xf32, #tpu.memory_space<hbm>>) target_semaphore(%run_scoped3A_60 : memref<!tpu.dma_semaphore, #tpu.memory_space<semaphore_mem>>)
        %dma_wait3A = arith.constant 0 : i32
        %dma_wait3A_69 = tpu.memref_slice %arg6[%dma_wait3A, %mul3A_50] : memref<10000x128xf32, #tpu.memory_space<hbm>> -> memref<10000x64xf32, #tpu.memory_space<hbm>>
        %dma_wait3A_70 = arith.constant 9984 : i32
        %dma_wait3A_71 = arith.constant 0 : i32
        %dma_wait3A_72 = tpu.memref_slice %dma_wait3A_69[%dma_wait3A_70, %dma_wait3A_71] : memref<10000x64xf32, #tpu.memory_space<hbm>> -> memref<16x64xf32, #tpu.memory_space<hbm>>
        %dma_wait3A_73 = arith.constant 9984 : i32
        %dma_wait3A_74 = arith.constant 0 : i32
        %dma_wait3A_75 = tpu.memref_slice %arg14[%dma_wait3A_73, %dma_wait3A_74] : memref<10000x64xf32, #tpu.memory_space<vmem_shared>> -> memref<16x64xf32, #tpu.memory_space<vmem_shared>>
        tpu.wait_dma2 semaphore(%run_scoped3A_60 : memref<!tpu.dma_semaphore, #tpu.memory_space<semaphore_mem>>) src(%dma_wait3A_75 : memref<16x64xf32, #tpu.memory_space<vmem_shared>>) dst(%dma_wait3A_72 : memref<16x64xf32, #tpu.memory_space<hbm>>)
        tpu.yield
      }) : () -> ()
    } else {
    }
    return
  }
}

module attributes {stable_mosaic.version = 14 : i64} {
  func.func @body(%arg0: i32, %arg1: memref<2000x128xf32, #tpu.memory_space<vmem>>, %arg2: memref<2000x128xf32, #tpu.memory_space<vmem>>, %arg3: memref<2000x2xf32, #tpu.memory_space<vmem>>, %arg4: memref<128x128xf32, #tpu.memory_space<vmem>>, %arg5: memref<128x128xf32, #tpu.memory_space<vmem>>, %arg6: memref<1x128xf32, #tpu.memory_space<vmem>>, %arg7: memref<1x128xf32, #tpu.memory_space<vmem>>, %arg8: memref<1x128xf32, #tpu.memory_space<vmem>>, %arg9: memref<128x8xf32, #tpu.memory_space<vmem>>, %arg10: memref<2000x128xf32, #tpu.memory_space<vmem>>) attributes {dimension_semantics = [#tpu.dimension_semantics<arbitrary>], iteration_bounds = array<i64: 5>, scalar_prefetch = 0 : i64, scratch_operands = 0 : i64, tpu.core_type = #tpu.core_type<tc>, window_params = [{transform_indices = @transform_0, window_bounds = array<i64: 2000, 128>}, {transform_indices = @transform_1, window_bounds = array<i64: 2000, 128>}, {transform_indices = @transform_2, window_bounds = array<i64: 2000, 2>}, {pipeline_mode = #tpu.pipeline_mode<synchronous>, transform_indices = @transform_3, window_bounds = array<i64: 128, 128>}, {pipeline_mode = #tpu.pipeline_mode<synchronous>, transform_indices = @transform_4, window_bounds = array<i64: 128, 128>}, {pipeline_mode = #tpu.pipeline_mode<synchronous>, transform_indices = @transform_5, window_bounds = array<i64: 1, 128>}, {pipeline_mode = #tpu.pipeline_mode<synchronous>, transform_indices = @transform_6, window_bounds = array<i64: 1, 128>}, {pipeline_mode = #tpu.pipeline_mode<synchronous>, transform_indices = @transform_7, window_bounds = array<i64: 1, 128>}, {pipeline_mode = #tpu.pipeline_mode<synchronous>, transform_indices = @transform_8, window_bounds = array<i64: 128, 8>}, {transform_indices = @transform_9, window_bounds = array<i64: 2000, 128>}]} {
    %get3A = arith.constant 0 : index
    %get3A_0 = arith.constant 0 : index
    %get3A_1 = vector.load %arg1[%get3A, %get3A_0] : memref<2000x128xf32, #tpu.memory_space<vmem>>, vector<2000x128xf32>
    %get3A_2 = arith.constant 0 : index
    %get3A_3 = arith.constant 0 : index
    %get3A_4 = vector.load %arg3[%get3A_2, %get3A_3] : memref<2000x2xf32, #tpu.memory_space<vmem>>, vector<2000x2xf32>
    %reduce_sum3A = arith.constant dense<0.000000e+00> : vector<2000xf32>
    %reduce_sum3A_5 = vector.multi_reduction <add>, %get3A_4, %reduce_sum3A [1] : vector<2000x2xf32> to vector<2000xf32>
    %broadcast_in_dim3A = vector.shape_cast %reduce_sum3A_5 : vector<2000xf32> to vector<2000x1xf32>
    %max3A = arith.constant 1.000000e+00 : f32
    %max3A_6 = vector.broadcast %max3A : f32 to vector<2000x1xf32>
    %max3A_7 = arith.maximumf %broadcast_in_dim3A, %max3A_6 : vector<2000x1xf32>
    %div3A = arith.constant 1.000000e+00 : f32
    %div3A_8 = vector.broadcast %div3A : f32 to vector<2000x1xf32>
    %div3A_9 = arith.divf %div3A_8, %max3A_7 : vector<2000x1xf32>
    %get3A_10 = arith.constant 0 : index
    %get3A_11 = arith.constant 0 : index
    %get3A_12 = vector.load %arg2[%get3A_10, %get3A_11] : memref<2000x128xf32, #tpu.memory_space<vmem>>, vector<2000x128xf32>
    %get3A_13 = arith.constant 0 : index
    %get3A_14 = arith.constant 0 : index
    %get3A_15 = vector.load %arg4[%get3A_13, %get3A_14] : memref<128x128xf32, #tpu.memory_space<vmem>>, vector<128x128xf32>
    %dot_general3A = arith.constant dense<0.000000e+00> : vector<2000x128xf32>
    %dot_general3A_16 = tpu.matmul %get3A_1, %get3A_15, %dot_general3A {dimension_numbers = #tpu.dot_dimension_numbers<[1], [0], [0], [1], [0, 0, 1, 1], [], []>, transpose_lhs_hint = false} : vector<2000x128xf32>, vector<128x128xf32>, vector<2000x128xf32> -> vector<2000x128xf32>
    %mul3A = vector.broadcast %div3A_9 : vector<2000x1xf32> to vector<2000x128xf32>
    %mul3A_17 = arith.mulf %get3A_12, %mul3A : vector<2000x128xf32>
    %get3A_18 = arith.constant 0 : index
    %get3A_19 = arith.constant 0 : index
    %get3A_20 = vector.load %arg5[%get3A_18, %get3A_19] : memref<128x128xf32, #tpu.memory_space<vmem>>, vector<128x128xf32>
    %dot_general3A_21 = arith.constant dense<0.000000e+00> : vector<2000x128xf32>
    %dot_general3A_22 = tpu.matmul %mul3A_17, %get3A_20, %dot_general3A_21 {dimension_numbers = #tpu.dot_dimension_numbers<[1], [0], [0], [1], [0, 0, 1, 1], [], []>, transpose_lhs_hint = false} : vector<2000x128xf32>, vector<128x128xf32>, vector<2000x128xf32> -> vector<2000x128xf32>
    %add3A = arith.addf %dot_general3A_16, %dot_general3A_22 : vector<2000x128xf32>
    %get3A_23 = arith.constant 0 : index
    %get3A_24 = arith.constant 0 : index
    %get3A_25 = vector.load %arg6[%get3A_23, %get3A_24] : memref<1x128xf32, #tpu.memory_space<vmem>>, vector<1x128xf32>
    %add3A_26 = vector.broadcast %get3A_25 : vector<1x128xf32> to vector<2000x128xf32>
    %add3A_27 = arith.addf %add3A, %add3A_26 : vector<2000x128xf32>
    %reduce_sum3A_28 = arith.constant dense<0.000000e+00> : vector<2000xf32>
    %reduce_sum3A_29 = vector.multi_reduction <add>, %add3A_27, %reduce_sum3A_28 [1] : vector<2000x128xf32> to vector<2000xf32>
    %broadcast_in_dim3A_30 = vector.shape_cast %reduce_sum3A_29 : vector<2000xf32> to vector<2000x1xf32>
    %div3A_31 = arith.constant 1.280000e+02 : f32
    %div3A_32 = vector.broadcast %div3A_31 : f32 to vector<2000x1xf32>
    %div3A_33 = arith.divf %broadcast_in_dim3A_30, %div3A_32 : vector<2000x1xf32>
    %sub3A = vector.broadcast %div3A_33 : vector<2000x1xf32> to vector<2000x128xf32>
    %sub3A_34 = arith.subf %add3A_27, %sub3A : vector<2000x128xf32>
    %integer_pow3A = arith.mulf %sub3A_34, %sub3A_34 : vector<2000x128xf32>
    %reduce_sum3A_35 = arith.constant dense<0.000000e+00> : vector<2000xf32>
    %reduce_sum3A_36 = vector.multi_reduction <add>, %integer_pow3A, %reduce_sum3A_35 [1] : vector<2000x128xf32> to vector<2000xf32>
    %broadcast_in_dim3A_37 = vector.shape_cast %reduce_sum3A_36 : vector<2000xf32> to vector<2000x1xf32>
    %div3A_38 = arith.constant 1.280000e+02 : f32
    %div3A_39 = vector.broadcast %div3A_38 : f32 to vector<2000x1xf32>
    %div3A_40 = arith.divf %broadcast_in_dim3A_37, %div3A_39 : vector<2000x1xf32>
    %sub3A_41 = vector.broadcast %div3A_33 : vector<2000x1xf32> to vector<2000x128xf32>
    %sub3A_42 = arith.subf %add3A_27, %sub3A_41 : vector<2000x128xf32>
    %add3A_43 = arith.constant 9.99999974E-6 : f32
    %add3A_44 = vector.broadcast %add3A_43 : f32 to vector<2000x1xf32>
    %add3A_45 = arith.addf %div3A_40, %add3A_44 : vector<2000x1xf32>
    %rsqrt3A = math.rsqrt %add3A_45 : vector<2000x1xf32>
    %mul3A_46 = vector.broadcast %rsqrt3A : vector<2000x1xf32> to vector<2000x128xf32>
    %mul3A_47 = arith.mulf %sub3A_42, %mul3A_46 : vector<2000x128xf32>
    %get3A_48 = arith.constant 0 : index
    %get3A_49 = arith.constant 0 : index
    %get3A_50 = vector.load %arg7[%get3A_48, %get3A_49] : memref<1x128xf32, #tpu.memory_space<vmem>>, vector<1x128xf32>
    %mul3A_51 = vector.broadcast %get3A_50 : vector<1x128xf32> to vector<2000x128xf32>
    %mul3A_52 = arith.mulf %mul3A_47, %mul3A_51 : vector<2000x128xf32>
    %get3A_53 = arith.constant 0 : index
    %get3A_54 = arith.constant 0 : index
    %get3A_55 = vector.load %arg8[%get3A_53, %get3A_54] : memref<1x128xf32, #tpu.memory_space<vmem>>, vector<1x128xf32>
    %add3A_56 = vector.broadcast %get3A_55 : vector<1x128xf32> to vector<2000x128xf32>
    %add3A_57 = arith.addf %mul3A_52, %add3A_56 : vector<2000x128xf32>
    %max3A_58 = arith.constant 0.000000e+00 : f32
    %max3A_59 = vector.broadcast %max3A_58 : f32 to vector<2000x128xf32>
    %max3A_60 = arith.maximumf %add3A_57, %max3A_59 : vector<2000x128xf32>
    %swap3A = arith.constant 0 : index
    %swap3A_61 = arith.constant 0 : index
    %swap3A_62 = vector.load %arg10[%swap3A, %swap3A_61] : memref<2000x128xf32, #tpu.memory_space<vmem>>, vector<2000x128xf32>
    tpu.vector_store %arg10[%swap3A, %swap3A_61], %max3A_60 {strides = array<i32>} : memref<2000x128xf32, #tpu.memory_space<vmem>>, vector<2000x128xf32>,
    return
  }
  func.func @transform_0(%arg0: i32) -> (i32, i32) {
    %c0_i32 = arith.constant 0 : i32
    %c0_i32_0 = arith.constant 0 : i32
    return %arg0, %c0_i32 : i32, i32
  }
  func.func @transform_1(%arg0: i32) -> (i32, i32) {
    %c0_i32 = arith.constant 0 : i32
    %c0_i32_0 = arith.constant 0 : i32
    return %arg0, %c0_i32 : i32, i32
  }
  func.func @transform_2(%arg0: i32) -> (i32, i32) {
    %c0_i32 = arith.constant 0 : i32
    %c0_i32_0 = arith.constant 0 : i32
    return %arg0, %c0_i32 : i32, i32
  }
  func.func @transform_3(%arg0: i32) -> (i32, i32) {
    %c0_i32 = arith.constant 0 : i32
    %c0_i32_0 = arith.constant 0 : i32
    %c0_i32_1 = arith.constant 0 : i32
    return %c0_i32, %c0_i32_0 : i32, i32
  }
  func.func @transform_4(%arg0: i32) -> (i32, i32) {
    %c0_i32 = arith.constant 0 : i32
    %c0_i32_0 = arith.constant 0 : i32
    %c0_i32_1 = arith.constant 0 : i32
    return %c0_i32, %c0_i32_0 : i32, i32
  }
  func.func @transform_5(%arg0: i32) -> (i32, i32) {
    %c0_i32 = arith.constant 0 : i32
    %c0_i32_0 = arith.constant 0 : i32
    %c0_i32_1 = arith.constant 0 : i32
    return %c0_i32, %c0_i32_0 : i32, i32
  }
  func.func @transform_6(%arg0: i32) -> (i32, i32) {
    %c0_i32 = arith.constant 0 : i32
    %c0_i32_0 = arith.constant 0 : i32
    %c0_i32_1 = arith.constant 0 : i32
    return %c0_i32, %c0_i32_0 : i32, i32
  }
  func.func @transform_7(%arg0: i32) -> (i32, i32) {
    %c0_i32 = arith.constant 0 : i32
    %c0_i32_0 = arith.constant 0 : i32
    %c0_i32_1 = arith.constant 0 : i32
    return %c0_i32, %c0_i32_0 : i32, i32
  }
  func.func @transform_8(%arg0: i32) -> (i32, i32) {
    %c0_i32 = arith.constant 0 : i32
    %c0_i32_0 = arith.constant 0 : i32
    %c0_i32_1 = arith.constant 0 : i32
    return %c0_i32, %c0_i32_0 : i32, i32
  }
  func.func @transform_9(%arg0: i32) -> (i32, i32) {
    %c0_i32 = arith.constant 0 : i32
    %c0_i32_0 = arith.constant 0 : i32
    return %arg0, %c0_i32 : i32, i32
  }
}

module attributes {stable_mosaic.version = 14 : i64} {
  func.func @body(%arg0: i32, %arg1: memref<2000x128xf32, #tpu.memory_space<vmem>>, %arg2: memref<2000x128xf32, #tpu.memory_space<vmem>>, %arg3: memref<2000x2xf32, #tpu.memory_space<vmem>>, %arg4: memref<128x128xf32, #tpu.memory_space<vmem>>, %arg5: memref<128x128xf32, #tpu.memory_space<vmem>>, %arg6: memref<1x128xf32, #tpu.memory_space<vmem>>, %arg7: memref<1x128xf32, #tpu.memory_space<vmem>>, %arg8: memref<1x128xf32, #tpu.memory_space<vmem>>, %arg9: memref<128x128xf32, #tpu.memory_space<vmem>>, %arg10: memref<2000x128xf32, #tpu.memory_space<vmem>>, %arg11: memref<2000x128xf32, #tpu.memory_space<vmem>>) attributes {dimension_semantics = [#tpu.dimension_semantics<arbitrary>], iteration_bounds = array<i64: 5>, scalar_prefetch = 0 : i64, scratch_operands = 0 : i64, tpu.core_type = #tpu.core_type<tc>, window_params = [{transform_indices = @transform_0, window_bounds = array<i64: 2000, 128>}, {transform_indices = @transform_1, window_bounds = array<i64: 2000, 128>}, {transform_indices = @transform_2, window_bounds = array<i64: 2000, 2>}, {pipeline_mode = #tpu.pipeline_mode<synchronous>, transform_indices = @transform_3, window_bounds = array<i64: 128, 128>}, {pipeline_mode = #tpu.pipeline_mode<synchronous>, transform_indices = @transform_4, window_bounds = array<i64: 128, 128>}, {pipeline_mode = #tpu.pipeline_mode<synchronous>, transform_indices = @transform_5, window_bounds = array<i64: 1, 128>}, {pipeline_mode = #tpu.pipeline_mode<synchronous>, transform_indices = @transform_6, window_bounds = array<i64: 1, 128>}, {pipeline_mode = #tpu.pipeline_mode<synchronous>, transform_indices = @transform_7, window_bounds = array<i64: 1, 128>}, {pipeline_mode = #tpu.pipeline_mode<synchronous>, transform_indices = @transform_8, window_bounds = array<i64: 128, 128>}, {transform_indices = @transform_9, window_bounds = array<i64: 2000, 128>}, {transform_indices = @transform_10, window_bounds = array<i64: 2000, 128>}]} {
    %get3A = arith.constant 0 : index
    %get3A_0 = arith.constant 0 : index
    %get3A_1 = vector.load %arg1[%get3A, %get3A_0] : memref<2000x128xf32, #tpu.memory_space<vmem>>, vector<2000x128xf32>
    %get3A_2 = arith.constant 0 : index
    %get3A_3 = arith.constant 0 : index
    %get3A_4 = vector.load %arg3[%get3A_2, %get3A_3] : memref<2000x2xf32, #tpu.memory_space<vmem>>, vector<2000x2xf32>
    %reduce_sum3A = arith.constant dense<0.000000e+00> : vector<2000xf32>
    %reduce_sum3A_5 = vector.multi_reduction <add>, %get3A_4, %reduce_sum3A [1] : vector<2000x2xf32> to vector<2000xf32>
    %broadcast_in_dim3A = vector.shape_cast %reduce_sum3A_5 : vector<2000xf32> to vector<2000x1xf32>
    %max3A = arith.constant 1.000000e+00 : f32
    %max3A_6 = vector.broadcast %max3A : f32 to vector<2000x1xf32>
    %max3A_7 = arith.maximumf %broadcast_in_dim3A, %max3A_6 : vector<2000x1xf32>
    %div3A = arith.constant 1.000000e+00 : f32
    %div3A_8 = vector.broadcast %div3A : f32 to vector<2000x1xf32>
    %div3A_9 = arith.divf %div3A_8, %max3A_7 : vector<2000x1xf32>
    %get3A_10 = arith.constant 0 : index
    %get3A_11 = arith.constant 0 : index
    %get3A_12 = vector.load %arg2[%get3A_10, %get3A_11] : memref<2000x128xf32, #tpu.memory_space<vmem>>, vector<2000x128xf32>
    %get3A_13 = arith.constant 0 : index
    %get3A_14 = arith.constant 0 : index
    %get3A_15 = vector.load %arg4[%get3A_13, %get3A_14] : memref<128x128xf32, #tpu.memory_space<vmem>>, vector<128x128xf32>
    %dot_general3A = arith.constant dense<0.000000e+00> : vector<2000x128xf32>
    %dot_general3A_16 = tpu.matmul %get3A_1, %get3A_15, %dot_general3A {dimension_numbers = #tpu.dot_dimension_numbers<[1], [0], [0], [1], [0, 0, 1, 1], [], []>, transpose_lhs_hint = false} : vector<2000x128xf32>, vector<128x128xf32>, vector<2000x128xf32> -> vector<2000x128xf32>
    %mul3A = vector.broadcast %div3A_9 : vector<2000x1xf32> to vector<2000x128xf32>
    %mul3A_17 = arith.mulf %get3A_12, %mul3A : vector<2000x128xf32>
    %get3A_18 = arith.constant 0 : index
    %get3A_19 = arith.constant 0 : index
    %get3A_20 = vector.load %arg5[%get3A_18, %get3A_19] : memref<128x128xf32, #tpu.memory_space<vmem>>, vector<128x128xf32>
    %dot_general3A_21 = arith.constant dense<0.000000e+00> : vector<2000x128xf32>
    %dot_general3A_22 = tpu.matmul %mul3A_17, %get3A_20, %dot_general3A_21 {dimension_numbers = #tpu.dot_dimension_numbers<[1], [0], [0], [1], [0, 0, 1, 1], [], []>, transpose_lhs_hint = false} : vector<2000x128xf32>, vector<128x128xf32>, vector<2000x128xf32> -> vector<2000x128xf32>
    %add3A = arith.addf %dot_general3A_16, %dot_general3A_22 : vector<2000x128xf32>
    %get3A_23 = arith.constant 0 : index
    %get3A_24 = arith.constant 0 : index
    %get3A_25 = vector.load %arg6[%get3A_23, %get3A_24] : memref<1x128xf32, #tpu.memory_space<vmem>>, vector<1x128xf32>
    %add3A_26 = vector.broadcast %get3A_25 : vector<1x128xf32> to vector<2000x128xf32>
    %add3A_27 = arith.addf %add3A, %add3A_26 : vector<2000x128xf32>
    %reduce_sum3A_28 = arith.constant dense<0.000000e+00> : vector<2000xf32>
    %reduce_sum3A_29 = vector.multi_reduction <add>, %add3A_27, %reduce_sum3A_28 [1] : vector<2000x128xf32> to vector<2000xf32>
    %broadcast_in_dim3A_30 = vector.shape_cast %reduce_sum3A_29 : vector<2000xf32> to vector<2000x1xf32>
    %div3A_31 = arith.constant 1.280000e+02 : f32
    %div3A_32 = vector.broadcast %div3A_31 : f32 to vector<2000x1xf32>
    %div3A_33 = arith.divf %broadcast_in_dim3A_30, %div3A_32 : vector<2000x1xf32>
    %sub3A = vector.broadcast %div3A_33 : vector<2000x1xf32> to vector<2000x128xf32>
    %sub3A_34 = arith.subf %add3A_27, %sub3A : vector<2000x128xf32>
    %integer_pow3A = arith.mulf %sub3A_34, %sub3A_34 : vector<2000x128xf32>
    %reduce_sum3A_35 = arith.constant dense<0.000000e+00> : vector<2000xf32>
    %reduce_sum3A_36 = vector.multi_reduction <add>, %integer_pow3A, %reduce_sum3A_35 [1] : vector<2000x128xf32> to vector<2000xf32>
    %broadcast_in_dim3A_37 = vector.shape_cast %reduce_sum3A_36 : vector<2000xf32> to vector<2000x1xf32>
    %div3A_38 = arith.constant 1.280000e+02 : f32
    %div3A_39 = vector.broadcast %div3A_38 : f32 to vector<2000x1xf32>
    %div3A_40 = arith.divf %broadcast_in_dim3A_37, %div3A_39 : vector<2000x1xf32>
    %sub3A_41 = vector.broadcast %div3A_33 : vector<2000x1xf32> to vector<2000x128xf32>
    %sub3A_42 = arith.subf %add3A_27, %sub3A_41 : vector<2000x128xf32>
    %add3A_43 = arith.constant 9.99999974E-6 : f32
    %add3A_44 = vector.broadcast %add3A_43 : f32 to vector<2000x1xf32>
    %add3A_45 = arith.addf %div3A_40, %add3A_44 : vector<2000x1xf32>
    %rsqrt3A = math.rsqrt %add3A_45 : vector<2000x1xf32>
    %mul3A_46 = vector.broadcast %rsqrt3A : vector<2000x1xf32> to vector<2000x128xf32>
    %mul3A_47 = arith.mulf %sub3A_42, %mul3A_46 : vector<2000x128xf32>
    %get3A_48 = arith.constant 0 : index
    %get3A_49 = arith.constant 0 : index
    %get3A_50 = vector.load %arg7[%get3A_48, %get3A_49] : memref<1x128xf32, #tpu.memory_space<vmem>>, vector<1x128xf32>
    %mul3A_51 = vector.broadcast %get3A_50 : vector<1x128xf32> to vector<2000x128xf32>
    %mul3A_52 = arith.mulf %mul3A_47, %mul3A_51 : vector<2000x128xf32>
    %get3A_53 = arith.constant 0 : index
    %get3A_54 = arith.constant 0 : index
    %get3A_55 = vector.load %arg8[%get3A_53, %get3A_54] : memref<1x128xf32, #tpu.memory_space<vmem>>, vector<1x128xf32>
    %add3A_56 = vector.broadcast %get3A_55 : vector<1x128xf32> to vector<2000x128xf32>
    %add3A_57 = arith.addf %mul3A_52, %add3A_56 : vector<2000x128xf32>
    %max3A_58 = arith.constant 0.000000e+00 : f32
    %max3A_59 = vector.broadcast %max3A_58 : f32 to vector<2000x128xf32>
    %max3A_60 = arith.maximumf %add3A_57, %max3A_59 : vector<2000x128xf32>
    %swap3A = arith.constant 0 : index
    %swap3A_61 = arith.constant 0 : index
    %swap3A_62 = vector.load %arg10[%swap3A, %swap3A_61] : memref<2000x128xf32, #tpu.memory_space<vmem>>, vector<2000x128xf32>
    tpu.vector_store %arg10[%swap3A, %swap3A_61], %max3A_60 {strides = array<i32>} : memref<2000x128xf32, #tpu.memory_space<vmem>>, vector<2000x128xf32>,
    %get3A_63 = arith.constant 0 : index
    %get3A_64 = arith.constant 0 : index
    %get3A_65 = vector.load %arg9[%get3A_63, %get3A_64] : memref<128x128xf32, #tpu.memory_space<vmem>>, vector<128x128xf32>
    %dot_general3A_66 = arith.constant dense<0.000000e+00> : vector<2000x128xf32>
    %dot_general3A_67 = tpu.matmul %max3A_60, %get3A_65, %dot_general3A_66 {dimension_numbers = #tpu.dot_dimension_numbers<[1], [0], [0], [1], [0, 0, 1, 1], [], []>, transpose_lhs_hint = false} : vector<2000x128xf32>, vector<128x128xf32>, vector<2000x128xf32> -> vector<2000x128xf32>
    %swap3A_68 = arith.constant 0 : index
    %swap3A_69 = arith.constant 0 : index
    %swap3A_70 = vector.load %arg11[%swap3A_68, %swap3A_69] : memref<2000x128xf32, #tpu.memory_space<vmem>>, vector<2000x128xf32>
    tpu.vector_store %arg11[%swap3A_68, %swap3A_69], %dot_general3A_67 {strides = array<i32>} : memref<2000x128xf32, #tpu.memory_space<vmem>>, vector<2000x128xf32>,
    return
  }
  func.func @transform_0(%arg0: i32) -> (i32, i32) {
    %c0_i32 = arith.constant 0 : i32
    %c0_i32_0 = arith.constant 0 : i32
    return %arg0, %c0_i32 : i32, i32
  }
  func.func @transform_1(%arg0: i32) -> (i32, i32) {
    %c0_i32 = arith.constant 0 : i32
    %c0_i32_0 = arith.constant 0 : i32
    return %arg0, %c0_i32 : i32, i32
  }
  func.func @transform_2(%arg0: i32) -> (i32, i32) {
    %c0_i32 = arith.constant 0 : i32
    %c0_i32_0 = arith.constant 0 : i32
    return %arg0, %c0_i32 : i32, i32
  }
  func.func @transform_3(%arg0: i32) -> (i32, i32) {
    %c0_i32 = arith.constant 0 : i32
    %c0_i32_0 = arith.constant 0 : i32
    %c0_i32_1 = arith.constant 0 : i32
    return %c0_i32, %c0_i32_0 : i32, i32
  }
  func.func @transform_4(%arg0: i32) -> (i32, i32) {
    %c0_i32 = arith.constant 0 : i32
    %c0_i32_0 = arith.constant 0 : i32
    %c0_i32_1 = arith.constant 0 : i32
    return %c0_i32, %c0_i32_0 : i32, i32
  }
  func.func @transform_5(%arg0: i32) -> (i32, i32) {
    %c0_i32 = arith.constant 0 : i32
    %c0_i32_0 = arith.constant 0 : i32
    %c0_i32_1 = arith.constant 0 : i32
    return %c0_i32, %c0_i32_0 : i32, i32
  }
  func.func @transform_6(%arg0: i32) -> (i32, i32) {
    %c0_i32 = arith.constant 0 : i32
    %c0_i32_0 = arith.constant 0 : i32
    %c0_i32_1 = arith.constant 0 : i32
    return %c0_i32, %c0_i32_0 : i32, i32
  }
  func.func @transform_7(%arg0: i32) -> (i32, i32) {
    %c0_i32 = arith.constant 0 : i32
    %c0_i32_0 = arith.constant 0 : i32
    %c0_i32_1 = arith.constant 0 : i32
    return %c0_i32, %c0_i32_0 : i32, i32
  }
  func.func @transform_8(%arg0: i32) -> (i32, i32) {
    %c0_i32 = arith.constant 0 : i32
    %c0_i32_0 = arith.constant 0 : i32
    %c0_i32_1 = arith.constant 0 : i32
    return %c0_i32, %c0_i32_0 : i32, i32
  }
  func.func @transform_9(%arg0: i32) -> (i32, i32) {
    %c0_i32 = arith.constant 0 : i32
    %c0_i32_0 = arith.constant 0 : i32
    return %arg0, %c0_i32 : i32, i32
  }
  func.func @transform_10(%arg0: i32) -> (i32, i32) {
    %c0_i32 = arith.constant 0 : i32
    %c0_i32_0 = arith.constant 0 : i32
    return %arg0, %c0_i32 : i32, i32
  }
}

module attributes {stable_mosaic.version = 14 : i64} {
  func.func @body(%arg0: i32, %arg1: memref<2000x128xf32, #tpu.memory_space<vmem>>, %arg2: memref<2000x128xf32, #tpu.memory_space<vmem>>, %arg3: memref<2000x2xf32, #tpu.memory_space<vmem>>, %arg4: memref<128x47xf32, #tpu.memory_space<vmem>>, %arg5: memref<128x47xf32, #tpu.memory_space<vmem>>, %arg6: memref<1x47xf32, #tpu.memory_space<vmem>>, %arg7: memref<1x47xf32, #tpu.memory_space<vmem>>, %arg8: memref<1x47xf32, #tpu.memory_space<vmem>>, %arg9: memref<47x8xf32, #tpu.memory_space<vmem>>, %arg10: memref<2000x47xf32, #tpu.memory_space<vmem>>) attributes {dimension_semantics = [#tpu.dimension_semantics<arbitrary>], iteration_bounds = array<i64: 5>, scalar_prefetch = 0 : i64, scratch_operands = 0 : i64, tpu.core_type = #tpu.core_type<tc>, window_params = [{transform_indices = @transform_0, window_bounds = array<i64: 2000, 128>}, {transform_indices = @transform_1, window_bounds = array<i64: 2000, 128>}, {transform_indices = @transform_2, window_bounds = array<i64: 2000, 2>}, {pipeline_mode = #tpu.pipeline_mode<synchronous>, transform_indices = @transform_3, window_bounds = array<i64: 128, 47>}, {pipeline_mode = #tpu.pipeline_mode<synchronous>, transform_indices = @transform_4, window_bounds = array<i64: 128, 47>}, {pipeline_mode = #tpu.pipeline_mode<synchronous>, transform_indices = @transform_5, window_bounds = array<i64: 1, 47>}, {pipeline_mode = #tpu.pipeline_mode<synchronous>, transform_indices = @transform_6, window_bounds = array<i64: 1, 47>}, {pipeline_mode = #tpu.pipeline_mode<synchronous>, transform_indices = @transform_7, window_bounds = array<i64: 1, 47>}, {pipeline_mode = #tpu.pipeline_mode<synchronous>, transform_indices = @transform_8, window_bounds = array<i64: 47, 8>}, {transform_indices = @transform_9, window_bounds = array<i64: 2000, 47>}]} {
    %get3A = arith.constant 0 : index
    %get3A_0 = arith.constant 0 : index
    %get3A_1 = vector.load %arg1[%get3A, %get3A_0] : memref<2000x128xf32, #tpu.memory_space<vmem>>, vector<2000x128xf32>
    %get3A_2 = arith.constant 0 : index
    %get3A_3 = arith.constant 0 : index
    %get3A_4 = vector.load %arg3[%get3A_2, %get3A_3] : memref<2000x2xf32, #tpu.memory_space<vmem>>, vector<2000x2xf32>
    %reduce_sum3A = arith.constant dense<0.000000e+00> : vector<2000xf32>
    %reduce_sum3A_5 = vector.multi_reduction <add>, %get3A_4, %reduce_sum3A [1] : vector<2000x2xf32> to vector<2000xf32>
    %broadcast_in_dim3A = vector.shape_cast %reduce_sum3A_5 : vector<2000xf32> to vector<2000x1xf32>
    %max3A = arith.constant 1.000000e+00 : f32
    %max3A_6 = vector.broadcast %max3A : f32 to vector<2000x1xf32>
    %max3A_7 = arith.maximumf %broadcast_in_dim3A, %max3A_6 : vector<2000x1xf32>
    %div3A = arith.constant 1.000000e+00 : f32
    %div3A_8 = vector.broadcast %div3A : f32 to vector<2000x1xf32>
    %div3A_9 = arith.divf %div3A_8, %max3A_7 : vector<2000x1xf32>
    %get3A_10 = arith.constant 0 : index
    %get3A_11 = arith.constant 0 : index
    %get3A_12 = vector.load %arg2[%get3A_10, %get3A_11] : memref<2000x128xf32, #tpu.memory_space<vmem>>, vector<2000x128xf32>
    %get3A_13 = arith.constant 0 : index
    %get3A_14 = arith.constant 0 : index
    %get3A_15 = vector.load %arg4[%get3A_13, %get3A_14] : memref<128x47xf32, #tpu.memory_space<vmem>>, vector<128x47xf32>
    %dot_general3A = arith.constant dense<0.000000e+00> : vector<2000x47xf32>
    %dot_general3A_16 = tpu.matmul %get3A_1, %get3A_15, %dot_general3A {dimension_numbers = #tpu.dot_dimension_numbers<[1], [0], [0], [1], [0, 0, 1, 1], [], []>, transpose_lhs_hint = false} : vector<2000x128xf32>, vector<128x47xf32>, vector<2000x47xf32> -> vector<2000x47xf32>
    %slice3A = vector.extract_strided_slice %get3A_12 {offsets = [0, 0], sizes = [2000, 64], strides = [1, 1]} : vector<2000x128xf32> to vector<2000x64xf32>
    %slice3A_17 = vector.extract_strided_slice %get3A_12 {offsets = [0, 64], sizes = [2000, 64], strides = [1, 1]} : vector<2000x128xf32> to vector<2000x64xf32>
    %add3A = arith.addf %slice3A, %slice3A_17 : vector<2000x64xf32>
    %slice3A_18 = vector.extract_strided_slice %add3A {offsets = [0, 0], sizes = [2000, 47], strides = [1, 1]} : vector<2000x64xf32> to vector<2000x47xf32>
    %mul3A = vector.broadcast %div3A_9 : vector<2000x1xf32> to vector<2000x47xf32>
    %mul3A_19 = arith.mulf %slice3A_18, %mul3A : vector<2000x47xf32>
    %add3A_20 = arith.addf %dot_general3A_16, %mul3A_19 : vector<2000x47xf32>
    %get3A_21 = arith.constant 0 : index
    %get3A_22 = arith.constant 0 : index
    %get3A_23 = vector.load %arg6[%get3A_21, %get3A_22] : memref<1x47xf32, #tpu.memory_space<vmem>>, vector<1x47xf32>
    %add3A_24 = vector.broadcast %get3A_23 : vector<1x47xf32> to vector<2000x47xf32>
    %add3A_25 = arith.addf %add3A_20, %add3A_24 : vector<2000x47xf32>
    %swap3A = arith.constant 0 : index
    %swap3A_26 = arith.constant 0 : index
    %swap3A_27 = vector.load %arg10[%swap3A, %swap3A_26] : memref<2000x47xf32, #tpu.memory_space<vmem>>, vector<2000x47xf32>
    tpu.vector_store %arg10[%swap3A, %swap3A_26], %add3A_25 {strides = array<i32>} : memref<2000x47xf32, #tpu.memory_space<vmem>>, vector<2000x47xf32>,
    return
  }
  func.func @transform_0(%arg0: i32) -> (i32, i32) {
    %c0_i32 = arith.constant 0 : i32
    %c0_i32_0 = arith.constant 0 : i32
    return %arg0, %c0_i32 : i32, i32
  }
  func.func @transform_1(%arg0: i32) -> (i32, i32) {
    %c0_i32 = arith.constant 0 : i32
    %c0_i32_0 = arith.constant 0 : i32
    return %arg0, %c0_i32 : i32, i32
  }
  func.func @transform_2(%arg0: i32) -> (i32, i32) {
    %c0_i32 = arith.constant 0 : i32
    %c0_i32_0 = arith.constant 0 : i32
    return %arg0, %c0_i32 : i32, i32
  }
  func.func @transform_3(%arg0: i32) -> (i32, i32) {
    %c0_i32 = arith.constant 0 : i32
    %c0_i32_0 = arith.constant 0 : i32
    %c0_i32_1 = arith.constant 0 : i32
    return %c0_i32, %c0_i32_0 : i32, i32
  }
  func.func @transform_4(%arg0: i32) -> (i32, i32) {
    %c0_i32 = arith.constant 0 : i32
    %c0_i32_0 = arith.constant 0 : i32
    %c0_i32_1 = arith.constant 0 : i32
    return %c0_i32, %c0_i32_0 : i32, i32
  }
  func.func @transform_5(%arg0: i32) -> (i32, i32) {
    %c0_i32 = arith.constant 0 : i32
    %c0_i32_0 = arith.constant 0 : i32
    %c0_i32_1 = arith.constant 0 : i32
    return %c0_i32, %c0_i32_0 : i32, i32
  }
  func.func @transform_6(%arg0: i32) -> (i32, i32) {
    %c0_i32 = arith.constant 0 : i32
    %c0_i32_0 = arith.constant 0 : i32
    %c0_i32_1 = arith.constant 0 : i32
    return %c0_i32, %c0_i32_0 : i32, i32
  }
  func.func @transform_7(%arg0: i32) -> (i32, i32) {
    %c0_i32 = arith.constant 0 : i32
    %c0_i32_0 = arith.constant 0 : i32
    %c0_i32_1 = arith.constant 0 : i32
    return %c0_i32, %c0_i32_0 : i32, i32
  }
  func.func @transform_8(%arg0: i32) -> (i32, i32) {
    %c0_i32 = arith.constant 0 : i32
    %c0_i32_0 = arith.constant 0 : i32
    %c0_i32_1 = arith.constant 0 : i32
    return %c0_i32, %c0_i32_0 : i32, i32
  }
  func.func @transform_9(%arg0: i32) -> (i32, i32) {
    %c0_i32 = arith.constant 0 : i32
    %c0_i32_0 = arith.constant 0 : i32
    return %arg0, %c0_i32 : i32, i32
  }
}

</mosaic_0001>

<sc_bundles>
// kernel: kernel.11.cloned.1.call-start
scs
__scs_entry_jumppad:
0x0: {  	(pc) =	sbr.rel $0x88, $3  }
0x1: {  	(tag) =	ssettag $0x0;
	lr =	simm.s32 $0x1  }
0x2: {  	[smem:$0x3F92] =	sst lr;
	_ =	strace $0xD0000000  }
0x3: {  	_ = 	snop  }
0x4: {  	_ = 	snop  }
0x5: {  	_ = 	snop  }
0x6: {  	_ = 	snop  }
0x7: {  	_ = 	snop  }
__scs_overlays_trampoline_lowered:
0x8: {  	[smem:$0x3FA1] =	sst s0  }
0x9: {  	[smem:$0x3FA2] =	sst s1  }
0xa: {  	[smem:$0x3FA3] =	sst s2  }
0xb: {  	[smem:$0x3FA4] =	sst s3  }
0xc: {  	[smem:$0x3FA5] =	sst s4  }
0xd: {  	[smem:$0x3FA6] =	sst s5  }
0xe: {  	[smem:$0x3FA7] =	sst s6  }
0xf: {  	[smem:$0x3FA8] =	sst s7  }
0x10: {  	[smem:$0x3FA9] =	sst s8  }
0x11: {  	[smem:$0x3FAA] =	sst s9;
	s0 =	simm.s32 @!p0 $0x0  }
0x12: {  	s1 =	sld [smem:$0x3F90];
	s0 =	simm.s32 @p0 $0x1  }
0x13: {  	[smem:$0x3FAB] =	sst s0;
	s0 =	simm.s32 @!p1 $0x0  }
0x14: {  	s2 =	sld [smem:$0x3F8F];
	s0 =	simm.s32 @p1 $0x1  }
0x15: {  	[smem:$0x3FAC] =	sst s0;
	s0 =	simm.s32 @!p2 $0x0  }
0x16: {  	s3 =	sld [smem:$0x3FDB];
	s0 =	simm.s32 @p2 $0x1  }
0x17: {  	s4 =	simm.s32 $0x1BF5;
	[smem:$0x3FAE] =	sst s0  }
0x18: {  	s0 =	sld [smem:$0x3F91];
	_ =	swait.ge [sflag:s4], $0x0  }
0x19: {  	s7 =	sld [smem:$0x3F92]  }
0x1a: {  	s8 =	sadd.s32 $0xFFFFE003, lr  }
0x1b: {  	s9 =	sadd.s32 $0xFFFFFEF7, lr;
	s5 =	simm.s32 $0xFFFFFFFF;
	p2 =	slt.u32 s8, $0xFFFFF086  }
0x1c: {  	p1 =	slt.u32 s9, $0xF7A;
	s5 =	simm.s32 @!p2 $0x0  }
0x1d: {  	s5 =	simm.s32 @p1 $0x1;
	p0 =	seq.s32 s7, s2  }
0x1e: {  	s7 =	smul.u32 @!p0 $0xF7A, s2;
	p2 =	seq.s32 @!p0 s5, $0x0  }
0x1f: {  	s9 =	smul.u32 $0xF7A, s1;
	s8 =	simm.s32 @!p0 $0x1BF5;
	p2 =	por !p2, p0  }
0x20: {  	[sflag:s8] =	ssyncset.s32 @!p0 $0xFFFFF086;
	s6 =	sadd.s32 @!p0 s3, s7;
	s7 =	simm.s32 @!p0 $0x108  }
0x21: {  	s3 =	sadd.s32 s3, s9;
	s6 =	sadd.s32 @!p0 $0x88, s6;
	s7 =	simm.s32 @p2 $0x1082  }
0x22: {  	[simem:s7], [sflag:s8] =	dma.local @!p0 [hbm:s6], $0xF7A  }
0x23: {  	s9 =	sor.u32 $0xD0000000, s2;
	s6 =	simm.s32 $0x108;
	_ =	swait.ge @!p0 [sflag:s8], $0x0  }
0x24: {  	s3 =	sadd.s32 $0x88, s3;
	s6 =	simm.s32 @!p1 $0x1082;
	[sflag:s4] =	ssyncset.s32 $0xFFFFF086  }
0x25: {  	[simem:s6], [sflag:s4] =	dma.local [hbm:s3], $0xF7A  }
0x26: {  	[smem:$0x3F92] =	sst s1;
	(tag) =	ssettag s2;
	_ =	strace s9  }
0x27: {  	s1 =	sld [smem:$0x3FA2]  }
0x28: {  	s2 =	sld [smem:$0x3FA3]  }
0x29: {  	s4 =	sld [smem:$0x3FA5]  }
0x2a: {  	p0 =	seq.s32 s5, $0x0;
	s5 =	sld [smem:$0x3FA6]  }
0x2b: {  	s6 =	sld [smem:$0x3FA7]  }
0x2c: {  	s7 =	sld [smem:$0x3FA8]  }
0x2d: {  	s3 =	simm.s32 $0x108;
	s8 =	sld [smem:$0x3FA9]  }
0x2e: {  	s3 =	simm.s32 @!p0 $0x1082;
	s9 =	sld [smem:$0x3FAA]  }
0x2f: {  	lr =	sadd.s32 s0, s3;
	s0 =	sld [smem:$0x3FA1]  }
0x30: {  	s3 =	sld [smem:$0x3FA4]  }
0x31: {  	[smem:$0x3FAD] =	sst s10  }
0x32: {  	s10 =	sld [smem:$0x3FAB];
	_ =	sdelay $0x3  }
0x33: {  	p0 =	seq.s32 s10, $0x1;
	s10 =	sld [smem:$0x3FAD];
	_ =	sdelay $0x3  }
0x34: {  	[smem:$0x3FAD] =	sst s10  }
0x35: {  	s10 =	sld [smem:$0x3FAC];
	_ =	sdelay $0x3  }
0x36: {  	p1 =	seq.s32 s10, $0x1;
	s10 =	sld [smem:$0x3FAD];
	_ =	sdelay $0x3  }
0x37: {  	[smem:$0x3FAD] =	sst s10  }
0x38: {  	s10 =	sld [smem:$0x3FAE]  }
0x39: {  	_ = 	snop;
	(pc) =	sbr.ind lr, $3  }
0x3a: {  	_ = 	snop  }
0x3b: {  	_ = 	snop  }
0x3c: {  	p2 =	seq.s32 s10, $0x1;
	s10 =	sld [smem:$0x3FAD]  }
0x3d: {  	_ =	shalt  }
0x3e: {  	_ =	shalt  }
0x3f: {  	_ =	shalt  }
0x40: {  	_ =	shalt  }
0x41: {  	_ =	shalt  }
0x42: {  	_ =	shalt  }
0x43: {  	_ =	shalt  }
0x44: {  	_ =	shalt  }
0x45: {  	_ =	shalt  }
0x46: {  	_ =	shalt  }
0x47: {  	_ =	shalt  }
0x48: {  	_ =	shalt  }
0x49: {  	_ =	shalt  }
0x4a: {  	_ =	shalt  }
0x4b: {  	_ =	shalt  }
0x4c: {  	_ =	shalt  }
0x4d: {  	_ =	shalt  }
0x4e: {  	_ =	shalt  }
0x4f: {  	_ =	shalt  }
0x50: {  	_ =	shalt  }
0x51: {  	_ =	shalt  }
0x52: {  	_ =	shalt  }
0x53: {  	_ =	shalt  }
0x54: {  	_ =	shalt  }
0x55: {  	_ =	shalt  }
0x56: {  	_ =	shalt  }
0x57: {  	_ =	shalt  }
0x58: {  	_ =	shalt  }
0x59: {  	_ =	shalt  }
0x5a: {  	_ =	shalt  }
0x5b: {  	_ =	shalt  }
0x5c: {  	_ =	shalt  }
0x5d: {  	_ =	shalt  }
0x5e: {  	_ =	shalt  }
0x5f: {  	_ =	shalt  }
0x60: {  	_ =	shalt  }
0x61: {  	_ =	shalt  }
0x62: {  	_ =	shalt  }
0x63: {  	_ =	shalt  }
0x64: {  	_ =	shalt  }
0x65: {  	_ =	shalt  }
0x66: {  	_ =	shalt  }
0x67: {  	_ =	shalt  }
0x68: {  	_ =	shalt  }
0x69: {  	_ =	shalt  }
0x6a: {  	_ =	shalt  }
0x6b: {  	_ =	shalt  }
0x6c: {  	_ =	shalt  }
0x6d: {  	_ =	shalt  }
0x6e: {  	_ =	shalt  }
0x6f: {  	_ =	shalt  }
0x70: {  	_ =	shalt  }
0x71: {  	_ =	shalt  }
0x72: {  	_ =	shalt  }
0x73: {  	_ =	shalt  }
0x74: {  	_ =	shalt  }
0x75: {  	_ =	shalt  }
0x76: {  	_ =	shalt  }
0x77: {  	_ =	shalt  }
0x78: {  	_ =	shalt  }
0x79: {  	_ =	shalt  }
0x7a: {  	_ =	shalt  }
0x7b: {  	_ =	shalt  }
0x7c: {  	_ =	shalt  }
0x7d: {  	_ =	shalt  }
0x7e: {  	_ =	shalt  }
0x7f: {  	_ =	shalt  }
0x80: {  	_ =	shalt  }
0x81: {  	_ =	shalt  }
0x82: {  	_ =	shalt  }
0x83: {  	_ =	shalt  }
0x84: {  	_ =	shalt  }
0x85: {  	_ =	shalt  }
0x86: {  	_ =	shalt  }
0x87: {  	_ =	shalt  }
.Lfunc_end0:
.L_simem_size_0:
called_computation.1_lowered:
.L_overlay_start_0:
0x88: {  	s2 =	sld [smem:$0x3FD9]  }
0x89: {  	s3 =	sld [smem:$0x3FFE];
	_ =	sdelay $0x1  }
0x8a: {  	s1 =	srdreg.scid  }
0x8b: {  	s0 =	sand.u32 $0x1, s1  }
0x8c: {  	s17 =	sshll.u32 s0, $0xA;
	s2 =	sadd.s32 s3, s2  }
0x8d: {  	s2 =	sadd.s32 s2, s17  }
0x8e: {  	[smem:$0x3FB9] =	sst s2  }
0x8f: {  	_ = 	snop  }
0x90: {  	s2 =	sld [smem:$0x3FD0];
	(tm) =	ssettm $0x1  }
0x91: {  	s18 =	sld [smem:$0x3FFB];
	_ =	sdelay $0x3  }
0x92: {  	_ =	strace s18  }
0x93: {  	s3 =	sld [smem:$0x3FFC];
	_ =	sdelay $0x3  }
0x94: {  	_ =	strace s3  }
0x95: {  	s3 =	sld [smem:$0x3FFD];
	_ =	sdelay $0x3  }
0x96: {  	_ =	strace s3  }
0x97: {  	_ =	strace $0x8FFFFFFF  }
0x98: {  	s19 =	sld [smem:$0x3FDB];
	_ =	sdelay $0x1  }
0x99: {  	s4 =	simm.s32 $_scs_section_size  }
0x9a: {  	s5 =	simm.s32 $_size__tile_overlayer_lowered;
	s6 =	simm.s32 $_tile_overlayer_lowered  }
0x9b: {  	s22 =	simm.s32 $0x1BFF;
	s21 =	sshll.u32 s6, $0x1;
	s3 =	sadd.s32 s4, s19  }
0x9c: {  	s7 =	simm.s32 $0x0;
	s20 =	sshll.u32 s5, $0x1;
	s5 =	sadd.s32 s21, s3  }
0x9d: {  	[timem:s7], [sflag:s22] =	dma.local [hbm:s5], s20  }
0x9e: {  	_ =	swait.ge [sflag:s22], s20  }
0x9f: {  	s4 =	ssub.s32 $0x0, s20;
	[sflag:s22] =	ssyncset.done $0x0  }
0xa0: {  	[sflag:s22] =	ssyncadd.s32 s4;
	_ =	sdelay $0x1  }
0xa1: {  	s23 =	simm.s32 $0x1B8B  }
0xa2: {  	_ =	swait.ge [sflag:s23], $0x1  }
0xa3: {  	[sflag:s23] =	ssyncset.done $0x0  }
0xa4: {  	s25 =	simm.s32 $0x1B8E;
	s24 =	sld [smem:$0x3FFE];
	[sflag:s23] =	ssyncadd.s32 $0xFFFFFFFF  }
0xa5: {  	s26 =	simm.s32 $execute0_lowered;
	[smem:$0x3FD2] =	sst s25  }
0xa6: {  	s5 =	sshll.u32 s26, $0x1;
	_ =	strace $0x80000049;
	[dreg:$0x1] =	wrdreg $0xFFFFFFFF  }
0xa7: {  	s28 =	simm.s32 $_size_execute0_lowered;
	s3 =	sadd.s32 s3, s5;
	[dreg:$0x0] =	wrdreg $0x0  }
0xa8: {  	s5 =	sshll.u32 s28, $0x1;
	[dreg:$0x2] =	wrdreg s3  }
0xa9: {  	[dreg:$0x3] =	wrdreg s5  }
0xaa: {  	[dreg:$0x4] =	wrdreg $0xC0  }
0xab: {  	_ =	task [dreg:s7], $0x5FFFF  }
0xac: {  	[dreg:$0x1] =	wrdreg $0xFFFFFFFF  }
0xad: {  	[dreg:$0x0] =	wrdreg $0x60  }
0xae: {  	[dreg:$0x2] =	wrdreg s24  }
0xaf: {  	[dreg:$0x3] =	wrdreg s2  }
0xb0: {  	[dreg:$0x4] =	wrdreg $0x13C400  }
0xb1: {  	[dreg:$0x5] =	wrdreg $0x9  }
0xb2: {  	_ =	task.clear_ibuf [dreg:s7], $0x6FFFF;
	_ =	strace $0x90000049  }
0xb3: {  	s29 =	simm.s32 $0x9;
	_ =	strace $0x8000004B  }
0xb4: {  	_ =	swait.ge [sflag:s29], $0x1  }
0xb5: {  	[sflag:s29] =	ssyncadd.s32 $0xFFFFFFFF  }
0xb6: {  	_ =	strace $0x9000004B  }
0xb7: {  	_ =	sfence  }
0xb8: {  	s30 =	sld [smem:$0x0];
	_ =	sdelay $0x2  }
0xb9: {  	s31 =	sshll.u32 s1, $0xD;
	s1 =	sshrl.u32 s1, $0x2  }
0xba: {  	s3 =	sand.u32 $0x4000, s31;
	s1 =	sadd.s32 s1, s30  }
0xbb: {  	s0 =	sor.u32 s3, s0;
	s1 =	sshll.u32 s1, $0x11  }
0xbc: {  	s0 =	sor.u32 s1, s0  }
0xbd: {  	s0 =	sadd.s32 $0x8F2B, s0  }
0xbe: {  	[sflag:s0] =	ssyncadd.remote.s32 $0x1  }
0xbf: {  	_ =	sfence.sel $0xFFFF  }
0xc0: {  	[dreg:$0x0] =	wrdreg $0xFFFFFFFF;
	(pc) =	sbr.abs _section_cstart, $3  }
0xc1: {  	[dreg:$0x1] =	wrdreg $0xFFFFFFFF  }
0xc2: {  	_ =	task.clear_ibuf [dreg:s7], $0x2FFFF;
	_ =	strace $0x9FFFFFFF  }
0xc3: {  	(tm) =	ssettm $0x7FFFFFFF  }
tec
execute0_lowered:
.L_overlay_start_1:
0x0: {  	(tag) =	ssettag $0x1  }
0x1: {  	s0 =	rddreg [dreg:$0x0];
	s1 =	srdreg.scid  }
0x2: {  	s12 =	stileid.u32;
	s5 =	rddreg [dreg:$0x1]  }
0x3: {  	s8 =	rddreg [dreg:$0x2];
	s2 =	simm.s32 $0x0;
	s13 =	simm.s32 $0x7D  }
0x4: {  	s14 =	simm.s32 $0xA000;
	s16 =	simm.s32 $0xBF40;
	s18 =	simm.s32 $0xDE80  }
0x5: {  	s20 =	simm.s32 $0xFDC0;
	s22 =	simm.s32 $0x11D00;
	s24 =	simm.s32 $0x1  }
0x6: {  	s29 =	simm.s32 $0x3;
	s31 =	simm.s32 $0x4;
	s4 =	smul.u32 $0x5000, s12  }
0x7: {  	s23 =	simm.s32 $0x0;
	s1 =	sand.u32 $0x1, s1;
	s7 =	smul.u32 $0x9C00, s12  }
0x8: {  	[smem:$0x7FF] =	sst s2;
	s30 =	smul.u32 $0x2700, s12;
	p0 =	sne.s32 s12, $0xF  }
0x9: {  	s12 =	simm.s32 $0x6;
	s3 =	smul.u32 $0x50000, s1;
	_ =	strace $0x8000004A  }
0xa: {  	s10 =	ssub.s32 $0x2, s1;
	s1 =	sshll.u32 s1, $0x3;
	s9 =	sshrl.u32 s7, $0x3  }
0xb: {  	s11 =	sshrl.u32 s10, $0x1;
	s1 =	sadd.s32 s1, s0;
	s26 =	sshrl.u32 s4, $0x3  }
0xc: {  	s6 =	sadd.s32 s4, s3;
	s3 =	sadd.s32 $0x2C200, s0;
	s9 =	sadd.s32 s9, s0  }
0xd: {  	s11 =	ssub.s32 s10, s11;
	s5 =	sadd.s32 s5, s26;
	s6 =	sshrl.u32 s6, $0x3  }
0xe: {  	s10 =	sadd.s32 $0x7B600, s1;
	s26 =	simm.s32 $0x2;
	s6 =	sadd.s32 s6, s0  }
0xf: {  	s11 =	smax.u32 s11, $0x1;
	s25 =	sadd.s32 s30, s10;
	s28 =	sadd.s32 $0x4800, s6  }
0x10: {  	s6 =	sadd.s32 s7, s8;
	s7 =	sadd.s32 $0x18800, s9;
	s8 =	sadd.s32 $0x9C000, s8  }
0x11: {  	s9 =	sadd.s32 $0x2C000, s0;
	s0 =	simm.s32 $0x5;
	[dreg:$0x4] =	wrdreg s28  }
.LBB2_1:
0x12: {  	s1 =	rddreg [dreg:$0x4]  }
0x13: {  	[tilespmem:s2], [sflag:$0x6] =	stream.linear.gather [hbm4b:s1+s2], $0x5000, $0x38;
	[tilespmem:$0x1D880] =	vst v63  }
0x14: {  	_ =	swait.ge [sflag:s12], $0x5000  }
0x15: {  	[sflag:s12] =	ssyncset.done $0x0  }
0x16: {  	[sflag:s12] =	ssyncadd.s32 $0xFFFFB000  }
0x17: {  	[tilespmem:s14], [sflag:$0x1] =	stream.indirect.gather [hbm4b:s3+s13], $0x40, s2, s13, $0xb8;
	[tilespmem:$0x1D880] =	vst v63  }
0x18: {  	s19 =	simm.s32 $0x80  }
0x19: {  	[tilespmem:s16], [sflag:$0x2] =	stream.indirect.gather [hbm4b:s3+s13], $0x40, s19, s13, $0xb8;
	[tilespmem:$0x1D880] =	vst v63  }
0x1a: {  	s21 =	simm.s32 $0x100  }
0x1b: {  	[tilespmem:s18], [sflag:$0x3] =	stream.indirect.gather [hbm4b:s3+s13], $0x40, s21, s13, $0xb8;
	[tilespmem:$0x1D880] =	vst v63  }
0x1c: {  	s4 =	simm.s32 $0x180  }
0x1d: {  	[tilespmem:s20], [sflag:$0x4] =	stream.indirect.gather [hbm4b:s3+s13], $0x40, s4, s13, $0xb8;
	[tilespmem:$0x1D880] =	vst v63  }
0x1e: {  	s15 =	simm.s32 $0x200  }
0x1f: {  	[tilespmem:s22], [sflag:$0x5] =	stream.indirect.gather [hbm4b:s3+s13], $0x40, s15, s13, $0xb8;
	[tilespmem:$0x1D880] =	vst v63  }
0x20: {  	s17 =	simm.s32 $0x5000  }
0x21: {  	[tilespmem:s17], [sflag:$0x6] =	stream.linear.gather [hbm4b:s5+s2], $0x5000, $0x38;
	[tilespmem:$0x1D880] =	vst v63  }
0x22: {  	s19 =	stileid.u32;
	_ =	swait.ge [sflag:s12], $0x5000  }
0x23: {  	s1 =	sshll.u32 s19, $0x6;
	[sflag:s12] =	ssyncset.done $0x0  }
0x24: {  	s28 =	sor.u32 $0x1C06, s1;
	s1 =	sshrl.u32 s6, $0x3;
	[sflag:s12] =	ssyncadd.s32 $0xFFFFB000  }
0x25: {  	[spmem:s1], [sflag:s28] =	dma.local [hbm:s7], $0x1380  }
0x26: {  	_ =	swait.ge [sflag:s12], $0x1380  }
0x27: {  	[sflag:s12] =	ssyncset.done $0x0  }
0x28: {  	s30 =	sshrl.u32 @!p0 s8, $0x3;
	s15 =	simm.s32 @!p0 $0x6;
	[sflag:s12] =	ssyncadd.s32 $0xFFFFEC80  }
0x29: {  	[spmem:s30], [sflag:s28] =	dma.local @!p0 [hbm:s9], $0x80  }
0x2a: {  	_ =	swait.ge @!p0 [sflag:s15], $0x80  }
0x2b: {  	[sflag:s15] =	ssyncset.done @!p0 $0x0  }
0x2c: {  	[sflag:s15] =	ssyncadd.s32 @!p0 $0xFFFFFF80  }
0x2d: {  	[bflag:$0x0] =	sbarrier.arrive $0xFFFF  }
0x2e: {  	_ =	swait.ge [sflag:s24], $0x1F40  }
0x2f: {  	[sflag:s24] =	ssyncset.done $0x0  }
0x30: {  	[sflag:s24] =	ssyncadd.s32 $0xFFFFE0C0  }
0x31: {  	_ =	swait.ge [sflag:s26], $0x1F40  }
0x32: {  	[sflag:s26] =	ssyncset.done $0x0  }
0x33: {  	s4 =	simm.s32 $0x280;
	[sflag:s26] =	ssyncadd.s32 $0xFFFFE0C0  }
0x34: {  	[tilespmem:s14], [sflag:$0x1] =	stream.indirect.gather [hbm4b:s3+s13], $0x40, s4, s13, $0xb8;
	[tilespmem:$0x1D880] =	vst v63  }
0x35: {  	_ =	swait.ge [sflag:s29], $0x1F40  }
0x36: {  	[sflag:s29] =	ssyncset.done $0x0  }
0x37: {  	s21 =	simm.s32 $0x300;
	[sflag:s29] =	ssyncadd.s32 $0xFFFFE0C0  }
0x38: {  	[tilespmem:s16], [sflag:$0x2] =	stream.indirect.gather [hbm4b:s3+s13], $0x40, s21, s13, $0xb8;
	[tilespmem:$0x1D880] =	vst v63  }
0x39: {  	_ =	swait.ge [sflag:s31], $0x1F40  }
0x3a: {  	[sflag:s31] =	ssyncset.done $0x0  }
0x3b: {  	s15 =	simm.s32 $0x380;
	[sflag:s31] =	ssyncadd.s32 $0xFFFFE0C0  }
0x3c: {  	[tilespmem:s18], [sflag:$0x3] =	stream.indirect.gather [hbm4b:s3+s13], $0x40, s15, s13, $0xb8;
	[tilespmem:$0x1D880] =	vst v63  }
0x3d: {  	_ =	swait.ge [sflag:s0], $0x1F40  }
0x3e: {  	[sflag:s0] =	ssyncset.done $0x0  }
0x3f: {  	s17 =	simm.s32 $0x400;
	[sflag:s0] =	ssyncadd.s32 $0xFFFFE0C0  }
0x40: {  	[tilespmem:s20], [sflag:$0x4] =	stream.indirect.gather [hbm4b:s3+s13], $0x40, s17, s13, $0xb8;
	[tilespmem:$0x1D880] =	vst v63  }
0x41: {  	_ =	swait.ge [sflag:s24], $0x1F40  }
0x42: {  	[sflag:s24] =	ssyncset.done $0x0  }
0x43: {  	s19 =	simm.s32 $0x480;
	[sflag:s24] =	ssyncadd.s32 $0xFFFFE0C0  }
0x44: {  	[tilespmem:s22], [sflag:$0x5] =	stream.indirect.gather [hbm4b:s3+s13], $0x40, s19, s13, $0xb8;
	[tilespmem:$0x1D880] =	vst v63  }
0x45: {  	_ =	swait.ge [sflag:s26], $0x1F40  }
0x46: {  	[sflag:s26] =	ssyncset.done $0x0  }
0x47: {  	s21 =	simm.s32 $0x500;
	[sflag:s26] =	ssyncadd.s32 $0xFFFFE0C0  }
0x48: {  	[tilespmem:s14], [sflag:$0x1] =	stream.indirect.gather [hbm4b:s3+s13], $0x40, s21, s13, $0xb8;
	[tilespmem:$0x1D880] =	vst v63  }
0x49: {  	_ =	swait.ge [sflag:s29], $0x1F40  }
0x4a: {  	[sflag:s29] =	ssyncset.done $0x0  }
0x4b: {  	s4 =	simm.s32 $0x580;
	[sflag:s29] =	ssyncadd.s32 $0xFFFFE0C0  }
0x4c: {  	[tilespmem:s16], [sflag:$0x2] =	stream.indirect.gather [hbm4b:s3+s13], $0x40, s4, s13, $0xb8;
	[tilespmem:$0x1D880] =	vst v63  }
0x4d: {  	_ =	swait.ge [sflag:s31], $0x1F40  }
0x4e: {  	[sflag:s31] =	ssyncset.done $0x0  }
0x4f: {  	s17 =	simm.s32 $0x600;
	[sflag:s31] =	ssyncadd.s32 $0xFFFFE0C0  }
0x50: {  	[tilespmem:s18], [sflag:$0x3] =	stream.indirect.gather [hbm4b:s3+s13], $0x40, s17, s13, $0xb8;
	[tilespmem:$0x1D880] =	vst v63  }
0x51: {  	_ =	swait.ge [sflag:s0], $0x1F40  }
0x52: {  	[sflag:s0] =	ssyncset.done $0x0  }
0x53: {  	s19 =	simm.s32 $0x680;
	[sflag:s0] =	ssyncadd.s32 $0xFFFFE0C0  }
0x54: {  	[tilespmem:s20], [sflag:$0x4] =	stream.indirect.gather [hbm4b:s3+s13], $0x40, s19, s13, $0xb8;
	[tilespmem:$0x1D880] =	vst v63  }
0x55: {  	_ =	swait.ge [sflag:s24], $0x1F40  }
0x56: {  	[sflag:s24] =	ssyncset.done $0x0  }
0x57: {  	s21 =	simm.s32 $0x700;
	[sflag:s24] =	ssyncadd.s32 $0xFFFFE0C0  }
0x58: {  	[tilespmem:s22], [sflag:$0x5] =	stream.indirect.gather [hbm4b:s3+s13], $0x40, s21, s13, $0xb8;
	[tilespmem:$0x1D880] =	vst v63  }
0x59: {  	_ =	swait.ge [sflag:s26], $0x1F40  }
0x5a: {  	s15 =	simm.s32 $0xFFFFB780;
	s17 =	simm.s32 $0xFFFEE800;
	[sflag:s26] =	ssyncset.done $0x0  }
.LBB2_2:
0x5b: {  	s19 =	sadd.s32 $0x5000, s15  }
0x5c: {  	[sflag:s26] =	ssyncadd.s32 $0xFFFFE0C0;
	s21 =	smov.u32 s17;
	s4 =	sadd.s32 $0xA00, s17  }
0x5d: {  	[tilespmem:s14], [sflag:$0x1] =	stream.indirect.gather [hbm4b:s3+s13], $0x40, s19, s13, $0xb8;
	[tilespmem:$0x1D880] =	vst v63  }
0x5e: {  	p1 =	sne.s32 s17, $0xFFFFF600;
	_ =	swait.ge [sflag:s29], $0x1F40  }
0x5f: {  	[sflag:s29] =	ssyncset.done $0x0  }
0x60: {  	s17 =	sadd.s32 $0x5080, s15;
	[sflag:s29] =	ssyncadd.s32 $0xFFFFE0C0  }
0x61: {  	[tilespmem:s16], [sflag:$0x2] =	stream.indirect.gather [hbm4b:s3+s13], $0x40, s17, s13, $0xb8;
	[tilespmem:$0x1D880] =	vst v63  }
0x62: {  	_ =	swait.ge [sflag:s31], $0x1F40  }
0x63: {  	[sflag:s31] =	ssyncset.done $0x0  }
0x64: {  	s17 =	sadd.s32 $0x5100, s15;
	[sflag:s31] =	ssyncadd.s32 $0xFFFFE0C0  }
0x65: {  	[tilespmem:s18], [sflag:$0x3] =	stream.indirect.gather [hbm4b:s3+s13], $0x40, s17, s13, $0xb8;
	[tilespmem:$0x1D880] =	vst v63  }
0x66: {  	_ =	swait.ge [sflag:s0], $0x1F40  }
0x67: {  	[sflag:s0] =	ssyncset.done $0x0  }
0x68: {  	s17 =	sadd.s32 $0x5180, s15;
	[sflag:s0] =	ssyncadd.s32 $0xFFFFE0C0  }
0x69: {  	[tilespmem:s20], [sflag:$0x4] =	stream.indirect.gather [hbm4b:s3+s13], $0x40, s17, s13, $0xb8;
	[tilespmem:$0x1D880] =	vst v63  }
0x6a: {  	_ =	swait.ge [sflag:s24], $0x1F40  }
.Ltmp0:
0x6b: {  	[sflag:s24] =	ssyncset.done $0x0;
	(pc) =	sbr.rel @p1 .LBB2_2-.Ltmp0, $4  }
0x6c: {  	s15 =	sadd.s32 $0x5200, s15;
	[sflag:s24] =	ssyncadd.s32 $0xFFFFE0C0  }
0x6d: {  	[tilespmem:s22], [sflag:$0x5] =	stream.indirect.gather [hbm4b:s3+s13], $0x40, s15, s13, $0xb8;
	[tilespmem:$0x1D880] =	vst v63  }
0x6e: {  	_ =	swait.ge [sflag:s26], $0x1F40  }
0x6f: {  	s17 =	smov.u32 s4;
	s15 =	sshra.s32 s21, $0x2;
	[sflag:s26] =	ssyncset.done $0x0  }
0x70: {  	s4 =	sadd.s32 $0x5000, s15;
	[sflag:s26] =	ssyncadd.s32 $0xFFFFE0C0  }
0x71: {  	[tilespmem:s14], [sflag:$0x1] =	stream.indirect.gather [hbm4b:s3+s13], $0x40, s4, s13, $0xb8;
	[tilespmem:$0x1D880] =	vst v63  }
0x72: {  	_ =	swait.ge [sflag:s29], $0x1F40  }
0x73: {  	[sflag:s29] =	ssyncset.done $0x0  }
0x74: {  	s17 =	sadd.s32 $0x5080, s15;
	[sflag:s29] =	ssyncadd.s32 $0xFFFFE0C0  }
0x75: {  	[tilespmem:s16], [sflag:$0x2] =	stream.indirect.gather [hbm4b:s3+s13], $0x40, s17, s13, $0xb8;
	[tilespmem:$0x1D880] =	vst v63  }
0x76: {  	_ =	swait.ge [sflag:s31], $0x1F40  }
0x77: {  	[sflag:s31] =	ssyncset.done $0x0  }
0x78: {  	s19 =	sadd.s32 $0x5100, s15;
	[sflag:s31] =	ssyncadd.s32 $0xFFFFE0C0  }
0x79: {  	[tilespmem:s18], [sflag:$0x3] =	stream.indirect.gather [hbm4b:s3+s13], $0x40, s19, s13, $0xb8;
	[tilespmem:$0x1D880] =	vst v63  }
0x7a: {  	_ =	swait.ge [sflag:s0], $0x1F40  }
0x7b: {  	[sflag:s0] =	ssyncset.done $0x0  }
0x7c: {  	s21 =	sadd.s32 $0x5180, s15;
	[sflag:s0] =	ssyncadd.s32 $0xFFFFE0C0  }
0x7d: {  	[tilespmem:s20], [sflag:$0x4] =	stream.indirect.gather [hbm4b:s3+s13], $0x40, s21, s13, $0xb8;
	[tilespmem:$0x1D880] =	vst v63  }
0x7e: {  	_ =	swait.ge [sflag:s24], $0x1F40  }
0x7f: {  	[sflag:s24] =	ssyncset.done $0x0  }
0x80: {  	s17 =	sadd.s32 $0x5200, s15;
	[sflag:s24] =	ssyncadd.s32 $0xFFFFE0C0  }
0x81: {  	[tilespmem:s22], [sflag:$0x5] =	stream.indirect.gather [hbm4b:s3+s13], $0x40, s17, s13, $0xb8;
	[tilespmem:$0x1D880] =	vst v63  }
0x82: {  	_ =	swait.ge [sflag:s26], $0x1F40  }
0x83: {  	[sflag:s26] =	ssyncset.done $0x0  }
0x84: {  	[sflag:s26] =	ssyncadd.s32 $0xFFFFE0C0  }
0x85: {  	_ =	swait.ge [sflag:s29], $0x1F40  }
0x86: {  	[sflag:s29] =	ssyncset.done $0x0  }
0x87: {  	[sflag:s29] =	ssyncadd.s32 $0xFFFFE0C0  }
0x88: {  	_ =	swait.ge [sflag:s31], $0x1F40  }
0x89: {  	[sflag:s31] =	ssyncset.done $0x0  }
0x8a: {  	[sflag:s31] =	ssyncadd.s32 $0xFFFFE0C0  }
0x8b: {  	_ =	swait.ge [sflag:s0], $0x1F40  }
0x8c: {  	[sflag:s0] =	ssyncset.done $0x0  }
0x8d: {  	[sflag:s0] =	ssyncadd.s32 $0xFFFFE0C0  }
0x8e: {  	s19 =	simm.s32 $0x10;
	s21 =	simm.s32 $0x8;
	[bflag:$0x0] =	sbarrier.arrive $0xFFFF  }
0x8f: {  	[hbm:s25@s19], [sflag:s28] =	dma.strided [spmem:s1@s21], $0x1380, s24, $0x8   }
0x90: {  	s23 =	sadd.s32 $0x1, s23;
	s4 =	simm.s32 @!p0 $0x1;
	_ =	swait.ge [sflag:s12], $0x1380  }
0x91: {  	p1 =	sne.s32 s23, s11;
	s15 =	simm.s32 @!p0 $0x10;
	[sflag:s12] =	ssyncset.done $0x0  }
0x92: {  	s17 =	simm.s32 @!p0 $0x8;
	s1 =	sadd.s32 @!p0 $0x27000, s10;
	[sflag:s12] =	ssyncadd.s32 $0xFFFFEC80  }
0x93: {  	[hbm:s1@s15], [sflag:s28] =	dma.strided @!p0 [spmem:s30@s17], $0x80, s4, $0x8   }
.Ltmp1:
0x94: {  	_ = 	snop;
	(pc) =	sbr.rel @p1 .LBB2_1-.Ltmp1, $4  }
0x95: {  	s1 =	simm.s32 @!p0 $0x6  }
0x96: {  	_ =	swait.ge @!p0 [sflag:s1], $0x80  }
0x97: {  	[sflag:s1] =	ssyncset.done @!p0 $0x0  }
0x98: {  	[sflag:s1] =	ssyncadd.s32 @!p0 $0xFFFFFF80  }
0x99: {  	_ =	sfence.sel $0x180000  }
0x9a: {  	[bflag:$0x0] =	sbarrier.arrive $0xFFFF  }
0x9b: {  	_ =	strace $0x9000004A  }
0x9c: {  	s0 =	stileid.u32;
	[bflag:$0x2] =	sbarrier.arrive $0xFFFF  }
0x9d: {  	p0 =	sne.s32 s0, $0x0;
	s0 =	rddreg [dreg:$0x3]  }
0x9e: {  	s0 =	sadd.s32 @!p0 $0x100000, s0  }
0x9f: {  	[sflag:s0] =	ssyncadd.tile.s32 @!p0 $0x1;
	_ =	shalt  }
.Lfunc_end2:
_tile_overlayer_lowered:
.L_overlay_start_2:
0xa0: {  	(tag) =	ssettag $0x2  }
0xa1: {  	s0 =	rddreg [dreg:$0x0];
	s2 =	stileid.u32  }
0xa2: {  	s1 =	rddreg [dreg:$0x1];
	p0 =	sne.s32 s2, $0x0  }
0xa3: {  	s3 =	rddreg [dreg:$0x2];
	[bflag:$0x3] =	sbarrier.arrive $0xFFFF;
	s2 =	simm.s32 @!p0 $0x1C06  }
0xa4: {  	[timem:s3], [sflag:s2] =	dma.local @!p0 [hbm:s0], s1  }
0xa5: {  	s0 =	simm.s32 @!p0 $0x6  }
0xa6: {  	_ =	swait.ge @!p0 [sflag:s0], s1  }
0xa7: {  	s1 =	ssub.s32 @!p0 $0x0, s1;
	[sflag:s0] =	ssyncset.done @!p0 $0x0  }
0xa8: {  	[sflag:s0] =	ssyncadd.s32 @!p0 s1  }
0xa9: {  	[bflag:$0x3] =	sbarrier.arrive $0xFFFF  }
0xaa: {  	_ =	shalt  }

// kernel: kernel.14.cloned.1.call-start
scs
__scs_entry_jumppad:
0x0: {  	(pc) =	sbr.rel $0x88, $3  }
0x1: {  	(tag) =	ssettag $0x0;
	lr =	simm.s32 $0x1  }
0x2: {  	[smem:$0x3F92] =	sst lr;
	_ =	strace $0xD0000000  }
0x3: {  	_ = 	snop  }
0x4: {  	_ = 	snop  }
0x5: {  	_ = 	snop  }
0x6: {  	_ = 	snop  }
0x7: {  	_ = 	snop  }
__scs_overlays_trampoline_lowered:
0x8: {  	[smem:$0x3FA1] =	sst s0  }
0x9: {  	[smem:$0x3FA2] =	sst s1  }
0xa: {  	[smem:$0x3FA3] =	sst s2  }
0xb: {  	[smem:$0x3FA4] =	sst s3  }
0xc: {  	[smem:$0x3FA5] =	sst s4  }
0xd: {  	[smem:$0x3FA6] =	sst s5  }
0xe: {  	[smem:$0x3FA7] =	sst s6  }
0xf: {  	[smem:$0x3FA8] =	sst s7  }
0x10: {  	[smem:$0x3FA9] =	sst s8  }
0x11: {  	[smem:$0x3FAA] =	sst s9;
	s0 =	simm.s32 @!p0 $0x0  }
0x12: {  	s1 =	sld [smem:$0x3F90];
	s0 =	simm.s32 @p0 $0x1  }
0x13: {  	[smem:$0x3FAB] =	sst s0;
	s0 =	simm.s32 @!p1 $0x0  }
0x14: {  	s2 =	sld [smem:$0x3F8F];
	s0 =	simm.s32 @p1 $0x1  }
0x15: {  	[smem:$0x3FAC] =	sst s0;
	s0 =	simm.s32 @!p2 $0x0  }
0x16: {  	s3 =	sld [smem:$0x3FDB];
	s0 =	simm.s32 @p2 $0x1  }
0x17: {  	s4 =	simm.s32 $0x1BF5;
	[smem:$0x3FAE] =	sst s0  }
0x18: {  	s0 =	sld [smem:$0x3F91];
	_ =	swait.ge [sflag:s4], $0x0  }
0x19: {  	s7 =	sld [smem:$0x3F92]  }
0x1a: {  	s8 =	sadd.s32 $0xFFFFE003, lr  }
0x1b: {  	s9 =	sadd.s32 $0xFFFFFEF7, lr;
	s5 =	simm.s32 $0xFFFFFFFF;
	p2 =	slt.u32 s8, $0xFFFFF086  }
0x1c: {  	p1 =	slt.u32 s9, $0xF7A;
	s5 =	simm.s32 @!p2 $0x0  }
0x1d: {  	s5 =	simm.s32 @p1 $0x1;
	p0 =	seq.s32 s7, s2  }
0x1e: {  	s7 =	smul.u32 @!p0 $0xF7A, s2;
	p2 =	seq.s32 @!p0 s5, $0x0  }
0x1f: {  	s9 =	smul.u32 $0xF7A, s1;
	s8 =	simm.s32 @!p0 $0x1BF5;
	p2 =	por !p2, p0  }
0x20: {  	[sflag:s8] =	ssyncset.s32 @!p0 $0xFFFFF086;
	s6 =	sadd.s32 @!p0 s3, s7;
	s7 =	simm.s32 @!p0 $0x108  }
0x21: {  	s3 =	sadd.s32 s3, s9;
	s6 =	sadd.s32 @!p0 $0x88, s6;
	s7 =	simm.s32 @p2 $0x1082  }
0x22: {  	[simem:s7], [sflag:s8] =	dma.local @!p0 [hbm:s6], $0xF7A  }
0x23: {  	s9 =	sor.u32 $0xD0000000, s2;
	s6 =	simm.s32 $0x108;
	_ =	swait.ge @!p0 [sflag:s8], $0x0  }
0x24: {  	s3 =	sadd.s32 $0x88, s3;
	s6 =	simm.s32 @!p1 $0x1082;
	[sflag:s4] =	ssyncset.s32 $0xFFFFF086  }
0x25: {  	[simem:s6], [sflag:s4] =	dma.local [hbm:s3], $0xF7A  }
0x26: {  	[smem:$0x3F92] =	sst s1;
	(tag) =	ssettag s2;
	_ =	strace s9  }
0x27: {  	s1 =	sld [smem:$0x3FA2]  }
0x28: {  	s2 =	sld [smem:$0x3FA3]  }
0x29: {  	s4 =	sld [smem:$0x3FA5]  }
0x2a: {  	p0 =	seq.s32 s5, $0x0;
	s5 =	sld [smem:$0x3FA6]  }
0x2b: {  	s6 =	sld [smem:$0x3FA7]  }
0x2c: {  	s7 =	sld [smem:$0x3FA8]  }
0x2d: {  	s3 =	simm.s32 $0x108;
	s8 =	sld [smem:$0x3FA9]  }
0x2e: {  	s3 =	simm.s32 @!p0 $0x1082;
	s9 =	sld [smem:$0x3FAA]  }
0x2f: {  	lr =	sadd.s32 s0, s3;
	s0 =	sld [smem:$0x3FA1]  }
0x30: {  	s3 =	sld [smem:$0x3FA4]  }
0x31: {  	[smem:$0x3FAD] =	sst s10  }
0x32: {  	s10 =	sld [smem:$0x3FAB];
	_ =	sdelay $0x3  }
0x33: {  	p0 =	seq.s32 s10, $0x1;
	s10 =	sld [smem:$0x3FAD];
	_ =	sdelay $0x3  }
0x34: {  	[smem:$0x3FAD] =	sst s10  }
0x35: {  	s10 =	sld [smem:$0x3FAC];
	_ =	sdelay $0x3  }
0x36: {  	p1 =	seq.s32 s10, $0x1;
	s10 =	sld [smem:$0x3FAD];
	_ =	sdelay $0x3  }
0x37: {  	[smem:$0x3FAD] =	sst s10  }
0x38: {  	s10 =	sld [smem:$0x3FAE]  }
0x39: {  	_ = 	snop;
	(pc) =	sbr.ind lr, $3  }
0x3a: {  	_ = 	snop  }
0x3b: {  	_ = 	snop  }
0x3c: {  	p2 =	seq.s32 s10, $0x1;
	s10 =	sld [smem:$0x3FAD]  }
0x3d: {  	_ =	shalt  }
0x3e: {  	_ =	shalt  }
0x3f: {  	_ =	shalt  }
0x40: {  	_ =	shalt  }
0x41: {  	_ =	shalt  }
0x42: {  	_ =	shalt  }
0x43: {  	_ =	shalt  }
0x44: {  	_ =	shalt  }
0x45: {  	_ =	shalt  }
0x46: {  	_ =	shalt  }
0x47: {  	_ =	shalt  }
0x48: {  	_ =	shalt  }
0x49: {  	_ =	shalt  }
0x4a: {  	_ =	shalt  }
0x4b: {  	_ =	shalt  }
0x4c: {  	_ =	shalt  }
0x4d: {  	_ =	shalt  }
0x4e: {  	_ =	shalt  }
0x4f: {  	_ =	shalt  }
0x50: {  	_ =	shalt  }
0x51: {  	_ =	shalt  }
0x52: {  	_ =	shalt  }
0x53: {  	_ =	shalt  }
0x54: {  	_ =	shalt  }
0x55: {  	_ =	shalt  }
0x56: {  	_ =	shalt  }
0x57: {  	_ =	shalt  }
0x58: {  	_ =	shalt  }
0x59: {  	_ =	shalt  }
0x5a: {  	_ =	shalt  }
0x5b: {  	_ =	shalt  }
0x5c: {  	_ =	shalt  }
0x5d: {  	_ =	shalt  }
0x5e: {  	_ =	shalt  }
0x5f: {  	_ =	shalt  }
0x60: {  	_ =	shalt  }
0x61: {  	_ =	shalt  }
0x62: {  	_ =	shalt  }
0x63: {  	_ =	shalt  }
0x64: {  	_ =	shalt  }
0x65: {  	_ =	shalt  }
0x66: {  	_ =	shalt  }
0x67: {  	_ =	shalt  }
0x68: {  	_ =	shalt  }
0x69: {  	_ =	shalt  }
0x6a: {  	_ =	shalt  }
0x6b: {  	_ =	shalt  }
0x6c: {  	_ =	shalt  }
0x6d: {  	_ =	shalt  }
0x6e: {  	_ =	shalt  }
0x6f: {  	_ =	shalt  }
0x70: {  	_ =	shalt  }
0x71: {  	_ =	shalt  }
0x72: {  	_ =	shalt  }
0x73: {  	_ =	shalt  }
0x74: {  	_ =	shalt  }
0x75: {  	_ =	shalt  }
0x76: {  	_ =	shalt  }
0x77: {  	_ =	shalt  }
0x78: {  	_ =	shalt  }
0x79: {  	_ =	shalt  }
0x7a: {  	_ =	shalt  }
0x7b: {  	_ =	shalt  }
0x7c: {  	_ =	shalt  }
0x7d: {  	_ =	shalt  }
0x7e: {  	_ =	shalt  }
0x7f: {  	_ =	shalt  }
0x80: {  	_ =	shalt  }
0x81: {  	_ =	shalt  }
0x82: {  	_ =	shalt  }
0x83: {  	_ =	shalt  }
0x84: {  	_ =	shalt  }
0x85: {  	_ =	shalt  }
0x86: {  	_ =	shalt  }
0x87: {  	_ =	shalt  }
.Lfunc_end0:
.L_simem_size_0:
called_computation.2_lowered:
.L_overlay_start_0:
0x88: {  	s2 =	sld [smem:$0x3FD9]  }
0x89: {  	s3 =	sld [smem:$0x3FFE];
	_ =	sdelay $0x1  }
0x8a: {  	s1 =	srdreg.scid  }
0x8b: {  	s0 =	sand.u32 $0x1, s1  }
0x8c: {  	s17 =	sshll.u32 s0, $0xA;
	s2 =	sadd.s32 s3, s2  }
0x8d: {  	s2 =	sadd.s32 s2, s17  }
0x8e: {  	[smem:$0x3FB9] =	sst s2  }
0x8f: {  	_ = 	snop  }
0x90: {  	s2 =	sld [smem:$0x3FD0];
	(tm) =	ssettm $0x1  }
0x91: {  	s18 =	sld [smem:$0x3FFB];
	_ =	sdelay $0x3  }
0x92: {  	_ =	strace s18  }
0x93: {  	s3 =	sld [smem:$0x3FFC];
	_ =	sdelay $0x3  }
0x94: {  	_ =	strace s3  }
0x95: {  	s3 =	sld [smem:$0x3FFD];
	_ =	sdelay $0x3  }
0x96: {  	_ =	strace s3  }
0x97: {  	_ =	strace $0x8FFFFFFF  }
0x98: {  	s19 =	sld [smem:$0x3FDB];
	_ =	sdelay $0x1  }
0x99: {  	s4 =	simm.s32 $_scs_section_size  }
0x9a: {  	s5 =	simm.s32 $_size__tile_overlayer_lowered;
	s6 =	simm.s32 $_tile_overlayer_lowered  }
0x9b: {  	s22 =	simm.s32 $0x1BFF;
	s21 =	sshll.u32 s6, $0x1;
	s3 =	sadd.s32 s4, s19  }
0x9c: {  	s7 =	simm.s32 $0x0;
	s20 =	sshll.u32 s5, $0x1;
	s5 =	sadd.s32 s21, s3  }
0x9d: {  	[timem:s7], [sflag:s22] =	dma.local [hbm:s5], s20  }
0x9e: {  	_ =	swait.ge [sflag:s22], s20  }
0x9f: {  	s4 =	ssub.s32 $0x0, s20;
	[sflag:s22] =	ssyncset.done $0x0  }
0xa0: {  	[sflag:s22] =	ssyncadd.s32 s4;
	_ =	sdelay $0x1  }
0xa1: {  	s23 =	simm.s32 $0x1B8B  }
0xa2: {  	_ =	swait.ge [sflag:s23], $0x1  }
0xa3: {  	[sflag:s23] =	ssyncset.done $0x0  }
0xa4: {  	s25 =	simm.s32 $0x1B8E;
	s24 =	sld [smem:$0x3FFE];
	[sflag:s23] =	ssyncadd.s32 $0xFFFFFFFF  }
0xa5: {  	s26 =	simm.s32 $execute0_lowered;
	[smem:$0x3FD2] =	sst s25  }
0xa6: {  	s5 =	sshll.u32 s26, $0x1;
	_ =	strace $0x8000004C;
	[dreg:$0x1] =	wrdreg $0xFFFFFFFF  }
0xa7: {  	s28 =	simm.s32 $_size_execute0_lowered;
	s3 =	sadd.s32 s3, s5;
	[dreg:$0x0] =	wrdreg $0x0  }
0xa8: {  	s5 =	sshll.u32 s28, $0x1;
	[dreg:$0x2] =	wrdreg s3  }
0xa9: {  	[dreg:$0x3] =	wrdreg s5  }
0xaa: {  	[dreg:$0x4] =	wrdreg $0xC0  }
0xab: {  	_ =	task [dreg:s7], $0x5FFFF  }
0xac: {  	[dreg:$0x1] =	wrdreg $0xFFFFFFFF  }
0xad: {  	[dreg:$0x0] =	wrdreg $0x60  }
0xae: {  	[dreg:$0x2] =	wrdreg s24  }
0xaf: {  	[dreg:$0x3] =	wrdreg s2  }
0xb0: {  	[dreg:$0x4] =	wrdreg $0xEC400  }
0xb1: {  	[dreg:$0x5] =	wrdreg $0x9  }
0xb2: {  	_ =	task.clear_ibuf [dreg:s7], $0x6FFFF;
	_ =	strace $0x9000004C  }
0xb3: {  	s29 =	simm.s32 $0x9;
	_ =	strace $0x8000004E  }
0xb4: {  	_ =	swait.ge [sflag:s29], $0x1  }
0xb5: {  	[sflag:s29] =	ssyncadd.s32 $0xFFFFFFFF  }
0xb6: {  	_ =	strace $0x9000004E  }
0xb7: {  	_ =	sfence  }
0xb8: {  	s30 =	sld [smem:$0x0];
	_ =	sdelay $0x2  }
0xb9: {  	s31 =	sshll.u32 s1, $0xD;
	s1 =	sshrl.u32 s1, $0x2  }
0xba: {  	s3 =	sand.u32 $0x4000, s31;
	s1 =	sadd.s32 s1, s30  }
0xbb: {  	s0 =	sor.u32 s3, s0;
	s1 =	sshll.u32 s1, $0x11  }
0xbc: {  	s0 =	sor.u32 s1, s0  }
0xbd: {  	s0 =	sadd.s32 $0x8F2B, s0  }
0xbe: {  	[sflag:s0] =	ssyncadd.remote.s32 $0x1  }
0xbf: {  	_ =	sfence.sel $0xFFFF  }
0xc0: {  	[dreg:$0x0] =	wrdreg $0xFFFFFFFF;
	(pc) =	sbr.abs _section_cstart, $3  }
0xc1: {  	[dreg:$0x1] =	wrdreg $0xFFFFFFFF  }
0xc2: {  	_ =	task.clear_ibuf [dreg:s7], $0x2FFFF;
	_ =	strace $0x9FFFFFFF  }
0xc3: {  	(tm) =	ssettm $0x7FFFFFFF  }
tec
execute0_lowered:
.L_overlay_start_1:
0x0: {  	(tag) =	ssettag $0x1  }
0x1: {  	s0 =	rddreg [dreg:$0x0]  }
0x2: {  	s1 =	srdreg.scid;
	s5 =	rddreg [dreg:$0x1]  }
0x3: {  	s8 =	rddreg [dreg:$0x2];
	s12 =	stileid.u32  }
0x4: {  	s2 =	simm.s32 $0x0;
	s13 =	simm.s32 $0x7D;
	s14 =	simm.s32 $0x5000  }
0x5: {  	s16 =	simm.s32 $0x6F40;
	s18 =	simm.s32 $0x8E80;
	s20 =	simm.s32 $0xADC0  }
0x6: {  	s22 =	simm.s32 $0xCD00;
	s24 =	simm.s32 $0x1;
	s26 =	simm.s32 $0x2  }
0x7: {  	s29 =	simm.s32 $0x3;
	s31 =	simm.s32 $0x4;
	s15 =	simm.s32 $0x5  }
0x8: {  	s23 =	simm.s32 $0x0;
	s1 =	sand.u32 $0x1, s1;
	s7 =	smul.u32 $0x9C00, s12  }
0x9: {  	[smem:$0x7FF] =	sst s2;
	s30 =	smul.u32 $0x2700, s12;
	p0 =	sne.s32 s12, $0xF  }
0xa: {  	s3 =	sshll.u32 s1, $0x4;
	_ =	strace $0x8000004D;
	s9 =	ssub.s32 $0x2, s1  }
0xb: {  	s1 =	sshll.u32 s1, $0x3;
	s3 =	sor.u32 s12, s3;
	s10 =	sshrl.u32 s7, $0x3  }
0xc: {  	s11 =	sshrl.u32 s9, $0x1;
	s1 =	sadd.s32 s1, s0;
	s12 =	simm.s32 $0x6  }
0xd: {  	s6 =	smul.u32 $0x500, s3;
	s3 =	sadd.s32 $0x2C200, s0;
	s11 =	ssub.s32 s9, s11  }
0xe: {  	s10 =	sadd.s32 s10, s0;
	s9 =	sadd.s32 $0x2C000, s0;
	s11 =	smax.u32 s11, $0x1  }
0xf: {  	s4 =	sadd.s32 s6, s0;
	s5 =	sadd.s32 s5, s6;
	s6 =	sadd.s32 s7, s8  }
0x10: {  	s7 =	sadd.s32 $0x18800, s10;
	s10 =	sadd.s32 $0x7B600, s1;
	s4 =	sadd.s32 $0x4800, s4  }
0x11: {  	s8 =	sadd.s32 $0x9C000, s8;
	s25 =	sadd.s32 s30, s10;
	[dreg:$0x4] =	wrdreg s4  }
.LBB2_1:
0x12: {  	s0 =	rddreg [dreg:$0x4]  }
0x13: {  	[tilespmem:s2], [sflag:$0x6] =	stream.linear.gather [hbm4b:s0+s2], $0x2800, $0x38;
	[tilespmem:$0x18880] =	vst v63  }
0x14: {  	_ =	swait.ge [sflag:s12], $0x2800  }
0x15: {  	[sflag:s12] =	ssyncset.done $0x0  }
0x16: {  	[sflag:s12] =	ssyncadd.s32 $0xFFFFD800  }
0x17: {  	[tilespmem:s14], [sflag:$0x1] =	stream.indirect.gather [hbm4b:s3+s13], $0x40, s2, s13, $0xb8;
	[tilespmem:$0x18880] =	vst v63  }
0x18: {  	s17 =	simm.s32 $0x80  }
0x19: {  	[tilespmem:s16], [sflag:$0x2] =	stream.indirect.gather [hbm4b:s3+s13], $0x40, s17, s13, $0xb8;
	[tilespmem:$0x18880] =	vst v63  }
0x1a: {  	s19 =	simm.s32 $0x100  }
0x1b: {  	[tilespmem:s18], [sflag:$0x3] =	stream.indirect.gather [hbm4b:s3+s13], $0x40, s19, s13, $0xb8;
	[tilespmem:$0x18880] =	vst v63  }
0x1c: {  	s21 =	simm.s32 $0x180  }
0x1d: {  	[tilespmem:s20], [sflag:$0x4] =	stream.indirect.gather [hbm4b:s3+s13], $0x40, s21, s13, $0xb8;
	[tilespmem:$0x18880] =	vst v63  }
0x1e: {  	s1 =	simm.s32 $0x200  }
0x1f: {  	[tilespmem:s22], [sflag:$0x5] =	stream.indirect.gather [hbm4b:s3+s13], $0x40, s1, s13, $0xb8;
	[tilespmem:$0x18880] =	vst v63  }
0x20: {  	s4 =	simm.s32 $0x2800  }
0x21: {  	[tilespmem:s4], [sflag:$0x6] =	stream.linear.gather [hbm4b:s5+s2], $0x2800, $0x38;
	[tilespmem:$0x18880] =	vst v63  }
0x22: {  	s17 =	stileid.u32;
	_ =	swait.ge [sflag:s12], $0x2800  }
0x23: {  	s0 =	sshll.u32 s17, $0x6;
	[sflag:s12] =	ssyncset.done $0x0  }
0x24: {  	s28 =	sor.u32 $0x1C06, s0;
	s0 =	sshrl.u32 s6, $0x3;
	[sflag:s12] =	ssyncadd.s32 $0xFFFFD800  }
0x25: {  	[spmem:s0], [sflag:s28] =	dma.local [hbm:s7], $0x1380  }
0x26: {  	_ =	swait.ge [sflag:s12], $0x1380  }
0x27: {  	[sflag:s12] =	ssyncset.done $0x0  }
0x28: {  	s30 =	sshrl.u32 @!p0 s8, $0x3;
	s1 =	simm.s32 @!p0 $0x6;
	[sflag:s12] =	ssyncadd.s32 $0xFFFFEC80  }
0x29: {  	[spmem:s30], [sflag:s28] =	dma.local @!p0 [hbm:s9], $0x80  }
0x2a: {  	_ =	swait.ge @!p0 [sflag:s1], $0x80  }
0x2b: {  	[sflag:s1] =	ssyncset.done @!p0 $0x0  }
0x2c: {  	[sflag:s1] =	ssyncadd.s32 @!p0 $0xFFFFFF80  }
0x2d: {  	[bflag:$0x0] =	sbarrier.arrive $0xFFFF  }
0x2e: {  	_ =	swait.ge [sflag:s24], $0x1F40  }
0x2f: {  	[sflag:s24] =	ssyncset.done $0x0  }
0x30: {  	[sflag:s24] =	ssyncadd.s32 $0xFFFFE0C0  }
0x31: {  	_ =	swait.ge [sflag:s26], $0x1F40  }
0x32: {  	[sflag:s26] =	ssyncset.done $0x0  }
0x33: {  	s19 =	simm.s32 $0x280;
	[sflag:s26] =	ssyncadd.s32 $0xFFFFE0C0  }
0x34: {  	[tilespmem:s14], [sflag:$0x1] =	stream.indirect.gather [hbm4b:s3+s13], $0x40, s19, s13, $0xb8;
	[tilespmem:$0x18880] =	vst v63  }
0x35: {  	_ =	swait.ge [sflag:s29], $0x1F40  }
0x36: {  	[sflag:s29] =	ssyncset.done $0x0  }
0x37: {  	s21 =	simm.s32 $0x300;
	[sflag:s29] =	ssyncadd.s32 $0xFFFFE0C0  }
0x38: {  	[tilespmem:s16], [sflag:$0x2] =	stream.indirect.gather [hbm4b:s3+s13], $0x40, s21, s13, $0xb8;
	[tilespmem:$0x18880] =	vst v63  }
0x39: {  	_ =	swait.ge [sflag:s31], $0x1F40  }
0x3a: {  	[sflag:s31] =	ssyncset.done $0x0  }
0x3b: {  	s4 =	simm.s32 $0x380;
	[sflag:s31] =	ssyncadd.s32 $0xFFFFE0C0  }
0x3c: {  	[tilespmem:s18], [sflag:$0x3] =	stream.indirect.gather [hbm4b:s3+s13], $0x40, s4, s13, $0xb8;
	[tilespmem:$0x18880] =	vst v63  }
0x3d: {  	_ =	swait.ge [sflag:s15], $0x1F40  }
0x3e: {  	[sflag:s15] =	ssyncset.done $0x0  }
0x3f: {  	s17 =	simm.s32 $0x400;
	[sflag:s15] =	ssyncadd.s32 $0xFFFFE0C0  }
0x40: {  	[tilespmem:s20], [sflag:$0x4] =	stream.indirect.gather [hbm4b:s3+s13], $0x40, s17, s13, $0xb8;
	[tilespmem:$0x18880] =	vst v63  }
0x41: {  	_ =	swait.ge [sflag:s24], $0x1F40  }
0x42: {  	[sflag:s24] =	ssyncset.done $0x0  }
0x43: {  	s19 =	simm.s32 $0x480;
	[sflag:s24] =	ssyncadd.s32 $0xFFFFE0C0  }
0x44: {  	[tilespmem:s22], [sflag:$0x5] =	stream.indirect.gather [hbm4b:s3+s13], $0x40, s19, s13, $0xb8;
	[tilespmem:$0x18880] =	vst v63  }
0x45: {  	_ =	swait.ge [sflag:s26], $0x1F40  }
0x46: {  	[sflag:s26] =	ssyncset.done $0x0  }
0x47: {  	s21 =	simm.s32 $0x500;
	[sflag:s26] =	ssyncadd.s32 $0xFFFFE0C0  }
0x48: {  	[tilespmem:s14], [sflag:$0x1] =	stream.indirect.gather [hbm4b:s3+s13], $0x40, s21, s13, $0xb8;
	[tilespmem:$0x18880] =	vst v63  }
0x49: {  	_ =	swait.ge [sflag:s29], $0x1F40  }
0x4a: {  	[sflag:s29] =	ssyncset.done $0x0  }
0x4b: {  	s4 =	simm.s32 $0x580;
	[sflag:s29] =	ssyncadd.s32 $0xFFFFE0C0  }
0x4c: {  	[tilespmem:s16], [sflag:$0x2] =	stream.indirect.gather [hbm4b:s3+s13], $0x40, s4, s13, $0xb8;
	[tilespmem:$0x18880] =	vst v63  }
0x4d: {  	_ =	swait.ge [sflag:s31], $0x1F40  }
0x4e: {  	[sflag:s31] =	ssyncset.done $0x0  }
0x4f: {  	s17 =	simm.s32 $0x600;
	[sflag:s31] =	ssyncadd.s32 $0xFFFFE0C0  }
0x50: {  	[tilespmem:s18], [sflag:$0x3] =	stream.indirect.gather [hbm4b:s3+s13], $0x40, s17, s13, $0xb8;
	[tilespmem:$0x18880] =	vst v63  }
0x51: {  	_ =	swait.ge [sflag:s15], $0x1F40  }
0x52: {  	[sflag:s15] =	ssyncset.done $0x0  }
0x53: {  	s19 =	simm.s32 $0x680;
	[sflag:s15] =	ssyncadd.s32 $0xFFFFE0C0  }
0x54: {  	[tilespmem:s20], [sflag:$0x4] =	stream.indirect.gather [hbm4b:s3+s13], $0x40, s19, s13, $0xb8;
	[tilespmem:$0x18880] =	vst v63  }
0x55: {  	_ =	swait.ge [sflag:s24], $0x1F40  }
0x56: {  	[sflag:s24] =	ssyncset.done $0x0  }
0x57: {  	s21 =	simm.s32 $0x700;
	[sflag:s24] =	ssyncadd.s32 $0xFFFFE0C0  }
0x58: {  	[tilespmem:s22], [sflag:$0x5] =	stream.indirect.gather [hbm4b:s3+s13], $0x40, s21, s13, $0xb8;
	[tilespmem:$0x18880] =	vst v63  }
0x59: {  	_ =	swait.ge [sflag:s26], $0x1F40  }
0x5a: {  	s1 =	simm.s32 $0xFFFFDF80;
	s17 =	simm.s32 $0xFFFF8800;
	[sflag:s26] =	ssyncset.done $0x0  }
.LBB2_2:
0x5b: {  	s19 =	sadd.s32 $0x2800, s1  }
0x5c: {  	[sflag:s26] =	ssyncadd.s32 $0xFFFFE0C0;
	s21 =	smov.u32 s17;
	s4 =	sadd.s32 $0xA00, s17  }
0x5d: {  	[tilespmem:s14], [sflag:$0x1] =	stream.indirect.gather [hbm4b:s3+s13], $0x40, s19, s13, $0xb8;
	[tilespmem:$0x18880] =	vst v63  }
0x5e: {  	p1 =	sne.s32 s17, $0xFFFFF600;
	_ =	swait.ge [sflag:s29], $0x1F40  }
0x5f: {  	[sflag:s29] =	ssyncset.done $0x0  }
0x60: {  	s17 =	sadd.s32 $0x2880, s1;
	[sflag:s29] =	ssyncadd.s32 $0xFFFFE0C0  }
0x61: {  	[tilespmem:s16], [sflag:$0x2] =	stream.indirect.gather [hbm4b:s3+s13], $0x40, s17, s13, $0xb8;
	[tilespmem:$0x18880] =	vst v63  }
0x62: {  	_ =	swait.ge [sflag:s31], $0x1F40  }
0x63: {  	[sflag:s31] =	ssyncset.done $0x0  }
0x64: {  	s17 =	sadd.s32 $0x2900, s1;
	[sflag:s31] =	ssyncadd.s32 $0xFFFFE0C0  }
0x65: {  	[tilespmem:s18], [sflag:$0x3] =	stream.indirect.gather [hbm4b:s3+s13], $0x40, s17, s13, $0xb8;
	[tilespmem:$0x18880] =	vst v63  }
0x66: {  	_ =	swait.ge [sflag:s15], $0x1F40  }
0x67: {  	[sflag:s15] =	ssyncset.done $0x0  }
0x68: {  	s17 =	sadd.s32 $0x2980, s1;
	[sflag:s15] =	ssyncadd.s32 $0xFFFFE0C0  }
0x69: {  	[tilespmem:s20], [sflag:$0x4] =	stream.indirect.gather [hbm4b:s3+s13], $0x40, s17, s13, $0xb8;
	[tilespmem:$0x18880] =	vst v63  }
0x6a: {  	_ =	swait.ge [sflag:s24], $0x1F40  }
.Ltmp0:
0x6b: {  	[sflag:s24] =	ssyncset.done $0x0;
	(pc) =	sbr.rel @p1 .LBB2_2-.Ltmp0, $4  }
0x6c: {  	s1 =	sadd.s32 $0x2A00, s1;
	[sflag:s24] =	ssyncadd.s32 $0xFFFFE0C0  }
0x6d: {  	[tilespmem:s22], [sflag:$0x5] =	stream.indirect.gather [hbm4b:s3+s13], $0x40, s1, s13, $0xb8;
	[tilespmem:$0x18880] =	vst v63  }
0x6e: {  	_ =	swait.ge [sflag:s26], $0x1F40  }
0x6f: {  	s17 =	smov.u32 s4;
	s1 =	sshra.s32 s21, $0x2;
	[sflag:s26] =	ssyncset.done $0x0  }
0x70: {  	s4 =	sadd.s32 $0x2800, s1;
	[sflag:s26] =	ssyncadd.s32 $0xFFFFE0C0  }
0x71: {  	[tilespmem:s14], [sflag:$0x1] =	stream.indirect.gather [hbm4b:s3+s13], $0x40, s4, s13, $0xb8;
	[tilespmem:$0x18880] =	vst v63  }
0x72: {  	_ =	swait.ge [sflag:s29], $0x1F40  }
0x73: {  	[sflag:s29] =	ssyncset.done $0x0  }
0x74: {  	s17 =	sadd.s32 $0x2880, s1;
	[sflag:s29] =	ssyncadd.s32 $0xFFFFE0C0  }
0x75: {  	[tilespmem:s16], [sflag:$0x2] =	stream.indirect.gather [hbm4b:s3+s13], $0x40, s17, s13, $0xb8;
	[tilespmem:$0x18880] =	vst v63  }
0x76: {  	_ =	swait.ge [sflag:s31], $0x1F40  }
0x77: {  	[sflag:s31] =	ssyncset.done $0x0  }
0x78: {  	s19 =	sadd.s32 $0x2900, s1;
	[sflag:s31] =	ssyncadd.s32 $0xFFFFE0C0  }
0x79: {  	[tilespmem:s18], [sflag:$0x3] =	stream.indirect.gather [hbm4b:s3+s13], $0x40, s19, s13, $0xb8;
	[tilespmem:$0x18880] =	vst v63  }
0x7a: {  	_ =	swait.ge [sflag:s15], $0x1F40  }
0x7b: {  	[sflag:s15] =	ssyncset.done $0x0  }
0x7c: {  	s21 =	sadd.s32 $0x2980, s1;
	[sflag:s15] =	ssyncadd.s32 $0xFFFFE0C0  }
0x7d: {  	[tilespmem:s20], [sflag:$0x4] =	stream.indirect.gather [hbm4b:s3+s13], $0x40, s21, s13, $0xb8;
	[tilespmem:$0x18880] =	vst v63  }
0x7e: {  	_ =	swait.ge [sflag:s24], $0x1F40  }
0x7f: {  	[sflag:s24] =	ssyncset.done $0x0  }
0x80: {  	s17 =	sadd.s32 $0x2A00, s1;
	[sflag:s24] =	ssyncadd.s32 $0xFFFFE0C0  }
0x81: {  	[tilespmem:s22], [sflag:$0x5] =	stream.indirect.gather [hbm4b:s3+s13], $0x40, s17, s13, $0xb8;
	[tilespmem:$0x18880] =	vst v63  }
0x82: {  	_ =	swait.ge [sflag:s26], $0x1F40  }
0x83: {  	[sflag:s26] =	ssyncset.done $0x0  }
0x84: {  	[sflag:s26] =	ssyncadd.s32 $0xFFFFE0C0  }
0x85: {  	_ =	swait.ge [sflag:s29], $0x1F40  }
0x86: {  	[sflag:s29] =	ssyncset.done $0x0  }
0x87: {  	[sflag:s29] =	ssyncadd.s32 $0xFFFFE0C0  }
0x88: {  	_ =	swait.ge [sflag:s31], $0x1F40  }
0x89: {  	[sflag:s31] =	ssyncset.done $0x0  }
0x8a: {  	[sflag:s31] =	ssyncadd.s32 $0xFFFFE0C0  }
0x8b: {  	_ =	swait.ge [sflag:s15], $0x1F40  }
0x8c: {  	[sflag:s15] =	ssyncset.done $0x0  }
0x8d: {  	[sflag:s15] =	ssyncadd.s32 $0xFFFFE0C0  }
0x8e: {  	s19 =	simm.s32 $0x10;
	s21 =	simm.s32 $0x8;
	[bflag:$0x0] =	sbarrier.arrive $0xFFFF  }
0x8f: {  	[hbm:s25@s19], [sflag:s28] =	dma.strided [spmem:s0@s21], $0x1380, s24, $0x8   }
0x90: {  	s23 =	sadd.s32 $0x1, s23;
	s4 =	simm.s32 @!p0 $0x10;
	_ =	swait.ge [sflag:s12], $0x1380  }
0x91: {  	p1 =	sne.s32 s23, s11;
	s1 =	simm.s32 @!p0 $0x1;
	[sflag:s12] =	ssyncset.done $0x0  }
0x92: {  	s17 =	simm.s32 @!p0 $0x8;
	s0 =	sadd.s32 @!p0 $0x27000, s10;
	[sflag:s12] =	ssyncadd.s32 $0xFFFFEC80  }
0x93: {  	[hbm:s0@s4], [sflag:s28] =	dma.strided @!p0 [spmem:s30@s17], $0x80, s1, $0x8   }
.Ltmp1:
0x94: {  	_ = 	snop;
	(pc) =	sbr.rel @p1 .LBB2_1-.Ltmp1, $4  }
0x95: {  	s0 =	simm.s32 @!p0 $0x6  }
0x96: {  	_ =	swait.ge @!p0 [sflag:s0], $0x80  }
0x97: {  	[sflag:s0] =	ssyncset.done @!p0 $0x0  }
0x98: {  	[sflag:s0] =	ssyncadd.s32 @!p0 $0xFFFFFF80  }
0x99: {  	_ =	sfence.sel $0x180000  }
0x9a: {  	[bflag:$0x0] =	sbarrier.arrive $0xFFFF  }
0x9b: {  	_ =	strace $0x9000004D  }
0x9c: {  	s0 =	stileid.u32;
	[bflag:$0x2] =	sbarrier.arrive $0xFFFF  }
0x9d: {  	p0 =	sne.s32 s0, $0x0;
	s0 =	rddreg [dreg:$0x3]  }
0x9e: {  	s0 =	sadd.s32 @!p0 $0x100000, s0  }
0x9f: {  	[sflag:s0] =	ssyncadd.tile.s32 @!p0 $0x1;
	_ =	shalt  }
.Lfunc_end2:
_tile_overlayer_lowered:
.L_overlay_start_2:
0xa0: {  	(tag) =	ssettag $0x2  }
0xa1: {  	s0 =	rddreg [dreg:$0x0];
	s2 =	stileid.u32  }
0xa2: {  	s1 =	rddreg [dreg:$0x1];
	p0 =	sne.s32 s2, $0x0  }
0xa3: {  	s3 =	rddreg [dreg:$0x2];
	[bflag:$0x3] =	sbarrier.arrive $0xFFFF;
	s2 =	simm.s32 @!p0 $0x1C06  }
0xa4: {  	[timem:s3], [sflag:s2] =	dma.local @!p0 [hbm:s0], s1  }
0xa5: {  	s0 =	simm.s32 @!p0 $0x6  }
0xa6: {  	_ =	swait.ge @!p0 [sflag:s0], s1  }
0xa7: {  	s1 =	ssub.s32 @!p0 $0x0, s1;
	[sflag:s0] =	ssyncset.done @!p0 $0x0  }
0xa8: {  	[sflag:s0] =	ssyncadd.s32 @!p0 s1  }
0xa9: {  	[bflag:$0x3] =	sbarrier.arrive $0xFFFF  }
0xaa: {  	_ =	shalt  }

// kernel: kernel.8.cloned.1.call-start
scs
__scs_entry_jumppad:
0x0: {  	(pc) =	sbr.rel $0x88, $3  }
0x1: {  	(tag) =	ssettag $0x0;
	lr =	simm.s32 $0x1  }
0x2: {  	[smem:$0x3F92] =	sst lr;
	_ =	strace $0xD0000000  }
0x3: {  	_ = 	snop  }
0x4: {  	_ = 	snop  }
0x5: {  	_ = 	snop  }
0x6: {  	_ = 	snop  }
0x7: {  	_ = 	snop  }
__scs_overlays_trampoline_lowered:
0x8: {  	[smem:$0x3FA1] =	sst s0  }
0x9: {  	[smem:$0x3FA2] =	sst s1  }
0xa: {  	[smem:$0x3FA3] =	sst s2  }
0xb: {  	[smem:$0x3FA4] =	sst s3  }
0xc: {  	[smem:$0x3FA5] =	sst s4  }
0xd: {  	[smem:$0x3FA6] =	sst s5  }
0xe: {  	[smem:$0x3FA7] =	sst s6  }
0xf: {  	[smem:$0x3FA8] =	sst s7  }
0x10: {  	[smem:$0x3FA9] =	sst s8  }
0x11: {  	[smem:$0x3FAA] =	sst s9;
	s0 =	simm.s32 @!p0 $0x0  }
0x12: {  	s1 =	sld [smem:$0x3F90];
	s0 =	simm.s32 @p0 $0x1  }
0x13: {  	[smem:$0x3FAB] =	sst s0;
	s0 =	simm.s32 @!p1 $0x0  }
0x14: {  	s2 =	sld [smem:$0x3F8F];
	s0 =	simm.s32 @p1 $0x1  }
0x15: {  	[smem:$0x3FAC] =	sst s0;
	s0 =	simm.s32 @!p2 $0x0  }
0x16: {  	s3 =	sld [smem:$0x3FDB];
	s0 =	simm.s32 @p2 $0x1  }
0x17: {  	s4 =	simm.s32 $0x1BF5;
	[smem:$0x3FAE] =	sst s0  }
0x18: {  	s0 =	sld [smem:$0x3F91];
	_ =	swait.ge [sflag:s4], $0x0  }
0x19: {  	s7 =	sld [smem:$0x3F92]  }
0x1a: {  	s8 =	sadd.s32 $0xFFFFE003, lr  }
0x1b: {  	s9 =	sadd.s32 $0xFFFFFEF7, lr;
	s5 =	simm.s32 $0xFFFFFFFF;
	p2 =	slt.u32 s8, $0xFFFFF086  }
0x1c: {  	p1 =	slt.u32 s9, $0xF7A;
	s5 =	simm.s32 @!p2 $0x0  }
0x1d: {  	s5 =	simm.s32 @p1 $0x1;
	p0 =	seq.s32 s7, s2  }
0x1e: {  	s7 =	smul.u32 @!p0 $0xF7A, s2;
	p2 =	seq.s32 @!p0 s5, $0x0  }
0x1f: {  	s9 =	smul.u32 $0xF7A, s1;
	s8 =	simm.s32 @!p0 $0x1BF5;
	p2 =	por !p2, p0  }
0x20: {  	[sflag:s8] =	ssyncset.s32 @!p0 $0xFFFFF086;
	s6 =	sadd.s32 @!p0 s3, s7;
	s7 =	simm.s32 @!p0 $0x108  }
0x21: {  	s3 =	sadd.s32 s3, s9;
	s6 =	sadd.s32 @!p0 $0x88, s6;
	s7 =	simm.s32 @p2 $0x1082  }
0x22: {  	[simem:s7], [sflag:s8] =	dma.local @!p0 [hbm:s6], $0xF7A  }
0x23: {  	s9 =	sor.u32 $0xD0000000, s2;
	s6 =	simm.s32 $0x108;
	_ =	swait.ge @!p0 [sflag:s8], $0x0  }
0x24: {  	s3 =	sadd.s32 $0x88, s3;
	s6 =	simm.s32 @!p1 $0x1082;
	[sflag:s4] =	ssyncset.s32 $0xFFFFF086  }
0x25: {  	[simem:s6], [sflag:s4] =	dma.local [hbm:s3], $0xF7A  }
0x26: {  	[smem:$0x3F92] =	sst s1;
	(tag) =	ssettag s2;
	_ =	strace s9  }
0x27: {  	s1 =	sld [smem:$0x3FA2]  }
0x28: {  	s2 =	sld [smem:$0x3FA3]  }
0x29: {  	s4 =	sld [smem:$0x3FA5]  }
0x2a: {  	p0 =	seq.s32 s5, $0x0;
	s5 =	sld [smem:$0x3FA6]  }
0x2b: {  	s6 =	sld [smem:$0x3FA7]  }
0x2c: {  	s7 =	sld [smem:$0x3FA8]  }
0x2d: {  	s3 =	simm.s32 $0x108;
	s8 =	sld [smem:$0x3FA9]  }
0x2e: {  	s3 =	simm.s32 @!p0 $0x1082;
	s9 =	sld [smem:$0x3FAA]  }
0x2f: {  	lr =	sadd.s32 s0, s3;
	s0 =	sld [smem:$0x3FA1]  }
0x30: {  	s3 =	sld [smem:$0x3FA4]  }
0x31: {  	[smem:$0x3FAD] =	sst s10  }
0x32: {  	s10 =	sld [smem:$0x3FAB];
	_ =	sdelay $0x3  }
0x33: {  	p0 =	seq.s32 s10, $0x1;
	s10 =	sld [smem:$0x3FAD];
	_ =	sdelay $0x3  }
0x34: {  	[smem:$0x3FAD] =	sst s10  }
0x35: {  	s10 =	sld [smem:$0x3FAC];
	_ =	sdelay $0x3  }
0x36: {  	p1 =	seq.s32 s10, $0x1;
	s10 =	sld [smem:$0x3FAD];
	_ =	sdelay $0x3  }
0x37: {  	[smem:$0x3FAD] =	sst s10  }
0x38: {  	s10 =	sld [smem:$0x3FAE]  }
0x39: {  	_ = 	snop;
	(pc) =	sbr.ind lr, $3  }
0x3a: {  	_ = 	snop  }
0x3b: {  	_ = 	snop  }
0x3c: {  	p2 =	seq.s32 s10, $0x1;
	s10 =	sld [smem:$0x3FAD]  }
0x3d: {  	_ =	shalt  }
0x3e: {  	_ =	shalt  }
0x3f: {  	_ =	shalt  }
0x40: {  	_ =	shalt  }
0x41: {  	_ =	shalt  }
0x42: {  	_ =	shalt  }
0x43: {  	_ =	shalt  }
0x44: {  	_ =	shalt  }
0x45: {  	_ =	shalt  }
0x46: {  	_ =	shalt  }
0x47: {  	_ =	shalt  }
0x48: {  	_ =	shalt  }
0x49: {  	_ =	shalt  }
0x4a: {  	_ =	shalt  }
0x4b: {  	_ =	shalt  }
0x4c: {  	_ =	shalt  }
0x4d: {  	_ =	shalt  }
0x4e: {  	_ =	shalt  }
0x4f: {  	_ =	shalt  }
0x50: {  	_ =	shalt  }
0x51: {  	_ =	shalt  }
0x52: {  	_ =	shalt  }
0x53: {  	_ =	shalt  }
0x54: {  	_ =	shalt  }
0x55: {  	_ =	shalt  }
0x56: {  	_ =	shalt  }
0x57: {  	_ =	shalt  }
0x58: {  	_ =	shalt  }
0x59: {  	_ =	shalt  }
0x5a: {  	_ =	shalt  }
0x5b: {  	_ =	shalt  }
0x5c: {  	_ =	shalt  }
0x5d: {  	_ =	shalt  }
0x5e: {  	_ =	shalt  }
0x5f: {  	_ =	shalt  }
0x60: {  	_ =	shalt  }
0x61: {  	_ =	shalt  }
0x62: {  	_ =	shalt  }
0x63: {  	_ =	shalt  }
0x64: {  	_ =	shalt  }
0x65: {  	_ =	shalt  }
0x66: {  	_ =	shalt  }
0x67: {  	_ =	shalt  }
0x68: {  	_ =	shalt  }
0x69: {  	_ =	shalt  }
0x6a: {  	_ =	shalt  }
0x6b: {  	_ =	shalt  }
0x6c: {  	_ =	shalt  }
0x6d: {  	_ =	shalt  }
0x6e: {  	_ =	shalt  }
0x6f: {  	_ =	shalt  }
0x70: {  	_ =	shalt  }
0x71: {  	_ =	shalt  }
0x72: {  	_ =	shalt  }
0x73: {  	_ =	shalt  }
0x74: {  	_ =	shalt  }
0x75: {  	_ =	shalt  }
0x76: {  	_ =	shalt  }
0x77: {  	_ =	shalt  }
0x78: {  	_ =	shalt  }
0x79: {  	_ =	shalt  }
0x7a: {  	_ =	shalt  }
0x7b: {  	_ =	shalt  }
0x7c: {  	_ =	shalt  }
0x7d: {  	_ =	shalt  }
0x7e: {  	_ =	shalt  }
0x7f: {  	_ =	shalt  }
0x80: {  	_ =	shalt  }
0x81: {  	_ =	shalt  }
0x82: {  	_ =	shalt  }
0x83: {  	_ =	shalt  }
0x84: {  	_ =	shalt  }
0x85: {  	_ =	shalt  }
0x86: {  	_ =	shalt  }
0x87: {  	_ =	shalt  }
.Lfunc_end0:
.L_simem_size_0:
called_computation_lowered:
.L_overlay_start_0:
0x88: {  	s2 =	sld [smem:$0x3FD9]  }
0x89: {  	s3 =	sld [smem:$0x3FFE];
	_ =	sdelay $0x1  }
0x8a: {  	s1 =	srdreg.scid  }
0x8b: {  	s0 =	sand.u32 $0x1, s1  }
0x8c: {  	s17 =	sshll.u32 s0, $0xA;
	s2 =	sadd.s32 s3, s2  }
0x8d: {  	s2 =	sadd.s32 s2, s17  }
0x8e: {  	[smem:$0x3FB9] =	sst s2  }
0x8f: {  	_ = 	snop  }
0x90: {  	s2 =	sld [smem:$0x3FC9]  }
0x91: {  	s18 =	sld [smem:$0x3FD0];
	(tm) =	ssettm $0x1  }
0x92: {  	s4 =	sld [smem:$0x3FFB];
	_ =	sdelay $0x3  }
0x93: {  	_ =	strace s4  }
0x94: {  	s4 =	sld [smem:$0x3FFC];
	_ =	sdelay $0x3  }
0x95: {  	_ =	strace s4  }
0x96: {  	s4 =	sld [smem:$0x3FFD];
	_ =	sdelay $0x3  }
0x97: {  	_ =	strace s4  }
0x98: {  	_ =	strace $0x8FFFFFFF  }
0x99: {  	s19 =	sld [smem:$0x3FDB];
	_ =	sdelay $0x1  }
0x9a: {  	s5 =	simm.s32 $_scs_section_size  }
0x9b: {  	s6 =	simm.s32 $_size__tile_overlayer_lowered;
	s7 =	simm.s32 $_tile_overlayer_lowered  }
0x9c: {  	s22 =	simm.s32 $0x1BFF;
	s21 =	sshll.u32 s7, $0x1;
	s4 =	sadd.s32 s5, s19  }
0x9d: {  	s8 =	simm.s32 $0x0;
	s20 =	sshll.u32 s6, $0x1;
	s6 =	sadd.s32 s21, s4  }
0x9e: {  	[timem:s8], [sflag:s22] =	dma.local [hbm:s6], s20  }
0x9f: {  	_ =	swait.ge [sflag:s22], s20  }
0xa0: {  	s5 =	ssub.s32 $0x0, s20;
	[sflag:s22] =	ssyncset.done $0x0  }
0xa1: {  	[sflag:s22] =	ssyncadd.s32 s5;
	_ =	sdelay $0x1  }
0xa2: {  	s23 =	simm.s32 $0x1B8B  }
0xa3: {  	_ =	swait.ge [sflag:s23], $0x1  }
0xa4: {  	[sflag:s23] =	ssyncset.done $0x0  }
0xa5: {  	s25 =	simm.s32 $0x1B8E;
	s24 =	sld [smem:$0x3FFE];
	[sflag:s23] =	ssyncadd.s32 $0xFFFFFFFF  }
0xa6: {  	s26 =	simm.s32 $execute0_lowered;
	[smem:$0x3FD2] =	sst s25  }
0xa7: {  	s6 =	sshll.u32 s26, $0x1;
	_ =	strace $0x80000046;
	[dreg:$0x1] =	wrdreg $0xFFFFFFFF  }
0xa8: {  	s28 =	simm.s32 $_size_execute0_lowered;
	s4 =	sadd.s32 s4, s6;
	[dreg:$0x0] =	wrdreg $0x0  }
0xa9: {  	s6 =	sshll.u32 s28, $0x1;
	[dreg:$0x2] =	wrdreg s4  }
0xaa: {  	[dreg:$0x3] =	wrdreg s6  }
0xab: {  	[dreg:$0x4] =	wrdreg $0xC0  }
0xac: {  	_ =	task [dreg:s8], $0x5FFFF  }
0xad: {  	[dreg:$0x1] =	wrdreg $0xFFFFFFFF  }
0xae: {  	[dreg:$0x0] =	wrdreg $0x60  }
0xaf: {  	[dreg:$0x2] =	wrdreg s2  }
0xb0: {  	[dreg:$0x3] =	wrdreg s24  }
0xb1: {  	[dreg:$0x4] =	wrdreg s18  }
0xb2: {  	[dreg:$0x5] =	wrdreg $0x13C400  }
0xb3: {  	[dreg:$0x6] =	wrdreg $0x1D9000  }
0xb4: {  	[dreg:$0x7] =	wrdreg $0x9  }
0xb5: {  	_ =	task.clear_ibuf [dreg:s8], $0x8FFFF;
	_ =	strace $0x90000046  }
0xb6: {  	s29 =	simm.s32 $0x9;
	_ =	strace $0x80000048  }
0xb7: {  	_ =	swait.ge [sflag:s29], $0x1  }
0xb8: {  	[sflag:s29] =	ssyncadd.s32 $0xFFFFFFFF  }
0xb9: {  	_ =	strace $0x90000048  }
0xba: {  	_ =	sfence  }
0xbb: {  	s30 =	sld [smem:$0x0];
	_ =	sdelay $0x2  }
0xbc: {  	s31 =	sshll.u32 s1, $0xD;
	s1 =	sshrl.u32 s1, $0x2  }
0xbd: {  	s3 =	sand.u32 $0x4000, s31;
	s1 =	sadd.s32 s1, s30  }
0xbe: {  	s0 =	sor.u32 s3, s0;
	s1 =	sshll.u32 s1, $0x11  }
0xbf: {  	s0 =	sor.u32 s1, s0  }
0xc0: {  	s0 =	sadd.s32 $0x8F2B, s0  }
0xc1: {  	[sflag:s0] =	ssyncadd.remote.s32 $0x1  }
0xc2: {  	_ =	sfence.sel $0xFFFF  }
0xc3: {  	[dreg:$0x0] =	wrdreg $0xFFFFFFFF;
	(pc) =	sbr.abs _section_cstart, $3  }
0xc4: {  	[dreg:$0x1] =	wrdreg $0xFFFFFFFF  }
0xc5: {  	_ =	task.clear_ibuf [dreg:s8], $0x2FFFF;
	_ =	strace $0x9FFFFFFF  }
0xc6: {  	(tm) =	ssettm $0x7FFFFFFF  }
0xc7: {  	_ =	shalt  }
tec
execute0_lowered:
.L_overlay_start_1:
0x0: {  	(tag) =	ssettag $0x1  }
0x1: {  	s0 =	rddreg [dreg:$0x0]  }
0x2: {  	s1 =	rddreg [dreg:$0x1]  }
0x3: {  	s2 =	rddreg [dreg:$0x2]  }
0x4: {  	s3 =	srdreg.scid;
	s18 =	stileid.u32  }
0x5: {  	s10 =	rddreg [dreg:$0x3];
	s4 =	simm.s32 $0x0;
	s29 =	simm.s32 $0x1  }
0x6: {  	s30 =	simm.s32 $0x2;
	s31 =	simm.s32 $0x3;
	s20 =	simm.s32 $0x0  }
0x7: {  	s17 =	sand.u32 $0x1, s3;
	s6 =	smul.u32 $0x5000, s18;
	s3 =	rddreg [dreg:$0x4]  }
0x8: {  	s8 =	smul.u32 $0x9C00, s18;
	[smem:$0x7FF] =	sst s4;
	s22 =	sadd.s32 $0x2C200, s1  }
0x9: {  	s28 =	smul.u32 $0x2700, s18;
	p0 =	seq.s32 s18, $0x0;
	p5 =	sne.s32 s18, $0xF  }
0xa: {  	s5 =	smul.u32 $0x50000, s17;
	_ =	strace $0x80000047;
	s11 =	sshll.u32 s17, $0x3  }
0xb: {  	s12 =	smul.u32 $0x4E2, s17;
	[dreg:$0x6] =	wrdreg s22;
	s23 =	ssub.s32 $0x2, s17  }
0xc: {  	p1 =	seq.s32 s17, $0x0;
	p2 =	sne.s32 @!p0 s18, $0xF;
	s17 =	simm.s32 $0x5  }
0xd: {  	s21 =	sshrl.u32 s8, $0x3;
	s13 =	sadd.s32 s11, s1;
	s24 =	sshrl.u32 s23, $0x1  }
0xe: {  	s15 =	sshrl.u32 s6, $0x3;
	s26 =	sadd.s32 s8, s10;
	s10 =	sadd.s32 $0x9C000, s10  }
0xf: {  	s11 =	sadd.s32 $0x2C000, s1;
	p3 =	por p2, p0;
	p2 =	por !p2, p0  }
0x10: {  	s5 =	sadd.s32 s6, s5;
	s9 =	sadd.s32 s21, s1;
	s14 =	sadd.s32 s12, s1  }
0x11: {  	s16 =	ssub.s32 s23, s24;
	s2 =	sadd.s32 s2, s15;
	[dreg:$0x9] =	wrdreg s26  }
0x12: {  	s12 =	sadd.s32 $0x2D200, s13;
	s15 =	simm.s32 $0x6;
	s23 =	simm.s32 $0xFDC0  }
0x13: {  	s5 =	sshrl.u32 s5, $0x3;
	[dreg:$0x8] =	wrdreg s2;
	s9 =	sadd.s32 $0x18800, s9  }
.Ltmp0:
0x14: {  	s13 =	sadd.s32 $0x2C800, s14;
	s2 =	simm.s32 @!p3 $0x0;
	(pc) =	sbr.rel .LBB2_1-.Ltmp0, $4  }
0x15: {  	s14 =	smax.u32 s16, $0x1;
	s7 =	sadd.s32 s5, s1;
	s2 =	simm.s32 @p3 $0x1  }
0x16: {  	s25 =	sadd.s32 $0x4800, s7;
	[smem:$0x7FC] =	sst s2;
	s2 =	simm.s32 @!p2 $0x0  }
0x17: {  	s16 =	simm.s32 $0x7D;
	[dreg:$0x7] =	wrdreg s25;
	s2 =	simm.s32 @p2 $0x1  }
0x18: {  	v0 =	vimm.f32 $1.000000000e+00;
	s25 =	sadd.s32 s28, s12;
	[smem:$0x7FD] =	sst s2;
	s2 =	simm.s32 $0x4  }
.LBB2_4:
0x19: {  	[bflag:$0x0] =	sbarrier.arrive $0xFFFF;
	s5 =	simm.s32 $0x10;
	s6 =	simm.s32 $0x8  }
0x1a: {  	[hbm:s25@s5], [sflag:s1] =	dma.strided [spmem:s21@s6], $0x1380, s29, $0x8   }
0x1b: {  	s7 =	simm.s32 @!p5 $0x1;
	_ =	swait.ge [sflag:s15], $0x1380  }
0x1c: {  	s8 =	simm.s32 @!p5 $0x10;
	s18 =	simm.s32 @!p5 $0x8;
	[sflag:s15] =	ssyncset.done $0x0  }
0x1d: {  	s5 =	sadd.s32 @!p5 $0x27000, s12;
	s6 =	sshrl.u32 @!p5 s10, $0x3;
	[sflag:s15] =	ssyncadd.s32 $0xFFFFEC80  }
0x1e: {  	[hbm:s5@s8], [sflag:s1] =	dma.strided @!p5 [spmem:s6@s18], $0x80, s7, $0x8   }
0x1f: {  	s5 =	simm.s32 @!p5 $0x6  }
0x20: {  	_ =	swait.ge @!p5 [sflag:s5], $0x80  }
0x21: {  	s20 =	sadd.s32 $0x1, s20;
	[sflag:s5] =	ssyncset.done @!p5 $0x0  }
0x22: {  	p2 =	sne.s32 s20, s14;
	[sflag:s5] =	ssyncadd.s32 @!p5 $0xFFFFFF80;
	s5 =	sshrl.u32 @p6 s3, $0x3  }
0x23: {  	[hbm:s13], [sflag:s1] =	dma.local @p6 [spmem:s5], $0x4E2  }
.Ltmp1:
0x24: {  	_ = 	snop;
	(pc) =	sbr.rel @!p2 .LBB2_5-.Ltmp1, $4  }
0x25: {  	s1 =	simm.s32 @p6 $0x6  }
0x26: {  	_ =	swait.ge @p6 [sflag:s1], $0x4E2  }
0x27: {  	[sflag:s1] =	ssyncset.done @p6 $0x0  }
0x28: {  	[sflag:s1] =	ssyncadd.s32 @p6 $0xFFFFFB1E  }
.LBB2_1:
0x29: {  	s1 =	rddreg [dreg:$0x7]  }
0x2a: {  	[tilespmem:s4], [sflag:$0x6] =	stream.linear.gather [hbm4b:s1+s4], $0x5000, $0x38;
	[tilespmem:$0x1DB78] =	vst v63  }
0x2b: {  	_ =	swait.ge [sflag:s15], $0x5000  }
0x2c: {  	[sflag:s15] =	ssyncset.done $0x0  }
0x2d: {  	s26 =	simm.s32 $0xA000;
	[sflag:s15] =	ssyncadd.s32 $0xFFFFB000  }
0x2e: {  	[tilespmem:s26], [sflag:$0x1] =	stream.indirect.gather [hbm4b:s0+s16], $0x40, s4, s16, $0xb8;
	[tilespmem:$0x1DB78] =	vst v63  }
0x2f: {  	s28 =	simm.s32 $0x80;
	s5 =	simm.s32 $0xBF40  }
0x30: {  	[tilespmem:s5], [sflag:$0x2] =	stream.indirect.gather [hbm4b:s0+s16], $0x40, s28, s16, $0xb8;
	[tilespmem:$0x1DB78] =	vst v63  }
0x31: {  	s6 =	simm.s32 $0xDE80;
	s5 =	simm.s32 $0x100  }
0x32: {  	[tilespmem:s6], [sflag:$0x3] =	stream.indirect.gather [hbm4b:s0+s16], $0x40, s5, s16, $0xb8;
	[tilespmem:$0x1DB78] =	vst v63  }
0x33: {  	s7 =	simm.s32 $0x180  }
0x34: {  	[tilespmem:s23], [sflag:$0x4] =	stream.indirect.gather [hbm4b:s0+s16], $0x40, s7, s16, $0xb8;
	[tilespmem:$0x1DB78] =	vst v63  }
0x35: {  	s8 =	simm.s32 $0x200;
	s18 =	simm.s32 $0x11D00  }
0x36: {  	[tilespmem:s18], [sflag:$0x5] =	stream.indirect.gather [hbm4b:s0+s16], $0x40, s8, s16, $0xb8;
	[tilespmem:$0x1DB78] =	vst v63  }
0x37: {  	s21 =	simm.s32 $0x5000;
	s19 =	rddreg [dreg:$0x8]  }
0x38: {  	[tilespmem:s21], [sflag:$0x6] =	stream.linear.gather [hbm4b:s19+s4], $0x5000, $0x38;
	[tilespmem:$0x1DB78] =	vst v63  }
0x39: {  	s22 =	stileid.u32;
	_ =	swait.ge [sflag:s15], $0x5000  }
0x3a: {  	s1 =	sshll.u32 s22, $0x6;
	[sflag:s15] =	ssyncset.done $0x0;
	s24 =	rddreg [dreg:$0x9]  }
0x3b: {  	s1 =	sor.u32 $0x1C06, s1;
	[sflag:s15] =	ssyncadd.s32 $0xFFFFB000;
	s21 =	sshrl.u32 s24, $0x3  }
0x3c: {  	[spmem:s21], [sflag:s1] =	dma.local [hbm:s9], $0x1380  }
0x3d: {  	_ =	swait.ge [sflag:s15], $0x1380  }
0x3e: {  	[sflag:s15] =	ssyncset.done $0x0  }
0x3f: {  	s22 =	sshrl.u32 @p0 s3, $0x3;
	s5 =	rddreg [dreg:$0x6];
	[sflag:s15] =	ssyncadd.s32 $0xFFFFEC80  }
0x40: {  	[spmem:s22], [sflag:s1] =	dma.local @p0 [hbm:s5], $0x4E2  }
0x41: {  	s22 =	simm.s32 @p0 $0x6  }
0x42: {  	_ =	swait.ge @p0 [sflag:s22], $0x4E2  }
0x43: {  	s26 =	sld [smem:$0x7FC];
	_ =	sdelay $0x2  }
0x44: {  	[sflag:s22] =	ssyncset.done @p0 $0x0;
	p2 =	seq.s32 s26, $0x1  }
0x45: {  	[sflag:s22] =	ssyncadd.s32 @p0 $0xFFFFFB1E;
	s22 =	sshrl.u32 @!p2 s10, $0x3  }
0x46: {  	[spmem:s22], [sflag:s1] =	dma.local @!p2 [hbm:s11], $0x80  }
0x47: {  	s22 =	simm.s32 @!p2 $0x6  }
0x48: {  	_ =	swait.ge @!p2 [sflag:s22], $0x80  }
0x49: {  	[sflag:s22] =	ssyncset.done @!p2 $0x0  }
0x4a: {  	[sflag:s22] =	ssyncadd.s32 @!p2 $0xFFFFFF80  }
0x4b: {  	[tilespmem:$0x1D880] =	vst v0  }
0x4c: {  	[tilespmem:$0x1D890] =	vst v0  }
0x4d: {  	[tilespmem:$0x1D8A0] =	vst v0  }
0x4e: {  	s28 =	sld [smem:$0x7FD];
	[tilespmem:$0x1D8B0] =	vst v0  }
0x4f: {  	[tilespmem:$0x1D8C0] =	vst v0  }
0x50: {  	[tilespmem:$0x1D8D0] =	vst v0  }
0x51: {  	p3 =	por $0x0, $0x0;
	p2 =	por @!p2 $0x0, $0x0;
	[tilespmem:$0x1D8E0] =	vst v0;
	p4 =	seq.s32 s28, $0x1  }
0x52: {  	p6 =	por @p0 $0x1, $0x1;
	s24 =	simm.s32 $0x0;
	[tilespmem:$0x1D8F0] =	vst v0;
	p2 =	por @!p4 p3, p3  }
0x53: {  	s22 =	simm.s32 $0x0;
	[bflag:$0x0] =	sbarrier.arrive $0xFFFF;
	p6 =	por @!p0 p2, p2  }
.LBB2_2:
0x54: {  	p4 =	sgt.u32 s24, $0xF;
	s26 =	simm.s32 $0x1;
	s28 =	simm.s32 $0x1  }
0x55: {  	_ =	swait.ge [sflag:s29], $0x1F40;
	s26 =	simm.s32 @!p4 $0x0;
	s28 =	simm.s32 @!p1 $0x0  }
0x56: {  	[sflag:s29] =	ssyncset.done $0x0;
	p2 =	seq.s32 s28, s26  }
0x57: {  	[sflag:s29] =	ssyncadd.s32 $0xFFFFE0C0;
	s26 =	sshra.s32 @!p2 s22, $0x2  }
0x58: {  	s28 =	simm.s32 @!p2 $0x7D;
	s18 =	simm.s32 @!p2 $0x1D880;
	s26 =	sadd.s32 @!p2 $0x5000, s26  }
0x59: {  	[spmem:s3] =	stream.indirect.scatter.add.f32 @!p2 [tilespmem:s18], [sflag:$0x6], $0x1, s26, s28, $0xb8;
	[tilespmem:$0x1DB78] =	vst v63  }
0x5a: {  	s18 =	simm.s32 @!p2 $0x6  }
0x5b: {  	_ =	swait.ge @!p2 [sflag:s18], $0x7D  }
0x5c: {  	p3 =	seq.s32 s22, $0x0;
	[sflag:s18] =	ssyncset.done @!p2 $0x0  }
0x5d: {  	s26 =	simm.s32 @!p3 $0x7D;
	[sflag:s18] =	ssyncadd.s32 @!p2 $0xFFFFFF83;
	s18 =	sshra.s32 @!p3 s22, $0x2  }
0x5e: {  	s28 =	simm.s32 @!p3 $0x11D00;
	p2 =	por !p4, !p4;
	s18 =	sadd.s32 @!p3 $0x200, s18  }
0x5f: {  	[tilespmem:s28], [sflag:$0x5] =	stream.indirect.gather @!p3 [hbm4b:s0+s26], $0x40, s18, s26, $0xb8;
	[tilespmem:$0x1DB78] =	vst v63  }
0x60: {  	p2 =	por @!p1 p4, p4;
	_ =	swait.ge [sflag:s30], $0x1F40  }
0x61: {  	s18 =	sshra.s32 @p2 s22, $0x2;
	s28 =	simm.s32 @p2 $0x7D;
	[sflag:s30] =	ssyncset.done $0x0  }
0x62: {  	s19 =	simm.s32 @p2 $0x1D880;
	s26 =	sadd.s32 @p2 $0x5080, s18;
	[sflag:s30] =	ssyncadd.s32 $0xFFFFE0C0  }
0x63: {  	[spmem:s3] =	stream.indirect.scatter.add.f32 @p2 [tilespmem:s19], [sflag:$0x6], $0x1, s26, s28, $0xb8;
	[tilespmem:$0x1DB78] =	vst v63  }
0x64: {  	s26 =	simm.s32 @p2 $0x6  }
0x65: {  	p4 =	seq.s32 s22, $0x13600;
	_ =	swait.ge @p2 [sflag:s26], $0x7D  }
0x66: {  	s5 =	sshra.s32 @!p4 s22, $0x2;
	s7 =	simm.s32 @!p4 $0x7D;
	[sflag:s26] =	ssyncset.done @p2 $0x0  }
0x67: {  	s8 =	simm.s32 @!p4 $0xA000;
	s6 =	sadd.s32 @!p4 $0x280, s5;
	[sflag:s26] =	ssyncadd.s32 @p2 $0xFFFFFF83  }
0x68: {  	[tilespmem:s8], [sflag:$0x1] =	stream.indirect.gather @!p4 [hbm4b:s0+s7], $0x40, s6, s7, $0xb8;
	[tilespmem:$0x1DB78] =	vst v63  }
0x69: {  	_ =	swait.ge [sflag:s31], $0x1F40  }
0x6a: {  	[sflag:s31] =	ssyncset.done $0x0  }
0x6b: {  	s6 =	sadd.s32 @p2 $0x5100, s18;
	[sflag:s31] =	ssyncadd.s32 $0xFFFFE0C0  }
0x6c: {  	[spmem:s3] =	stream.indirect.scatter.add.f32 @p2 [tilespmem:s19], [sflag:$0x6], $0x1, s6, s28, $0xb8;
	[tilespmem:$0x1DB78] =	vst v63  }
0x6d: {  	_ =	swait.ge @p2 [sflag:s26], $0x7D  }
0x6e: {  	[sflag:s26] =	ssyncset.done @p2 $0x0  }
0x6f: {  	s8 =	simm.s32 @!p4 $0xBF40;
	s6 =	sadd.s32 @!p4 $0x300, s5;
	[sflag:s26] =	ssyncadd.s32 @p2 $0xFFFFFF83  }
0x70: {  	[tilespmem:s8], [sflag:$0x2] =	stream.indirect.gather @!p4 [hbm4b:s0+s7], $0x40, s6, s7, $0xb8;
	[tilespmem:$0x1DB78] =	vst v63  }
0x71: {  	_ =	swait.ge [sflag:s2], $0x1F40  }
0x72: {  	[sflag:s2] =	ssyncset.done $0x0  }
0x73: {  	s6 =	sadd.s32 @p2 $0x5180, s18;
	[sflag:s2] =	ssyncadd.s32 $0xFFFFE0C0  }
0x74: {  	[spmem:s3] =	stream.indirect.scatter.add.f32 @p2 [tilespmem:s19], [sflag:$0x6], $0x1, s6, s28, $0xb8;
	[tilespmem:$0x1DB78] =	vst v63  }
0x75: {  	_ =	swait.ge @p2 [sflag:s26], $0x7D  }
0x76: {  	[sflag:s26] =	ssyncset.done @p2 $0x0  }
0x77: {  	s5 =	sadd.s32 @!p4 $0x380, s5;
	s6 =	simm.s32 @!p4 $0xDE80;
	[sflag:s26] =	ssyncadd.s32 @p2 $0xFFFFFF83  }
0x78: {  	[tilespmem:s6], [sflag:$0x3] =	stream.indirect.gather @!p4 [hbm4b:s0+s7], $0x40, s5, s7, $0xb8;
	[tilespmem:$0x1DB78] =	vst v63  }
0x79: {  	_ =	swait.ge [sflag:s17], $0x1F40  }
0x7a: {  	[sflag:s17] =	ssyncset.done $0x0  }
.Ltmp2:
0x7b: {  	s5 =	sadd.s32 @p2 $0x5200, s18;
	[sflag:s17] =	ssyncadd.s32 $0xFFFFE0C0;
	(pc) =	sbr.rel @p4 .LBB2_4-.Ltmp2, $4  }
0x7c: {  	[spmem:s3] =	stream.indirect.scatter.add.f32 @p2 [tilespmem:s19], [sflag:$0x6], $0x1, s5, s28, $0xb8;
	[tilespmem:$0x1DB78] =	vst v63  }
0x7d: {  	_ =	swait.ge @p2 [sflag:s26], $0x7D  }
0x7e: {  	[sflag:s26] =	ssyncset.done @p2 $0x0  }
0x7f: {  	[sflag:s26] =	ssyncadd.s32 @p2 $0xFFFFFF83  }
.Ltmp3:
0x80: {  	(pc) =	sbr.rel .LBB2_2-.Ltmp3, $4  }
0x81: {  	_ = 	snop  }
0x82: {  	s5 =	sshra.s32 s22, $0x2  }
0x83: {  	s24 =	sadd.s32 $0x1, s24;
	s22 =	sadd.s32 $0xA00, s22;
	s5 =	sadd.s32 $0x400, s5  }
0x84: {  	[tilespmem:s23], [sflag:$0x4] =	stream.indirect.gather [hbm4b:s0+s16], $0x40, s5, s16, $0xb8;
	[tilespmem:$0x1DB78] =	vst v63  }
.LBB2_5:
0x85: {  	_ =	sfence.sel $0x180000  }
0x86: {  	[bflag:$0x0] =	sbarrier.arrive $0xFFFF  }
0x87: {  	_ =	strace $0x90000047  }
0x88: {  	s0 =	stileid.u32;
	[bflag:$0x2] =	sbarrier.arrive $0xFFFF  }
0x89: {  	p0 =	sne.s32 s0, $0x0;
	s0 =	rddreg [dreg:$0x5]  }
0x8a: {  	s0 =	sadd.s32 @!p0 $0x100000, s0  }
0x8b: {  	[sflag:s0] =	ssyncadd.tile.s32 @!p0 $0x1;
	_ =	shalt  }
.Lfunc_end2:
_tile_overlayer_lowered:
.L_overlay_start_2:
0x8c: {  	(tag) =	ssettag $0x2  }
0x8d: {  	s0 =	rddreg [dreg:$0x0];
	s2 =	stileid.u32  }
0x8e: {  	s1 =	rddreg [dreg:$0x1];
	p0 =	sne.s32 s2, $0x0  }
0x8f: {  	s3 =	rddreg [dreg:$0x2];
	[bflag:$0x3] =	sbarrier.arrive $0xFFFF;
	s2 =	simm.s32 @!p0 $0x1C06  }
0x90: {  	[timem:s3], [sflag:s2] =	dma.local @!p0 [hbm:s0], s1  }
0x91: {  	s0 =	simm.s32 @!p0 $0x6  }
0x92: {  	_ =	swait.ge @!p0 [sflag:s0], s1  }
0x93: {  	s1 =	ssub.s32 @!p0 $0x0, s1;
	[sflag:s0] =	ssyncset.done @!p0 $0x0  }
0x94: {  	[sflag:s0] =	ssyncadd.s32 @!p0 s1  }
0x95: {  	[bflag:$0x3] =	sbarrier.arrive $0xFFFF  }
0x96: {  	_ =	shalt  }

</sc_bundles>
